<compile_context>
chip_gen: v7x
topology: tpu7x:2x2x1
jax: 0.10.2.dev20260603
libtpu: 0.0.44.dev20260713+nightly
codegen_flags: <defaults>
</compile_context>

<pallas_src>
import jax
import jax.numpy as jnp
from jax import lax
from jax.experimental import pallas as pl
from jax.experimental.pallas import tpu as pltpu
from jax.experimental.pallas import tpu_sc as plsc

N = 10000
D = 256
H = 128
NC = 2
NS = 16
GRP = 128
CHUNK_G = 8
CHUNKS_PER_TILE = 10
E_PAD = NS * CHUNKS_PER_TILE * CHUNK_G * GRP
N_TRASH = 240
N_PAD = N + N_TRASH
ZROWS = N_PAD // NS
WROWS = N_PAD // NS


NBUF = 2


def _sc_body(xlo, xhi, epk, agg_lo, agg_hi, deg0_out, deg1_out,
             agg_sh, deg_sh, e2, r0, r1, ones_v, zvec,
             sg0, sg1, ss0, ss1, sdg):
    c = lax.axis_index("c")
    s = lax.axis_index("s")
    rows = (r0, r1)
    sg = (sg0, sg1)
    ss = (ss0, ss1)

    zero16 = jnp.zeros((16,), jnp.float32)
    one16 = jnp.ones((16,), jnp.float32)

    def _zero_row(r, _):
        for j in range(H // 16):
            r0[r, pl.ds(j * 16, 16)] = zero16
        return _

    lax.fori_loop(0, GRP, _zero_row, None)
    for t in range(640 // 16):
        zvec[pl.ds(t * 16, 16)] = zero16
    for j in range(GRP // 16):
        ones_v[pl.ds(j * 16, 16)] = one16

    zbase = s * ZROWS
    for i in range(ZROWS // GRP):
        pltpu.sync_copy(r0, agg_sh.at[pl.ds(zbase + i * GRP, GRP)])
    rem = ZROWS % GRP
    if rem:
        pltpu.sync_copy(r0.at[pl.ds(0, rem)],
                        agg_sh.at[pl.ds(zbase + (ZROWS // GRP) * GRP, rem)])
    pltpu.sync_copy(zvec.at[pl.ds(0, ZROWS)], deg_sh.at[pl.ds(zbase, ZROWS)])
    plsc.subcore_barrier()

    def _edges(x_ref, deg_par):
        def _chunk(i, carry):
            g0 = (s * CHUNKS_PER_TILE + i) * CHUNK_G
            pltpu.sync_copy(epk.at[:, pl.ds(g0, CHUNK_G)], e2)
            deg_d = []
            gat = [pltpu.async_copy(x_ref.at[e2.at[0, j]], rows[j], sg[j])
                   for j in range(NBUF)]
            sca = [None] * NBUF
            for g in range(CHUNK_G):
                j = g % NBUF
                gat[j].wait()
                if g + NBUF < CHUNK_G:
                    sca[j] = pltpu.async_copy(
                        rows[j], agg_sh.at[e2.at[1, g]], ss[j], add=True)
                    if g % 2 == deg_par:
                        deg_d.append(pltpu.async_copy(
                            ones_v, deg_sh.at[e2.at[1, g]], sdg, add=True))
                    sca[j].wait()
                    gat[j] = pltpu.async_copy(
                        x_ref.at[e2.at[0, g + NBUF]], rows[j], sg[j])
                else:
                    sca[j] = pltpu.async_copy(
                        rows[j], agg_sh.at[e2.at[1, g]], ss[j], add=True)
                    if g % 2 == deg_par:
                        deg_d.append(pltpu.async_copy(
                            ones_v, deg_sh.at[e2.at[1, g]], sdg, add=True))
            for j in range(NBUF):
                sca[j].wait()
            for d in deg_d:
                d.wait()
            return carry

        lax.fori_loop(0, CHUNKS_PER_TILE, _chunk, None)

    @pl.when(c == 0)
    def _():
        _edges(xlo, 0)

    @pl.when(c == 1)
    def _():
        _edges(xhi, 1)

    plsc.subcore_barrier()

    wbase = s * WROWS

    @pl.when(c == 0)
    def _():
        pltpu.sync_copy(agg_sh.at[pl.ds(wbase, WROWS)],
                        agg_lo.at[pl.ds(wbase, WROWS)])

    @pl.when(c == 1)
    def _():
        pltpu.sync_copy(agg_sh.at[pl.ds(wbase, WROWS)],
                        agg_hi.at[pl.ds(wbase, WROWS)])

    @pl.when(c == 0)
    def _():
        pltpu.sync_copy(deg_sh.at[pl.ds(s * WROWS, WROWS)],
                        zvec.at[pl.ds(0, WROWS)])
        pltpu.sync_copy(zvec.at[pl.ds(0, WROWS)],
                        deg0_out.at[pl.ds(s * WROWS, WROWS)])

    @pl.when(c == 1)
    def _():
        pltpu.sync_copy(deg_sh.at[pl.ds(s * WROWS, WROWS)],
                        zvec.at[pl.ds(0, WROWS)])
        pltpu.sync_copy(zvec.at[pl.ds(0, WROWS)],
                        deg1_out.at[pl.ds(s * WROWS, WROWS)])


_sc_agg = pl.kernel(
    _sc_body,
    out_type=(
        jax.ShapeDtypeStruct((N_PAD, H), jnp.float32),
        jax.ShapeDtypeStruct((N_PAD, H), jnp.float32),
        jax.ShapeDtypeStruct((N_PAD,), jnp.float32),
        jax.ShapeDtypeStruct((N_PAD,), jnp.float32),
    ),
    mesh=plsc.VectorSubcoreMesh(core_axis_name="c", subcore_axis_name="s",
                                num_cores=NC, num_subcores=NS),
    scratch_types=(
        pltpu.VMEM_SHARED((N_PAD, H), jnp.float32),
        pltpu.VMEM_SHARED((N_PAD,), jnp.float32),
        pltpu.VMEM((2, CHUNK_G, GRP), jnp.int32),
        pltpu.VMEM((GRP, H), jnp.float32),
        pltpu.VMEM((GRP, H), jnp.float32),
        pltpu.VMEM((GRP,), jnp.float32),
        pltpu.VMEM((640,), jnp.float32),
        pltpu.SemaphoreType.DMA,
        pltpu.SemaphoreType.DMA,
        pltpu.SemaphoreType.DMA,
        pltpu.SemaphoreType.DMA,
        pltpu.SemaphoreType.DMA,
    ),
)


def _tc_body(agg_lo, agg_hi, deg0, deg1, w, b, gamma, beta, out):
    d = deg0[...] + deg1[...]
    rt = jnp.transpose(1.0 / jnp.maximum(d, 1.0))
    for k in range(ROWS_BLK // 128):
        rk = rt[:, k:k + 1]
        al = agg_lo[pl.ds(k * 128, 128), :] * rk
        ah = agg_hi[pl.ds(k * 128, 128), :] * rk
        h = (jnp.dot(al, w[0:H, :], preferred_element_type=jnp.float32)
             + jnp.dot(ah, w[H:D, :], preferred_element_type=jnp.float32)
             + b[...])
        mu = jnp.mean(h, axis=1, keepdims=True)
        var = jnp.mean((h - mu) * (h - mu), axis=1, keepdims=True)
        hn = (h - mu) * lax.rsqrt(var + 1e-5) * gamma[...] + beta[...]
        out[pl.ds(k * 128, 128), :] = jnp.maximum(hn, 0.0)


ROWS_BLK = 1024


def _tc_tail(agg_lo, agg_hi, deg0, deg1, W, b, gamma, beta):
    grid = N_PAD // ROWS_BLK
    return pl.pallas_call(
        _tc_body,
        grid=(grid,),
        in_specs=[
            pl.BlockSpec((ROWS_BLK, H), lambda i: (i, 0)),
            pl.BlockSpec((ROWS_BLK, H), lambda i: (i, 0)),
            pl.BlockSpec((ROWS_BLK // 128, 128), lambda i: (i, 0)),
            pl.BlockSpec((ROWS_BLK // 128, 128), lambda i: (i, 0)),
            pl.BlockSpec((D, D), lambda i: (0, 0)),
            pl.BlockSpec((1, D), lambda i: (0, 0)),
            pl.BlockSpec((1, D), lambda i: (0, 0)),
            pl.BlockSpec((1, D), lambda i: (0, 0)),
        ],
        out_specs=pl.BlockSpec((ROWS_BLK, D), lambda i: (i, 0)),
        out_shape=jax.ShapeDtypeStruct((N, D), jnp.float32),
    )(agg_lo, agg_hi, deg0, deg1, W, b, gamma, beta)


def kernel(x, edge_index, W, b, gamma, beta):
    xlo = x[:, :H]
    xhi = x[:, H:]
    npad = E_PAD - edge_index.shape[1]
    ar = jnp.arange(npad, dtype=jnp.int32)
    pads = jnp.stack([ar % N, N + ar % N_TRASH])
    epk = jnp.concatenate([edge_index, pads], axis=1).reshape(2, E_PAD // GRP, GRP)
    agg_lo, agg_hi, deg0, deg1 = _sc_agg(xlo, xhi, epk)
    return _tc_tail(agg_lo, agg_hi, deg0.reshape(N_PAD // 128, 128),
                    deg1.reshape(N_PAD // 128, 128),
                    W, b.reshape(1, D), gamma.reshape(1, D),
                    beta.reshape(1, D))

# --- scband reference (transcript-rebuilt; emitter-appended) ---
"""Pipeline reference for scband-conv-block-7902739824903 (READ-ONLY COPY).

The authoritative reference and input builder live on the scoring server;
editing this copy changes nothing except your own understanding.
"""

import jax, jax.numpy as jnp
import numpy as np

N_NODES = 10000
N_EDGES = 160000
D_FEAT = 256


def setup_inputs(seed: int = 0) -> dict:
    key = jax.random.key(seed)
    k1, k2, k3 = jax.random.split(key, 3)
    x = jax.random.normal(k1, (N_NODES, D_FEAT), dtype=jnp.float32)
    edge_index = jax.random.randint(k2, (2, N_EDGES), 0, N_NODES, dtype=jnp.int32)
    W = jax.random.normal(k3, (D_FEAT, D_FEAT), dtype=jnp.float32) * (1.0 / np.sqrt(D_FEAT))
    b = jnp.zeros((D_FEAT,), dtype=jnp.float32)
    gamma = jnp.ones((D_FEAT,), dtype=jnp.float32)
    beta = jnp.zeros((D_FEAT,), dtype=jnp.float32)
    return {"x": x, "edge_index": edge_index, "W": W, "b": b, "gamma": gamma, "beta": beta}


def reference(x, edge_index, W, b, gamma, beta):
    # ConvBlock.forward: conv(graph, features) -> norm -> act -> dropout(identity at eval)
    # conv = mean-aggregation GraphConv with dense projection (in=out=256)
    N = x.shape[0]
    src = edge_index[0]
    dst = edge_index[1]
    # message passing: gather source features, scatter-add to destination nodes
    msgs = jnp.take(x, src, axis=0)
    agg = jax.ops.segment_sum(msgs, dst, num_segments=N)
    deg = jax.ops.segment_sum(jnp.ones((src.shape[0],), dtype=x.dtype), dst, num_segments=N)
    h = agg / jnp.maximum(deg, 1.0)[:, None]
    # dense projection (conv weight)
    h = h @ W + b
    # norms: LayerNorm over feature dim
    mu = jnp.mean(h, axis=-1, keepdims=True)
    var = jnp.var(h, axis=-1, keepdims=True)
    h = (h - mu) / jnp.sqrt(var + 1e-5) * gamma + beta
    # act: ReLU
    h = jax.nn.relu(h)
    # dropout: identity (eval mode / p=0.0)
    return h

if __name__ == "__main__":
    import jax
    _d = setup_inputs()
    print(jax.jit(kernel)(*tuple(_d.values())))

</pallas_src>

<mosaic_0001>
#map = affine_map<(d0, d1) -> (0, 0)>
#map1 = affine_map<(d0, d1) -> (0, 0, 0)>
#map2 = affine_map<(d0, d1) -> (0)>
module attributes {stable_mosaic.version = 14 : i64} {
  func.func @_sc_body(%arg0: i32, %arg1: i32, %arg2: memref<10000x128xf32, #tpu.memory_space<hbm>>, %arg3: memref<10000x128xf32, #tpu.memory_space<hbm>>, %arg4: memref<2x1280x128xi32, #tpu.memory_space<hbm>>, %arg5: memref<10240x128xf32, #tpu.memory_space<hbm>>, %arg6: memref<10240x128xf32, #tpu.memory_space<hbm>>, %arg7: memref<10240xf32, #tpu.memory_space<hbm>>, %arg8: memref<10240xf32, #tpu.memory_space<hbm>>, %arg9: memref<10240x128xf32, #tpu.memory_space<vmem_shared>>, %arg10: memref<10240xf32, #tpu.memory_space<vmem_shared>>, %arg11: memref<2x8x128xi32, #tpu.memory_space<vmem>>, %arg12: memref<128x128xf32, #tpu.memory_space<vmem>>, %arg13: memref<128x128xf32, #tpu.memory_space<vmem>>, %arg14: memref<128xf32, #tpu.memory_space<vmem>>, %arg15: memref<640xf32, #tpu.memory_space<vmem>>, %arg16: memref<!tpu.dma_semaphore, #tpu.memory_space<semaphore_mem>>, %arg17: memref<!tpu.dma_semaphore, #tpu.memory_space<semaphore_mem>>, %arg18: memref<!tpu.dma_semaphore, #tpu.memory_space<semaphore_mem>>, %arg19: memref<!tpu.dma_semaphore, #tpu.memory_space<semaphore_mem>>, %arg20: memref<!tpu.dma_semaphore, #tpu.memory_space<semaphore_mem>>) attributes {dimension_semantics = [#tpu.dimension_semantics<core_parallel>, #tpu.dimension_semantics<subcore_parallel>], iteration_bounds = array<i64: 2, 16>, scalar_prefetch = 0 : i64, scratch_operands = 12 : i64, tpu.core_type = #tpu.core_type<sc_vector_subcore>, window_params = [{transform_indices = #map}, {transform_indices = #map}, {transform_indices = #map1}, {transform_indices = #map}, {transform_indices = #map}, {transform_indices = #map2}, {transform_indices = #map2}]} {
    %broadcast_in_dim3A = arith.constant 0.000000e+00 : f32
    %broadcast_in_dim3A_0 = vector.broadcast %broadcast_in_dim3A : f32 to vector<16xf32>
    %broadcast_in_dim3A_1 = arith.constant 1.000000e+00 : f32
    %broadcast_in_dim3A_2 = vector.broadcast %broadcast_in_dim3A_1 : f32 to vector<16xf32>
    %scan3A = arith.constant 0 : i32
    %scan3A_3 = arith.constant 128 : i32
    %scan3A_4 = arith.addi %scan3A, %scan3A_3 : i32
    %scan3A_5 = arith.constant 1 : i32
    scf.for %scan3A_238 = %scan3A to %scan3A_4 step %scan3A_5  : i32 {
      %swap3A_239 = arith.index_cast %scan3A_238 : i32 to index
      %swap3A_240 = arith.constant 0 : index
      %swap3A_241 = tpu.vector_load %arg12[%swap3A_239, %swap3A_240] {strides = array<i32>} : memref<128x128xf32, #tpu.memory_space<vmem>>, vector<1x16xf32>,
      %swap3A_242 = vector.shape_cast %swap3A_241 : vector<1x16xf32> to vector<16xf32>
      %swap3A_243 = vector.shape_cast %broadcast_in_dim3A_0 : vector<16xf32> to vector<1x16xf32>
      tpu.vector_store %arg12[%swap3A_239, %swap3A_240], %swap3A_243 {strides = array<i32>} : memref<128x128xf32, #tpu.memory_space<vmem>>, vector<1x16xf32>,
      %swap3A_244 = arith.index_cast %scan3A_238 : i32 to index
      %swap3A_245 = arith.constant 16 : index
      %swap3A_246 = tpu.vector_load %arg12[%swap3A_244, %swap3A_245] {strides = array<i32>} : memref<128x128xf32, #tpu.memory_space<vmem>>, vector<1x16xf32>,
      %swap3A_247 = vector.shape_cast %swap3A_246 : vector<1x16xf32> to vector<16xf32>
      %swap3A_248 = vector.shape_cast %broadcast_in_dim3A_0 : vector<16xf32> to vector<1x16xf32>
      tpu.vector_store %arg12[%swap3A_244, %swap3A_245], %swap3A_248 {strides = array<i32>} : memref<128x128xf32, #tpu.memory_space<vmem>>, vector<1x16xf32>,
      %swap3A_249 = arith.index_cast %scan3A_238 : i32 to index
      %swap3A_250 = arith.constant 32 : index
      %swap3A_251 = tpu.vector_load %arg12[%swap3A_249, %swap3A_250] {strides = array<i32>} : memref<128x128xf32, #tpu.memory_space<vmem>>, vector<1x16xf32>,
      %swap3A_252 = vector.shape_cast %swap3A_251 : vector<1x16xf32> to vector<16xf32>
      %swap3A_253 = vector.shape_cast %broadcast_in_dim3A_0 : vector<16xf32> to vector<1x16xf32>
      tpu.vector_store %arg12[%swap3A_249, %swap3A_250], %swap3A_253 {strides = array<i32>} : memref<128x128xf32, #tpu.memory_space<vmem>>, vector<1x16xf32>,
      %swap3A_254 = arith.index_cast %scan3A_238 : i32 to index
      %swap3A_255 = arith.constant 48 : index
      %swap3A_256 = tpu.vector_load %arg12[%swap3A_254, %swap3A_255] {strides = array<i32>} : memref<128x128xf32, #tpu.memory_space<vmem>>, vector<1x16xf32>,
      %swap3A_257 = vector.shape_cast %swap3A_256 : vector<1x16xf32> to vector<16xf32>
      %swap3A_258 = vector.shape_cast %broadcast_in_dim3A_0 : vector<16xf32> to vector<1x16xf32>
      tpu.vector_store %arg12[%swap3A_254, %swap3A_255], %swap3A_258 {strides = array<i32>} : memref<128x128xf32, #tpu.memory_space<vmem>>, vector<1x16xf32>,
      %swap3A_259 = arith.index_cast %scan3A_238 : i32 to index
      %swap3A_260 = arith.constant 64 : index
      %swap3A_261 = tpu.vector_load %arg12[%swap3A_259, %swap3A_260] {strides = array<i32>} : memref<128x128xf32, #tpu.memory_space<vmem>>, vector<1x16xf32>,
      %swap3A_262 = vector.shape_cast %swap3A_261 : vector<1x16xf32> to vector<16xf32>
      %swap3A_263 = vector.shape_cast %broadcast_in_dim3A_0 : vector<16xf32> to vector<1x16xf32>
      tpu.vector_store %arg12[%swap3A_259, %swap3A_260], %swap3A_263 {strides = array<i32>} : memref<128x128xf32, #tpu.memory_space<vmem>>, vector<1x16xf32>,
      %swap3A_264 = arith.index_cast %scan3A_238 : i32 to index
      %swap3A_265 = arith.constant 80 : index
      %swap3A_266 = tpu.vector_load %arg12[%swap3A_264, %swap3A_265] {strides = array<i32>} : memref<128x128xf32, #tpu.memory_space<vmem>>, vector<1x16xf32>,
      %swap3A_267 = vector.shape_cast %swap3A_266 : vector<1x16xf32> to vector<16xf32>
      %swap3A_268 = vector.shape_cast %broadcast_in_dim3A_0 : vector<16xf32> to vector<1x16xf32>
      tpu.vector_store %arg12[%swap3A_264, %swap3A_265], %swap3A_268 {strides = array<i32>} : memref<128x128xf32, #tpu.memory_space<vmem>>, vector<1x16xf32>,
      %swap3A_269 = arith.index_cast %scan3A_238 : i32 to index
      %swap3A_270 = arith.constant 96 : index
      %swap3A_271 = tpu.vector_load %arg12[%swap3A_269, %swap3A_270] {strides = array<i32>} : memref<128x128xf32, #tpu.memory_space<vmem>>, vector<1x16xf32>,
      %swap3A_272 = vector.shape_cast %swap3A_271 : vector<1x16xf32> to vector<16xf32>
      %swap3A_273 = vector.shape_cast %broadcast_in_dim3A_0 : vector<16xf32> to vector<1x16xf32>
      tpu.vector_store %arg12[%swap3A_269, %swap3A_270], %swap3A_273 {strides = array<i32>} : memref<128x128xf32, #tpu.memory_space<vmem>>, vector<1x16xf32>,
      %swap3A_274 = arith.index_cast %scan3A_238 : i32 to index
      %swap3A_275 = arith.constant 112 : index
      %swap3A_276 = tpu.vector_load %arg12[%swap3A_274, %swap3A_275] {strides = array<i32>} : memref<128x128xf32, #tpu.memory_space<vmem>>, vector<1x16xf32>,
      %swap3A_277 = vector.shape_cast %swap3A_276 : vector<1x16xf32> to vector<16xf32>
      %swap3A_278 = vector.shape_cast %broadcast_in_dim3A_0 : vector<16xf32> to vector<1x16xf32>
      tpu.vector_store %arg12[%swap3A_274, %swap3A_275], %swap3A_278 {strides = array<i32>} : memref<128x128xf32, #tpu.memory_space<vmem>>, vector<1x16xf32>,
    }
    %scan3A_6 = arith.constant 128 : i32
    %swap3A = arith.constant 0 : index
    %swap3A_7 = tpu.vector_load %arg15[%swap3A] {strides = array<i32>} : memref<640xf32, #tpu.memory_space<vmem>>, vector<16xf32>,
    %swap3A_8 = vector.shape_cast %swap3A_7 : vector<16xf32> to vector<16xf32>
    %swap3A_9 = vector.shape_cast %broadcast_in_dim3A_0 : vector<16xf32> to vector<16xf32>
    tpu.vector_store %arg15[%swap3A], %swap3A_9 {strides = array<i32>} : memref<640xf32, #tpu.memory_space<vmem>>, vector<16xf32>,
    %swap3A_10 = arith.constant 16 : index
    %swap3A_11 = tpu.vector_load %arg15[%swap3A_10] {strides = array<i32>} : memref<640xf32, #tpu.memory_space<vmem>>, vector<16xf32>,
    %swap3A_12 = vector.shape_cast %swap3A_11 : vector<16xf32> to vector<16xf32>
    %swap3A_13 = vector.shape_cast %broadcast_in_dim3A_0 : vector<16xf32> to vector<16xf32>
    tpu.vector_store %arg15[%swap3A_10], %swap3A_13 {strides = array<i32>} : memref<640xf32, #tpu.memory_space<vmem>>, vector<16xf32>,
    %swap3A_14 = arith.constant 32 : index
    %swap3A_15 = tpu.vector_load %arg15[%swap3A_14] {strides = array<i32>} : memref<640xf32, #tpu.memory_space<vmem>>, vector<16xf32>,
    %swap3A_16 = vector.shape_cast %swap3A_15 : vector<16xf32> to vector<16xf32>
    %swap3A_17 = vector.shape_cast %broadcast_in_dim3A_0 : vector<16xf32> to vector<16xf32>
    tpu.vector_store %arg15[%swap3A_14], %swap3A_17 {strides = array<i32>} : memref<640xf32, #tpu.memory_space<vmem>>, vector<16xf32>,
    %swap3A_18 = arith.constant 48 : index
    %swap3A_19 = tpu.vector_load %arg15[%swap3A_18] {strides = array<i32>} : memref<640xf32, #tpu.memory_space<vmem>>, vector<16xf32>,
    %swap3A_20 = vector.shape_cast %swap3A_19 : vector<16xf32> to vector<16xf32>
    %swap3A_21 = vector.shape_cast %broadcast_in_dim3A_0 : vector<16xf32> to vector<16xf32>
    tpu.vector_store %arg15[%swap3A_18], %swap3A_21 {strides = array<i32>} : memref<640xf32, #tpu.memory_space<vmem>>, vector<16xf32>,
    %swap3A_22 = arith.constant 64 : index
    %swap3A_23 = tpu.vector_load %arg15[%swap3A_22] {strides = array<i32>} : memref<640xf32, #tpu.memory_space<vmem>>, vector<16xf32>,
    %swap3A_24 = vector.shape_cast %swap3A_23 : vector<16xf32> to vector<16xf32>
    %swap3A_25 = vector.shape_cast %broadcast_in_dim3A_0 : vector<16xf32> to vector<16xf32>
    tpu.vector_store %arg15[%swap3A_22], %swap3A_25 {strides = array<i32>} : memref<640xf32, #tpu.memory_space<vmem>>, vector<16xf32>,
    %swap3A_26 = arith.constant 80 : index
    %swap3A_27 = tpu.vector_load %arg15[%swap3A_26] {strides = array<i32>} : memref<640xf32, #tpu.memory_space<vmem>>, vector<16xf32>,
    %swap3A_28 = vector.shape_cast %swap3A_27 : vector<16xf32> to vector<16xf32>
    %swap3A_29 = vector.shape_cast %broadcast_in_dim3A_0 : vector<16xf32> to vector<16xf32>
    tpu.vector_store %arg15[%swap3A_26], %swap3A_29 {strides = array<i32>} : memref<640xf32, #tpu.memory_space<vmem>>, vector<16xf32>,
    %swap3A_30 = arith.constant 96 : index
    %swap3A_31 = tpu.vector_load %arg15[%swap3A_30] {strides = array<i32>} : memref<640xf32, #tpu.memory_space<vmem>>, vector<16xf32>,
    %swap3A_32 = vector.shape_cast %swap3A_31 : vector<16xf32> to vector<16xf32>
    %swap3A_33 = vector.shape_cast %broadcast_in_dim3A_0 : vector<16xf32> to vector<16xf32>
    tpu.vector_store %arg15[%swap3A_30], %swap3A_33 {strides = array<i32>} : memref<640xf32, #tpu.memory_space<vmem>>, vector<16xf32>,
    %swap3A_34 = arith.constant 112 : index
    %swap3A_35 = tpu.vector_load %arg15[%swap3A_34] {strides = array<i32>} : memref<640xf32, #tpu.memory_space<vmem>>, vector<16xf32>,
    %swap3A_36 = vector.shape_cast %swap3A_35 : vector<16xf32> to vector<16xf32>
    %swap3A_37 = vector.shape_cast %broadcast_in_dim3A_0 : vector<16xf32> to vector<16xf32>
    tpu.vector_store %arg15[%swap3A_34], %swap3A_37 {strides = array<i32>} : memref<640xf32, #tpu.memory_space<vmem>>, vector<16xf32>,
    %swap3A_38 = arith.constant 128 : index
    %swap3A_39 = tpu.vector_load %arg15[%swap3A_38] {strides = array<i32>} : memref<640xf32, #tpu.memory_space<vmem>>, vector<16xf32>,
    %swap3A_40 = vector.shape_cast %swap3A_39 : vector<16xf32> to vector<16xf32>
    %swap3A_41 = vector.shape_cast %broadcast_in_dim3A_0 : vector<16xf32> to vector<16xf32>
    tpu.vector_store %arg15[%swap3A_38], %swap3A_41 {strides = array<i32>} : memref<640xf32, #tpu.memory_space<vmem>>, vector<16xf32>,
    %swap3A_42 = arith.constant 144 : index
    %swap3A_43 = tpu.vector_load %arg15[%swap3A_42] {strides = array<i32>} : memref<640xf32, #tpu.memory_space<vmem>>, vector<16xf32>,
    %swap3A_44 = vector.shape_cast %swap3A_43 : vector<16xf32> to vector<16xf32>
    %swap3A_45 = vector.shape_cast %broadcast_in_dim3A_0 : vector<16xf32> to vector<16xf32>
    tpu.vector_store %arg15[%swap3A_42], %swap3A_45 {strides = array<i32>} : memref<640xf32, #tpu.memory_space<vmem>>, vector<16xf32>,
    %swap3A_46 = arith.constant 160 : index
    %swap3A_47 = tpu.vector_load %arg15[%swap3A_46] {strides = array<i32>} : memref<640xf32, #tpu.memory_space<vmem>>, vector<16xf32>,
    %swap3A_48 = vector.shape_cast %swap3A_47 : vector<16xf32> to vector<16xf32>
    %swap3A_49 = vector.shape_cast %broadcast_in_dim3A_0 : vector<16xf32> to vector<16xf32>
    tpu.vector_store %arg15[%swap3A_46], %swap3A_49 {strides = array<i32>} : memref<640xf32, #tpu.memory_space<vmem>>, vector<16xf32>,
    %swap3A_50 = arith.constant 176 : index
    %swap3A_51 = tpu.vector_load %arg15[%swap3A_50] {strides = array<i32>} : memref<640xf32, #tpu.memory_space<vmem>>, vector<16xf32>,
    %swap3A_52 = vector.shape_cast %swap3A_51 : vector<16xf32> to vector<16xf32>
    %swap3A_53 = vector.shape_cast %broadcast_in_dim3A_0 : vector<16xf32> to vector<16xf32>
    tpu.vector_store %arg15[%swap3A_50], %swap3A_53 {strides = array<i32>} : memref<640xf32, #tpu.memory_space<vmem>>, vector<16xf32>,
    %swap3A_54 = arith.constant 192 : index
    %swap3A_55 = tpu.vector_load %arg15[%swap3A_54] {strides = array<i32>} : memref<640xf32, #tpu.memory_space<vmem>>, vector<16xf32>,
    %swap3A_56 = vector.shape_cast %swap3A_55 : vector<16xf32> to vector<16xf32>
    %swap3A_57 = vector.shape_cast %broadcast_in_dim3A_0 : vector<16xf32> to vector<16xf32>
    tpu.vector_store %arg15[%swap3A_54], %swap3A_57 {strides = array<i32>} : memref<640xf32, #tpu.memory_space<vmem>>, vector<16xf32>,
    %swap3A_58 = arith.constant 208 : index
    %swap3A_59 = tpu.vector_load %arg15[%swap3A_58] {strides = array<i32>} : memref<640xf32, #tpu.memory_space<vmem>>, vector<16xf32>,
    %swap3A_60 = vector.shape_cast %swap3A_59 : vector<16xf32> to vector<16xf32>
    %swap3A_61 = vector.shape_cast %broadcast_in_dim3A_0 : vector<16xf32> to vector<16xf32>
    tpu.vector_store %arg15[%swap3A_58], %swap3A_61 {strides = array<i32>} : memref<640xf32, #tpu.memory_space<vmem>>, vector<16xf32>,
    %swap3A_62 = arith.constant 224 : index
    %swap3A_63 = tpu.vector_load %arg15[%swap3A_62] {strides = array<i32>} : memref<640xf32, #tpu.memory_space<vmem>>, vector<16xf32>,
    %swap3A_64 = vector.shape_cast %swap3A_63 : vector<16xf32> to vector<16xf32>
    %swap3A_65 = vector.shape_cast %broadcast_in_dim3A_0 : vector<16xf32> to vector<16xf32>
    tpu.vector_store %arg15[%swap3A_62], %swap3A_65 {strides = array<i32>} : memref<640xf32, #tpu.memory_space<vmem>>, vector<16xf32>,
    %swap3A_66 = arith.constant 240 : index
    %swap3A_67 = tpu.vector_load %arg15[%swap3A_66] {strides = array<i32>} : memref<640xf32, #tpu.memory_space<vmem>>, vector<16xf32>,
    %swap3A_68 = vector.shape_cast %swap3A_67 : vector<16xf32> to vector<16xf32>
    %swap3A_69 = vector.shape_cast %broadcast_in_dim3A_0 : vector<16xf32> to vector<16xf32>
    tpu.vector_store %arg15[%swap3A_66], %swap3A_69 {strides = array<i32>} : memref<640xf32, #tpu.memory_space<vmem>>, vector<16xf32>,
    %swap3A_70 = arith.constant 256 : index
    %swap3A_71 = tpu.vector_load %arg15[%swap3A_70] {strides = array<i32>} : memref<640xf32, #tpu.memory_space<vmem>>, vector<16xf32>,
    %swap3A_72 = vector.shape_cast %swap3A_71 : vector<16xf32> to vector<16xf32>
    %swap3A_73 = vector.shape_cast %broadcast_in_dim3A_0 : vector<16xf32> to vector<16xf32>
    tpu.vector_store %arg15[%swap3A_70], %swap3A_73 {strides = array<i32>} : memref<640xf32, #tpu.memory_space<vmem>>, vector<16xf32>,
    %swap3A_74 = arith.constant 272 : index
    %swap3A_75 = tpu.vector_load %arg15[%swap3A_74] {strides = array<i32>} : memref<640xf32, #tpu.memory_space<vmem>>, vector<16xf32>,
    %swap3A_76 = vector.shape_cast %swap3A_75 : vector<16xf32> to vector<16xf32>
    %swap3A_77 = vector.shape_cast %broadcast_in_dim3A_0 : vector<16xf32> to vector<16xf32>
    tpu.vector_store %arg15[%swap3A_74], %swap3A_77 {strides = array<i32>} : memref<640xf32, #tpu.memory_space<vmem>>, vector<16xf32>,
    %swap3A_78 = arith.constant 288 : index
    %swap3A_79 = tpu.vector_load %arg15[%swap3A_78] {strides = array<i32>} : memref<640xf32, #tpu.memory_space<vmem>>, vector<16xf32>,
    %swap3A_80 = vector.shape_cast %swap3A_79 : vector<16xf32> to vector<16xf32>
    %swap3A_81 = vector.shape_cast %broadcast_in_dim3A_0 : vector<16xf32> to vector<16xf32>
    tpu.vector_store %arg15[%swap3A_78], %swap3A_81 {strides = array<i32>} : memref<640xf32, #tpu.memory_space<vmem>>, vector<16xf32>,
    %swap3A_82 = arith.constant 304 : index
    %swap3A_83 = tpu.vector_load %arg15[%swap3A_82] {strides = array<i32>} : memref<640xf32, #tpu.memory_space<vmem>>, vector<16xf32>,
    %swap3A_84 = vector.shape_cast %swap3A_83 : vector<16xf32> to vector<16xf32>
    %swap3A_85 = vector.shape_cast %broadcast_in_dim3A_0 : vector<16xf32> to vector<16xf32>
    tpu.vector_store %arg15[%swap3A_82], %swap3A_85 {strides = array<i32>} : memref<640xf32, #tpu.memory_space<vmem>>, vector<16xf32>,
    %swap3A_86 = arith.constant 320 : index
    %swap3A_87 = tpu.vector_load %arg15[%swap3A_86] {strides = array<i32>} : memref<640xf32, #tpu.memory_space<vmem>>, vector<16xf32>,
    %swap3A_88 = vector.shape_cast %swap3A_87 : vector<16xf32> to vector<16xf32>
    %swap3A_89 = vector.shape_cast %broadcast_in_dim3A_0 : vector<16xf32> to vector<16xf32>
    tpu.vector_store %arg15[%swap3A_86], %swap3A_89 {strides = array<i32>} : memref<640xf32, #tpu.memory_space<vmem>>, vector<16xf32>,
    %swap3A_90 = arith.constant 336 : index
    %swap3A_91 = tpu.vector_load %arg15[%swap3A_90] {strides = array<i32>} : memref<640xf32, #tpu.memory_space<vmem>>, vector<16xf32>,
    %swap3A_92 = vector.shape_cast %swap3A_91 : vector<16xf32> to vector<16xf32>
    %swap3A_93 = vector.shape_cast %broadcast_in_dim3A_0 : vector<16xf32> to vector<16xf32>
    tpu.vector_store %arg15[%swap3A_90], %swap3A_93 {strides = array<i32>} : memref<640xf32, #tpu.memory_space<vmem>>, vector<16xf32>,
    %swap3A_94 = arith.constant 352 : index
    %swap3A_95 = tpu.vector_load %arg15[%swap3A_94] {strides = array<i32>} : memref<640xf32, #tpu.memory_space<vmem>>, vector<16xf32>,
    %swap3A_96 = vector.shape_cast %swap3A_95 : vector<16xf32> to vector<16xf32>
    %swap3A_97 = vector.shape_cast %broadcast_in_dim3A_0 : vector<16xf32> to vector<16xf32>
    tpu.vector_store %arg15[%swap3A_94], %swap3A_97 {strides = array<i32>} : memref<640xf32, #tpu.memory_space<vmem>>, vector<16xf32>,
    %swap3A_98 = arith.constant 368 : index
    %swap3A_99 = tpu.vector_load %arg15[%swap3A_98] {strides = array<i32>} : memref<640xf32, #tpu.memory_space<vmem>>, vector<16xf32>,
    %swap3A_100 = vector.shape_cast %swap3A_99 : vector<16xf32> to vector<16xf32>
    %swap3A_101 = vector.shape_cast %broadcast_in_dim3A_0 : vector<16xf32> to vector<16xf32>
    tpu.vector_store %arg15[%swap3A_98], %swap3A_101 {strides = array<i32>} : memref<640xf32, #tpu.memory_space<vmem>>, vector<16xf32>,
    %swap3A_102 = arith.constant 384 : index
    %swap3A_103 = tpu.vector_load %arg15[%swap3A_102] {strides = array<i32>} : memref<640xf32, #tpu.memory_space<vmem>>, vector<16xf32>,
    %swap3A_104 = vector.shape_cast %swap3A_103 : vector<16xf32> to vector<16xf32>
    %swap3A_105 = vector.shape_cast %broadcast_in_dim3A_0 : vector<16xf32> to vector<16xf32>
    tpu.vector_store %arg15[%swap3A_102], %swap3A_105 {strides = array<i32>} : memref<640xf32, #tpu.memory_space<vmem>>, vector<16xf32>,
    %swap3A_106 = arith.constant 400 : index
    %swap3A_107 = tpu.vector_load %arg15[%swap3A_106] {strides = array<i32>} : memref<640xf32, #tpu.memory_space<vmem>>, vector<16xf32>,
    %swap3A_108 = vector.shape_cast %swap3A_107 : vector<16xf32> to vector<16xf32>
    %swap3A_109 = vector.shape_cast %broadcast_in_dim3A_0 : vector<16xf32> to vector<16xf32>
    tpu.vector_store %arg15[%swap3A_106], %swap3A_109 {strides = array<i32>} : memref<640xf32, #tpu.memory_space<vmem>>, vector<16xf32>,
    %swap3A_110 = arith.constant 416 : index
    %swap3A_111 = tpu.vector_load %arg15[%swap3A_110] {strides = array<i32>} : memref<640xf32, #tpu.memory_space<vmem>>, vector<16xf32>,
    %swap3A_112 = vector.shape_cast %swap3A_111 : vector<16xf32> to vector<16xf32>
    %swap3A_113 = vector.shape_cast %broadcast_in_dim3A_0 : vector<16xf32> to vector<16xf32>
    tpu.vector_store %arg15[%swap3A_110], %swap3A_113 {strides = array<i32>} : memref<640xf32, #tpu.memory_space<vmem>>, vector<16xf32>,
    %swap3A_114 = arith.constant 432 : index
    %swap3A_115 = tpu.vector_load %arg15[%swap3A_114] {strides = array<i32>} : memref<640xf32, #tpu.memory_space<vmem>>, vector<16xf32>,
    %swap3A_116 = vector.shape_cast %swap3A_115 : vector<16xf32> to vector<16xf32>
    %swap3A_117 = vector.shape_cast %broadcast_in_dim3A_0 : vector<16xf32> to vector<16xf32>
    tpu.vector_store %arg15[%swap3A_114], %swap3A_117 {strides = array<i32>} : memref<640xf32, #tpu.memory_space<vmem>>, vector<16xf32>,
    %swap3A_118 = arith.constant 448 : index
    %swap3A_119 = tpu.vector_load %arg15[%swap3A_118] {strides = array<i32>} : memref<640xf32, #tpu.memory_space<vmem>>, vector<16xf32>,
    %swap3A_120 = vector.shape_cast %swap3A_119 : vector<16xf32> to vector<16xf32>
    %swap3A_121 = vector.shape_cast %broadcast_in_dim3A_0 : vector<16xf32> to vector<16xf32>
    tpu.vector_store %arg15[%swap3A_118], %swap3A_121 {strides = array<i32>} : memref<640xf32, #tpu.memory_space<vmem>>, vector<16xf32>,
    %swap3A_122 = arith.constant 464 : index
    %swap3A_123 = tpu.vector_load %arg15[%swap3A_122] {strides = array<i32>} : memref<640xf32, #tpu.memory_space<vmem>>, vector<16xf32>,
    %swap3A_124 = vector.shape_cast %swap3A_123 : vector<16xf32> to vector<16xf32>
    %swap3A_125 = vector.shape_cast %broadcast_in_dim3A_0 : vector<16xf32> to vector<16xf32>
    tpu.vector_store %arg15[%swap3A_122], %swap3A_125 {strides = array<i32>} : memref<640xf32, #tpu.memory_space<vmem>>, vector<16xf32>,
    %swap3A_126 = arith.constant 480 : index
    %swap3A_127 = tpu.vector_load %arg15[%swap3A_126] {strides = array<i32>} : memref<640xf32, #tpu.memory_space<vmem>>, vector<16xf32>,
    %swap3A_128 = vector.shape_cast %swap3A_127 : vector<16xf32> to vector<16xf32>
    %swap3A_129 = vector.shape_cast %broadcast_in_dim3A_0 : vector<16xf32> to vector<16xf32>
    tpu.vector_store %arg15[%swap3A_126], %swap3A_129 {strides = array<i32>} : memref<640xf32, #tpu.memory_space<vmem>>, vector<16xf32>,
    %swap3A_130 = arith.constant 496 : index
    %swap3A_131 = tpu.vector_load %arg15[%swap3A_130] {strides = array<i32>} : memref<640xf32, #tpu.memory_space<vmem>>, vector<16xf32>,
    %swap3A_132 = vector.shape_cast %swap3A_131 : vector<16xf32> to vector<16xf32>
    %swap3A_133 = vector.shape_cast %broadcast_in_dim3A_0 : vector<16xf32> to vector<16xf32>
    tpu.vector_store %arg15[%swap3A_130], %swap3A_133 {strides = array<i32>} : memref<640xf32, #tpu.memory_space<vmem>>, vector<16xf32>,
    %swap3A_134 = arith.constant 512 : index
    %swap3A_135 = tpu.vector_load %arg15[%swap3A_134] {strides = array<i32>} : memref<640xf32, #tpu.memory_space<vmem>>, vector<16xf32>,
    %swap3A_136 = vector.shape_cast %swap3A_135 : vector<16xf32> to vector<16xf32>
    %swap3A_137 = vector.shape_cast %broadcast_in_dim3A_0 : vector<16xf32> to vector<16xf32>
    tpu.vector_store %arg15[%swap3A_134], %swap3A_137 {strides = array<i32>} : memref<640xf32, #tpu.memory_space<vmem>>, vector<16xf32>,
    %swap3A_138 = arith.constant 528 : index
    %swap3A_139 = tpu.vector_load %arg15[%swap3A_138] {strides = array<i32>} : memref<640xf32, #tpu.memory_space<vmem>>, vector<16xf32>,
    %swap3A_140 = vector.shape_cast %swap3A_139 : vector<16xf32> to vector<16xf32>
    %swap3A_141 = vector.shape_cast %broadcast_in_dim3A_0 : vector<16xf32> to vector<16xf32>
    tpu.vector_store %arg15[%swap3A_138], %swap3A_141 {strides = array<i32>} : memref<640xf32, #tpu.memory_space<vmem>>, vector<16xf32>,
    %swap3A_142 = arith.constant 544 : index
    %swap3A_143 = tpu.vector_load %arg15[%swap3A_142] {strides = array<i32>} : memref<640xf32, #tpu.memory_space<vmem>>, vector<16xf32>,
    %swap3A_144 = vector.shape_cast %swap3A_143 : vector<16xf32> to vector<16xf32>
    %swap3A_145 = vector.shape_cast %broadcast_in_dim3A_0 : vector<16xf32> to vector<16xf32>
    tpu.vector_store %arg15[%swap3A_142], %swap3A_145 {strides = array<i32>} : memref<640xf32, #tpu.memory_space<vmem>>, vector<16xf32>,
    %swap3A_146 = arith.constant 560 : index
    %swap3A_147 = tpu.vector_load %arg15[%swap3A_146] {strides = array<i32>} : memref<640xf32, #tpu.memory_space<vmem>>, vector<16xf32>,
    %swap3A_148 = vector.shape_cast %swap3A_147 : vector<16xf32> to vector<16xf32>
    %swap3A_149 = vector.shape_cast %broadcast_in_dim3A_0 : vector<16xf32> to vector<16xf32>
    tpu.vector_store %arg15[%swap3A_146], %swap3A_149 {strides = array<i32>} : memref<640xf32, #tpu.memory_space<vmem>>, vector<16xf32>,
    %swap3A_150 = arith.constant 576 : index
    %swap3A_151 = tpu.vector_load %arg15[%swap3A_150] {strides = array<i32>} : memref<640xf32, #tpu.memory_space<vmem>>, vector<16xf32>,
    %swap3A_152 = vector.shape_cast %swap3A_151 : vector<16xf32> to vector<16xf32>
    %swap3A_153 = vector.shape_cast %broadcast_in_dim3A_0 : vector<16xf32> to vector<16xf32>
    tpu.vector_store %arg15[%swap3A_150], %swap3A_153 {strides = array<i32>} : memref<640xf32, #tpu.memory_space<vmem>>, vector<16xf32>,
    %swap3A_154 = arith.constant 592 : index
    %swap3A_155 = tpu.vector_load %arg15[%swap3A_154] {strides = array<i32>} : memref<640xf32, #tpu.memory_space<vmem>>, vector<16xf32>,
    %swap3A_156 = vector.shape_cast %swap3A_155 : vector<16xf32> to vector<16xf32>
    %swap3A_157 = vector.shape_cast %broadcast_in_dim3A_0 : vector<16xf32> to vector<16xf32>
    tpu.vector_store %arg15[%swap3A_154], %swap3A_157 {strides = array<i32>} : memref<640xf32, #tpu.memory_space<vmem>>, vector<16xf32>,
    %swap3A_158 = arith.constant 608 : index
    %swap3A_159 = tpu.vector_load %arg15[%swap3A_158] {strides = array<i32>} : memref<640xf32, #tpu.memory_space<vmem>>, vector<16xf32>,
    %swap3A_160 = vector.shape_cast %swap3A_159 : vector<16xf32> to vector<16xf32>
    %swap3A_161 = vector.shape_cast %broadcast_in_dim3A_0 : vector<16xf32> to vector<16xf32>
    tpu.vector_store %arg15[%swap3A_158], %swap3A_161 {strides = array<i32>} : memref<640xf32, #tpu.memory_space<vmem>>, vector<16xf32>,
    %swap3A_162 = arith.constant 624 : index
    %swap3A_163 = tpu.vector_load %arg15[%swap3A_162] {strides = array<i32>} : memref<640xf32, #tpu.memory_space<vmem>>, vector<16xf32>,
    %swap3A_164 = vector.shape_cast %swap3A_163 : vector<16xf32> to vector<16xf32>
    %swap3A_165 = vector.shape_cast %broadcast_in_dim3A_0 : vector<16xf32> to vector<16xf32>
    tpu.vector_store %arg15[%swap3A_162], %swap3A_165 {strides = array<i32>} : memref<640xf32, #tpu.memory_space<vmem>>, vector<16xf32>,
    %swap3A_166 = arith.constant 0 : index
    %swap3A_167 = tpu.vector_load %arg14[%swap3A_166] {strides = array<i32>} : memref<128xf32, #tpu.memory_space<vmem>>, vector<16xf32>,
    %swap3A_168 = vector.shape_cast %swap3A_167 : vector<16xf32> to vector<16xf32>
    %swap3A_169 = vector.shape_cast %broadcast_in_dim3A_2 : vector<16xf32> to vector<16xf32>
    tpu.vector_store %arg14[%swap3A_166], %swap3A_169 {strides = array<i32>} : memref<128xf32, #tpu.memory_space<vmem>>, vector<16xf32>,
    %swap3A_170 = arith.constant 16 : index
    %swap3A_171 = tpu.vector_load %arg14[%swap3A_170] {strides = array<i32>} : memref<128xf32, #tpu.memory_space<vmem>>, vector<16xf32>,
    %swap3A_172 = vector.shape_cast %swap3A_171 : vector<16xf32> to vector<16xf32>
    %swap3A_173 = vector.shape_cast %broadcast_in_dim3A_2 : vector<16xf32> to vector<16xf32>
    tpu.vector_store %arg14[%swap3A_170], %swap3A_173 {strides = array<i32>} : memref<128xf32, #tpu.memory_space<vmem>>, vector<16xf32>,
    %swap3A_174 = arith.constant 32 : index
    %swap3A_175 = tpu.vector_load %arg14[%swap3A_174] {strides = array<i32>} : memref<128xf32, #tpu.memory_space<vmem>>, vector<16xf32>,
    %swap3A_176 = vector.shape_cast %swap3A_175 : vector<16xf32> to vector<16xf32>
    %swap3A_177 = vector.shape_cast %broadcast_in_dim3A_2 : vector<16xf32> to vector<16xf32>
    tpu.vector_store %arg14[%swap3A_174], %swap3A_177 {strides = array<i32>} : memref<128xf32, #tpu.memory_space<vmem>>, vector<16xf32>,
    %swap3A_178 = arith.constant 48 : index
    %swap3A_179 = tpu.vector_load %arg14[%swap3A_178] {strides = array<i32>} : memref<128xf32, #tpu.memory_space<vmem>>, vector<16xf32>,
    %swap3A_180 = vector.shape_cast %swap3A_179 : vector<16xf32> to vector<16xf32>
    %swap3A_181 = vector.shape_cast %broadcast_in_dim3A_2 : vector<16xf32> to vector<16xf32>
    tpu.vector_store %arg14[%swap3A_178], %swap3A_181 {strides = array<i32>} : memref<128xf32, #tpu.memory_space<vmem>>, vector<16xf32>,
    %swap3A_182 = arith.constant 64 : index
    %swap3A_183 = tpu.vector_load %arg14[%swap3A_182] {strides = array<i32>} : memref<128xf32, #tpu.memory_space<vmem>>, vector<16xf32>,
    %swap3A_184 = vector.shape_cast %swap3A_183 : vector<16xf32> to vector<16xf32>
    %swap3A_185 = vector.shape_cast %broadcast_in_dim3A_2 : vector<16xf32> to vector<16xf32>
    tpu.vector_store %arg14[%swap3A_182], %swap3A_185 {strides = array<i32>} : memref<128xf32, #tpu.memory_space<vmem>>, vector<16xf32>,
    %swap3A_186 = arith.constant 80 : index
    %swap3A_187 = tpu.vector_load %arg14[%swap3A_186] {strides = array<i32>} : memref<128xf32, #tpu.memory_space<vmem>>, vector<16xf32>,
    %swap3A_188 = vector.shape_cast %swap3A_187 : vector<16xf32> to vector<16xf32>
    %swap3A_189 = vector.shape_cast %broadcast_in_dim3A_2 : vector<16xf32> to vector<16xf32>
    tpu.vector_store %arg14[%swap3A_186], %swap3A_189 {strides = array<i32>} : memref<128xf32, #tpu.memory_space<vmem>>, vector<16xf32>,
    %swap3A_190 = arith.constant 96 : index
    %swap3A_191 = tpu.vector_load %arg14[%swap3A_190] {strides = array<i32>} : memref<128xf32, #tpu.memory_space<vmem>>, vector<16xf32>,
    %swap3A_192 = vector.shape_cast %swap3A_191 : vector<16xf32> to vector<16xf32>
    %swap3A_193 = vector.shape_cast %broadcast_in_dim3A_2 : vector<16xf32> to vector<16xf32>
    tpu.vector_store %arg14[%swap3A_190], %swap3A_193 {strides = array<i32>} : memref<128xf32, #tpu.memory_space<vmem>>, vector<16xf32>,
    %swap3A_194 = arith.constant 112 : index
    %swap3A_195 = tpu.vector_load %arg14[%swap3A_194] {strides = array<i32>} : memref<128xf32, #tpu.memory_space<vmem>>, vector<16xf32>,
    %swap3A_196 = vector.shape_cast %swap3A_195 : vector<16xf32> to vector<16xf32>
    %swap3A_197 = vector.shape_cast %broadcast_in_dim3A_2 : vector<16xf32> to vector<16xf32>
    tpu.vector_store %arg14[%swap3A_194], %swap3A_197 {strides = array<i32>} : memref<128xf32, #tpu.memory_space<vmem>>, vector<16xf32>,
    %mul3A = arith.constant 640 : i32
    %mul3A_198 = arith.muli %arg1, %mul3A : i32
    %add3A = arith.constant 0 : i32
    %add3A_199 = arith.addi %mul3A_198, %add3A : i32
    "tpu.region"() ({
      %run_scoped3A = tpu.sem_alloc : memref<!tpu.dma_semaphore, #tpu.memory_space<semaphore_mem>>
      %dma_start3A = arith.constant 0 : i32
      %dma_start3A_238 = tpu.memref_slice %arg9[%add3A_199, %dma_start3A] : memref<10240x128xf32, #tpu.memory_space<vmem_shared>> -> memref<128x128xf32, #tpu.memory_space<vmem_shared>>
      %dma_start3A_239 = arith.constant 0 : i32
      %dma_start3A_240 = tpu.memref_slice %arg9[%add3A_199, %dma_start3A_239] : memref<10240x128xf32, #tpu.memory_space<vmem_shared>> -> memref<128x128xf32, #tpu.memory_space<vmem_shared>>
      tpu.enqueue_dma source(%arg12 : memref<128x128xf32, #tpu.memory_space<vmem>>) target(%dma_start3A_240 : memref<128x128xf32, #tpu.memory_space<vmem_shared>>) target_semaphore(%run_scoped3A : memref<!tpu.dma_semaphore, #tpu.memory_space<semaphore_mem>>)
      %dma_wait3A = arith.constant 0 : i32
      %dma_wait3A_241 = tpu.memref_slice %arg9[%add3A_199, %dma_wait3A] : memref<10240x128xf32, #tpu.memory_space<vmem_shared>> -> memref<128x128xf32, #tpu.memory_space<vmem_shared>>
      %dma_wait3A_242 = arith.constant 0 : i32
      %dma_wait3A_243 = tpu.memref_slice %arg9[%add3A_199, %dma_wait3A_242] : memref<10240x128xf32, #tpu.memory_space<vmem_shared>> -> memref<128x128xf32, #tpu.memory_space<vmem_shared>>
      tpu.wait_dma2 semaphore(%run_scoped3A : memref<!tpu.dma_semaphore, #tpu.memory_space<semaphore_mem>>) src(%arg12 : memref<128x128xf32, #tpu.memory_space<vmem>>) dst(%dma_wait3A_243 : memref<128x128xf32, #tpu.memory_space<vmem_shared>>)
      tpu.yield
    }) : () -> ()
    %add3A_200 = arith.constant 128 : i32
    %add3A_201 = arith.addi %mul3A_198, %add3A_200 : i32
    "tpu.region"() ({
      %run_scoped3A = tpu.sem_alloc : memref<!tpu.dma_semaphore, #tpu.memory_space<semaphore_mem>>
      %dma_start3A = arith.constant 0 : i32
      %dma_start3A_238 = tpu.memref_slice %arg9[%add3A_201, %dma_start3A] : memref<10240x128xf32, #tpu.memory_space<vmem_shared>> -> memref<128x128xf32, #tpu.memory_space<vmem_shared>>
      %dma_start3A_239 = arith.constant 0 : i32
      %dma_start3A_240 = tpu.memref_slice %arg9[%add3A_201, %dma_start3A_239] : memref<10240x128xf32, #tpu.memory_space<vmem_shared>> -> memref<128x128xf32, #tpu.memory_space<vmem_shared>>
      tpu.enqueue_dma source(%arg12 : memref<128x128xf32, #tpu.memory_space<vmem>>) target(%dma_start3A_240 : memref<128x128xf32, #tpu.memory_space<vmem_shared>>) target_semaphore(%run_scoped3A : memref<!tpu.dma_semaphore, #tpu.memory_space<semaphore_mem>>)
      %dma_wait3A = arith.constant 0 : i32
      %dma_wait3A_241 = tpu.memref_slice %arg9[%add3A_201, %dma_wait3A] : memref<10240x128xf32, #tpu.memory_space<vmem_shared>> -> memref<128x128xf32, #tpu.memory_space<vmem_shared>>
      %dma_wait3A_242 = arith.constant 0 : i32
      %dma_wait3A_243 = tpu.memref_slice %arg9[%add3A_201, %dma_wait3A_242] : memref<10240x128xf32, #tpu.memory_space<vmem_shared>> -> memref<128x128xf32, #tpu.memory_space<vmem_shared>>
      tpu.wait_dma2 semaphore(%run_scoped3A : memref<!tpu.dma_semaphore, #tpu.memory_space<semaphore_mem>>) src(%arg12 : memref<128x128xf32, #tpu.memory_space<vmem>>) dst(%dma_wait3A_243 : memref<128x128xf32, #tpu.memory_space<vmem_shared>>)
      tpu.yield
    }) : () -> ()
    %add3A_202 = arith.constant 256 : i32
    %add3A_203 = arith.addi %mul3A_198, %add3A_202 : i32
    "tpu.region"() ({
      %run_scoped3A = tpu.sem_alloc : memref<!tpu.dma_semaphore, #tpu.memory_space<semaphore_mem>>
      %dma_start3A = arith.constant 0 : i32
      %dma_start3A_238 = tpu.memref_slice %arg9[%add3A_203, %dma_start3A] : memref<10240x128xf32, #tpu.memory_space<vmem_shared>> -> memref<128x128xf32, #tpu.memory_space<vmem_shared>>
      %dma_start3A_239 = arith.constant 0 : i32
      %dma_start3A_240 = tpu.memref_slice %arg9[%add3A_203, %dma_start3A_239] : memref<10240x128xf32, #tpu.memory_space<vmem_shared>> -> memref<128x128xf32, #tpu.memory_space<vmem_shared>>
      tpu.enqueue_dma source(%arg12 : memref<128x128xf32, #tpu.memory_space<vmem>>) target(%dma_start3A_240 : memref<128x128xf32, #tpu.memory_space<vmem_shared>>) target_semaphore(%run_scoped3A : memref<!tpu.dma_semaphore, #tpu.memory_space<semaphore_mem>>)
      %dma_wait3A = arith.constant 0 : i32
      %dma_wait3A_241 = tpu.memref_slice %arg9[%add3A_203, %dma_wait3A] : memref<10240x128xf32, #tpu.memory_space<vmem_shared>> -> memref<128x128xf32, #tpu.memory_space<vmem_shared>>
      %dma_wait3A_242 = arith.constant 0 : i32
      %dma_wait3A_243 = tpu.memref_slice %arg9[%add3A_203, %dma_wait3A_242] : memref<10240x128xf32, #tpu.memory_space<vmem_shared>> -> memref<128x128xf32, #tpu.memory_space<vmem_shared>>
      tpu.wait_dma2 semaphore(%run_scoped3A : memref<!tpu.dma_semaphore, #tpu.memory_space<semaphore_mem>>) src(%arg12 : memref<128x128xf32, #tpu.memory_space<vmem>>) dst(%dma_wait3A_243 : memref<128x128xf32, #tpu.memory_space<vmem_shared>>)
      tpu.yield
    }) : () -> ()
    %add3A_204 = arith.constant 384 : i32
    %add3A_205 = arith.addi %mul3A_198, %add3A_204 : i32
    "tpu.region"() ({
      %run_scoped3A = tpu.sem_alloc : memref<!tpu.dma_semaphore, #tpu.memory_space<semaphore_mem>>
      %dma_start3A = arith.constant 0 : i32
      %dma_start3A_238 = tpu.memref_slice %arg9[%add3A_205, %dma_start3A] : memref<10240x128xf32, #tpu.memory_space<vmem_shared>> -> memref<128x128xf32, #tpu.memory_space<vmem_shared>>
      %dma_start3A_239 = arith.constant 0 : i32
      %dma_start3A_240 = tpu.memref_slice %arg9[%add3A_205, %dma_start3A_239] : memref<10240x128xf32, #tpu.memory_space<vmem_shared>> -> memref<128x128xf32, #tpu.memory_space<vmem_shared>>
      tpu.enqueue_dma source(%arg12 : memref<128x128xf32, #tpu.memory_space<vmem>>) target(%dma_start3A_240 : memref<128x128xf32, #tpu.memory_space<vmem_shared>>) target_semaphore(%run_scoped3A : memref<!tpu.dma_semaphore, #tpu.memory_space<semaphore_mem>>)
      %dma_wait3A = arith.constant 0 : i32
      %dma_wait3A_241 = tpu.memref_slice %arg9[%add3A_205, %dma_wait3A] : memref<10240x128xf32, #tpu.memory_space<vmem_shared>> -> memref<128x128xf32, #tpu.memory_space<vmem_shared>>
      %dma_wait3A_242 = arith.constant 0 : i32
      %dma_wait3A_243 = tpu.memref_slice %arg9[%add3A_205, %dma_wait3A_242] : memref<10240x128xf32, #tpu.memory_space<vmem_shared>> -> memref<128x128xf32, #tpu.memory_space<vmem_shared>>
      tpu.wait_dma2 semaphore(%run_scoped3A : memref<!tpu.dma_semaphore, #tpu.memory_space<semaphore_mem>>) src(%arg12 : memref<128x128xf32, #tpu.memory_space<vmem>>) dst(%dma_wait3A_243 : memref<128x128xf32, #tpu.memory_space<vmem_shared>>)
      tpu.yield
    }) : () -> ()
    %add3A_206 = arith.constant 512 : i32
    %add3A_207 = arith.addi %mul3A_198, %add3A_206 : i32
    "tpu.region"() ({
      %run_scoped3A = tpu.sem_alloc : memref<!tpu.dma_semaphore, #tpu.memory_space<semaphore_mem>>
      %dma_start3A = arith.constant 0 : i32
      %dma_start3A_238 = tpu.memref_slice %arg9[%add3A_207, %dma_start3A] : memref<10240x128xf32, #tpu.memory_space<vmem_shared>> -> memref<128x128xf32, #tpu.memory_space<vmem_shared>>
      %dma_start3A_239 = arith.constant 0 : i32
      %dma_start3A_240 = tpu.memref_slice %arg9[%add3A_207, %dma_start3A_239] : memref<10240x128xf32, #tpu.memory_space<vmem_shared>> -> memref<128x128xf32, #tpu.memory_space<vmem_shared>>
      tpu.enqueue_dma source(%arg12 : memref<128x128xf32, #tpu.memory_space<vmem>>) target(%dma_start3A_240 : memref<128x128xf32, #tpu.memory_space<vmem_shared>>) target_semaphore(%run_scoped3A : memref<!tpu.dma_semaphore, #tpu.memory_space<semaphore_mem>>)
      %dma_wait3A = arith.constant 0 : i32
      %dma_wait3A_241 = tpu.memref_slice %arg9[%add3A_207, %dma_wait3A] : memref<10240x128xf32, #tpu.memory_space<vmem_shared>> -> memref<128x128xf32, #tpu.memory_space<vmem_shared>>
      %dma_wait3A_242 = arith.constant 0 : i32
      %dma_wait3A_243 = tpu.memref_slice %arg9[%add3A_207, %dma_wait3A_242] : memref<10240x128xf32, #tpu.memory_space<vmem_shared>> -> memref<128x128xf32, #tpu.memory_space<vmem_shared>>
      tpu.wait_dma2 semaphore(%run_scoped3A : memref<!tpu.dma_semaphore, #tpu.memory_space<semaphore_mem>>) src(%arg12 : memref<128x128xf32, #tpu.memory_space<vmem>>) dst(%dma_wait3A_243 : memref<128x128xf32, #tpu.memory_space<vmem_shared>>)
      tpu.yield
    }) : () -> ()
    "tpu.region"() ({
      %run_scoped3A = tpu.sem_alloc : memref<!tpu.dma_semaphore, #tpu.memory_space<semaphore_mem>>
      %dma_start3A = arith.constant 0 : i32
      %dma_start3A_238 = tpu.memref_slice %arg15[%dma_start3A] : memref<640xf32, #tpu.memory_space<vmem>> -> memref<640xf32, #tpu.memory_space<vmem>>
      %dma_start3A_239 = tpu.memref_slice %arg10[%mul3A_198] : memref<10240xf32, #tpu.memory_space<vmem_shared>> -> memref<640xf32, #tpu.memory_space<vmem_shared>>
      %dma_start3A_240 = tpu.memref_slice %arg10[%mul3A_198] : memref<10240xf32, #tpu.memory_space<vmem_shared>> -> memref<640xf32, #tpu.memory_space<vmem_shared>>
      %dma_start3A_241 = arith.constant 0 : i32
      %dma_start3A_242 = tpu.memref_slice %arg15[%dma_start3A_241] : memref<640xf32, #tpu.memory_space<vmem>> -> memref<640xf32, #tpu.memory_space<vmem>>
      tpu.enqueue_dma source(%dma_start3A_242 : memref<640xf32, #tpu.memory_space<vmem>>) target(%dma_start3A_240 : memref<640xf32, #tpu.memory_space<vmem_shared>>) target_semaphore(%run_scoped3A : memref<!tpu.dma_semaphore, #tpu.memory_space<semaphore_mem>>)
      %dma_wait3A = arith.constant 0 : i32
      %dma_wait3A_243 = tpu.memref_slice %arg15[%dma_wait3A] : memref<640xf32, #tpu.memory_space<vmem>> -> memref<640xf32, #tpu.memory_space<vmem>>
      %dma_wait3A_244 = tpu.memref_slice %arg10[%mul3A_198] : memref<10240xf32, #tpu.memory_space<vmem_shared>> -> memref<640xf32, #tpu.memory_space<vmem_shared>>
      %dma_wait3A_245 = tpu.memref_slice %arg10[%mul3A_198] : memref<10240xf32, #tpu.memory_space<vmem_shared>> -> memref<640xf32, #tpu.memory_space<vmem_shared>>
      %dma_wait3A_246 = arith.constant 0 : i32
      %dma_wait3A_247 = tpu.memref_slice %arg15[%dma_wait3A_246] : memref<640xf32, #tpu.memory_space<vmem>> -> memref<640xf32, #tpu.memory_space<vmem>>
      tpu.wait_dma2 semaphore(%run_scoped3A : memref<!tpu.dma_semaphore, #tpu.memory_space<semaphore_mem>>) src(%dma_wait3A_247 : memref<640xf32, #tpu.memory_space<vmem>>) dst(%dma_wait3A_245 : memref<640xf32, #tpu.memory_space<vmem_shared>>)
      tpu.yield
    }) : () -> ()
    %barrier3A = arith.constant 0 : index
    tpu.barrier barrier_id(%barrier3A)
    %eq3A = arith.constant 0 : i32
    %eq3A_208 = arith.cmpi eq, %arg0, %eq3A : i32
    %convert_element_type3A = arith.extui %eq3A_208 : i1 to i32
    %cond3A = arith.constant 0 : i32
    %cond3A_209 = arith.cmpi ne, %convert_element_type3A, %cond3A : i32
    scf.if %cond3A_209 {
      %scan3A_238 = arith.constant 0 : i32
      %scan3A_239 = arith.constant 10 : i32
      %scan3A_240 = arith.addi %scan3A_238, %scan3A_239 : i32
      %scan3A_241 = arith.constant 1 : i32
      scf.for %scan3A_243 = %scan3A_238 to %scan3A_240 step %scan3A_241  : i32 {
        %mul3A_244 = arith.constant 10 : i32
        %mul3A_245 = arith.muli %arg1, %mul3A_244 : i32
        %add3A_246 = arith.addi %mul3A_245, %scan3A_243 : i32
        %mul3A_247 = arith.constant 8 : i32
        %mul3A_248 = arith.muli %add3A_246, %mul3A_247 : i32
        "tpu.region"() ({
          %run_scoped3A = tpu.sem_alloc : memref<!tpu.dma_semaphore, #tpu.memory_space<semaphore_mem>>
          %dma_start3A_559 = arith.constant 0 : i32
          %dma_start3A_560 = arith.constant 0 : i32
          %dma_start3A_561 = tpu.memref_slice %arg4[%dma_start3A_559, %mul3A_248, %dma_start3A_560] : memref<2x1280x128xi32, #tpu.memory_space<hbm>> -> memref<2x8x128xi32, #tpu.memory_space<hbm>>
          %dma_start3A_562 = arith.constant 0 : i32
          %dma_start3A_563 = arith.constant 0 : i32
          %dma_start3A_564 = tpu.memref_slice %arg4[%dma_start3A_562, %mul3A_248, %dma_start3A_563] : memref<2x1280x128xi32, #tpu.memory_space<hbm>> -> memref<2x8x128xi32, #tpu.memory_space<hbm>>
          tpu.enqueue_dma source(%dma_start3A_564 : memref<2x8x128xi32, #tpu.memory_space<hbm>>) target(%arg11 : memref<2x8x128xi32, #tpu.memory_space<vmem>>) target_semaphore(%run_scoped3A : memref<!tpu.dma_semaphore, #tpu.memory_space<semaphore_mem>>)
          %dma_wait3A_565 = arith.constant 0 : i32
          %dma_wait3A_566 = arith.constant 0 : i32
          %dma_wait3A_567 = tpu.memref_slice %arg4[%dma_wait3A_565, %mul3A_248, %dma_wait3A_566] : memref<2x1280x128xi32, #tpu.memory_space<hbm>> -> memref<2x8x128xi32, #tpu.memory_space<hbm>>
          %dma_wait3A_568 = arith.constant 0 : i32
          %dma_wait3A_569 = arith.constant 0 : i32
          %dma_wait3A_570 = tpu.memref_slice %arg4[%dma_wait3A_568, %mul3A_248, %dma_wait3A_569] : memref<2x1280x128xi32, #tpu.memory_space<hbm>> -> memref<2x8x128xi32, #tpu.memory_space<hbm>>
          tpu.wait_dma2 semaphore(%run_scoped3A : memref<!tpu.dma_semaphore, #tpu.memory_space<semaphore_mem>>) src(%dma_wait3A_570 : memref<2x8x128xi32, #tpu.memory_space<hbm>>) dst(%arg11 : memref<2x8x128xi32, #tpu.memory_space<vmem>>)
          tpu.yield
        }) : () -> ()
        %dma_start3A = arith.constant 0 : i32
        %dma_start3A_249 = arith.constant 0 : i32
        %dma_start3A_250 = arith.constant 0 : i32
        %dma_start3A_251 = tpu.memref_slice %arg11[%dma_start3A, %dma_start3A_249, %dma_start3A_250] : memref<2x8x128xi32, #tpu.memory_space<vmem>> -> memref<1x1x128xi32, #tpu.memory_space<vmem>>
        %dma_start3A_252 = tpu.memref_squeeze %dma_start3A_251 : memref<1x1x128xi32, #tpu.memory_space<vmem>> -> memref<128xi32, #tpu.memory_space<vmem>>
        %dma_start3A_253 = arith.constant 0 : i32
        %dma_start3A_254 = arith.constant 0 : i32
        %dma_start3A_255 = tpu.memref_slice %arg2[%dma_start3A_253, %dma_start3A_254] : memref<10000x128xf32, #tpu.memory_space<hbm>> -> memref<10000x128xf32, #tpu.memory_space<hbm>>
        tpu.enqueue_indirect_dma source(%dma_start3A_255 : memref<10000x128xf32, #tpu.memory_space<hbm>>) target(%arg12 : memref<128x128xf32, #tpu.memory_space<vmem>>) offsets(%dma_start3A_252 : memref<128xi32, #tpu.memory_space<vmem>>) semaphore(%arg16 : memref<!tpu.dma_semaphore, #tpu.memory_space<semaphore_mem>>)
        %dma_start3A_256 = arith.constant 0 : i32
        %dma_start3A_257 = arith.constant 1 : i32
        %dma_start3A_258 = arith.constant 0 : i32
        %dma_start3A_259 = tpu.memref_slice %arg11[%dma_start3A_256, %dma_start3A_257, %dma_start3A_258] : memref<2x8x128xi32, #tpu.memory_space<vmem>> -> memref<1x1x128xi32, #tpu.memory_space<vmem>>
        %dma_start3A_260 = tpu.memref_squeeze %dma_start3A_259 : memref<1x1x128xi32, #tpu.memory_space<vmem>> -> memref<128xi32, #tpu.memory_space<vmem>>
        %dma_start3A_261 = arith.constant 0 : i32
        %dma_start3A_262 = arith.constant 0 : i32
        %dma_start3A_263 = tpu.memref_slice %arg2[%dma_start3A_261, %dma_start3A_262] : memref<10000x128xf32, #tpu.memory_space<hbm>> -> memref<10000x128xf32, #tpu.memory_space<hbm>>
        tpu.enqueue_indirect_dma source(%dma_start3A_263 : memref<10000x128xf32, #tpu.memory_space<hbm>>) target(%arg13 : memref<128x128xf32, #tpu.memory_space<vmem>>) offsets(%dma_start3A_260 : memref<128xi32, #tpu.memory_space<vmem>>) semaphore(%arg17 : memref<!tpu.dma_semaphore, #tpu.memory_space<semaphore_mem>>)
        %dma_wait3A = arith.constant 0 : i32
        %dma_wait3A_264 = arith.constant 0 : i32
        %dma_wait3A_265 = arith.constant 0 : i32
        %dma_wait3A_266 = tpu.memref_slice %arg11[%dma_wait3A, %dma_wait3A_264, %dma_wait3A_265] : memref<2x8x128xi32, #tpu.memory_space<vmem>> -> memref<1x1x128xi32, #tpu.memory_space<vmem>>
        %dma_wait3A_267 = tpu.memref_squeeze %dma_wait3A_266 : memref<1x1x128xi32, #tpu.memory_space<vmem>> -> memref<128xi32, #tpu.memory_space<vmem>>
        %dma_wait3A_268 = arith.constant 0 : i32
        %dma_wait3A_269 = arith.constant 0 : i32
        %dma_wait3A_270 = tpu.memref_slice %arg2[%dma_wait3A_268, %dma_wait3A_269] : memref<10000x128xf32, #tpu.memory_space<hbm>> -> memref<10000x128xf32, #tpu.memory_space<hbm>>
        tpu.wait_indirect_dma semaphore(%arg16 : memref<!tpu.dma_semaphore, #tpu.memory_space<semaphore_mem>>) src(%dma_wait3A_270 : memref<10000x128xf32, #tpu.memory_space<hbm>>) dst(%arg12 : memref<128x128xf32, #tpu.memory_space<vmem>>)
        %dma_start3A_271 = arith.constant 1 : i32
        %dma_start3A_272 = arith.constant 0 : i32
        %dma_start3A_273 = arith.constant 0 : i32
        %dma_start3A_274 = tpu.memref_slice %arg11[%dma_start3A_271, %dma_start3A_272, %dma_start3A_273] : memref<2x8x128xi32, #tpu.memory_space<vmem>> -> memref<1x1x128xi32, #tpu.memory_space<vmem>>
        %dma_start3A_275 = tpu.memref_squeeze %dma_start3A_274 : memref<1x1x128xi32, #tpu.memory_space<vmem>> -> memref<128xi32, #tpu.memory_space<vmem>>
        %dma_start3A_276 = arith.constant 0 : i32
        %dma_start3A_277 = arith.constant 0 : i32
        %dma_start3A_278 = tpu.memref_slice %arg9[%dma_start3A_276, %dma_start3A_277] : memref<10240x128xf32, #tpu.memory_space<vmem_shared>> -> memref<10240x128xf32, #tpu.memory_space<vmem_shared>>
        tpu.enqueue_indirect_dma source(%arg12 : memref<128x128xf32, #tpu.memory_space<vmem>>) target(%dma_start3A_278 : memref<10240x128xf32, #tpu.memory_space<vmem_shared>>) offsets(%dma_start3A_275 : memref<128xi32, #tpu.memory_space<vmem>>) semaphore(%arg18 : memref<!tpu.dma_semaphore, #tpu.memory_space<semaphore_mem>>) {add = true}
        %dma_start3A_279 = arith.constant 1 : i32
        %dma_start3A_280 = arith.constant 0 : i32
        %dma_start3A_281 = arith.constant 0 : i32
        %dma_start3A_282 = tpu.memref_slice %arg11[%dma_start3A_279, %dma_start3A_280, %dma_start3A_281] : memref<2x8x128xi32, #tpu.memory_space<vmem>> -> memref<1x1x128xi32, #tpu.memory_space<vmem>>
        %dma_start3A_283 = tpu.memref_squeeze %dma_start3A_282 : memref<1x1x128xi32, #tpu.memory_space<vmem>> -> memref<128xi32, #tpu.memory_space<vmem>>
        %dma_start3A_284 = arith.constant 0 : i32
        %dma_start3A_285 = tpu.memref_slice %arg10[%dma_start3A_284] : memref<10240xf32, #tpu.memory_space<vmem_shared>> -> memref<10240xf32, #tpu.memory_space<vmem_shared>>
        tpu.enqueue_indirect_dma source(%arg14 : memref<128xf32, #tpu.memory_space<vmem>>) target(%dma_start3A_285 : memref<10240xf32, #tpu.memory_space<vmem_shared>>) offsets(%dma_start3A_283 : memref<128xi32, #tpu.memory_space<vmem>>) semaphore(%arg20 : memref<!tpu.dma_semaphore, #tpu.memory_space<semaphore_mem>>) {add = true}
        %dma_wait3A_286 = arith.constant 1 : i32
        %dma_wait3A_287 = arith.constant 0 : i32
        %dma_wait3A_288 = arith.constant 0 : i32
        %dma_wait3A_289 = tpu.memref_slice %arg11[%dma_wait3A_286, %dma_wait3A_287, %dma_wait3A_288] : memref<2x8x128xi32, #tpu.memory_space<vmem>> -> memref<1x1x128xi32, #tpu.memory_space<vmem>>
        %dma_wait3A_290 = tpu.memref_squeeze %dma_wait3A_289 : memref<1x1x128xi32, #tpu.memory_space<vmem>> -> memref<128xi32, #tpu.memory_space<vmem>>
        %dma_wait3A_291 = arith.constant 0 : i32
        %dma_wait3A_292 = arith.constant 0 : i32
        %dma_wait3A_293 = tpu.memref_slice %arg9[%dma_wait3A_291, %dma_wait3A_292] : memref<10240x128xf32, #tpu.memory_space<vmem_shared>> -> memref<10240x128xf32, #tpu.memory_space<vmem_shared>>
        tpu.wait_indirect_dma semaphore(%arg18 : memref<!tpu.dma_semaphore, #tpu.memory_space<semaphore_mem>>) src(%arg12 : memref<128x128xf32, #tpu.memory_space<vmem>>) dst(%dma_wait3A_293 : memref<10240x128xf32, #tpu.memory_space<vmem_shared>>)
        %dma_start3A_294 = arith.constant 0 : i32
        %dma_start3A_295 = arith.constant 2 : i32
        %dma_start3A_296 = arith.constant 0 : i32
        %dma_start3A_297 = tpu.memref_slice %arg11[%dma_start3A_294, %dma_start3A_295, %dma_start3A_296] : memref<2x8x128xi32, #tpu.memory_space<vmem>> -> memref<1x1x128xi32, #tpu.memory_space<vmem>>
        %dma_start3A_298 = tpu.memref_squeeze %dma_start3A_297 : memref<1x1x128xi32, #tpu.memory_space<vmem>> -> memref<128xi32, #tpu.memory_space<vmem>>
        %dma_start3A_299 = arith.constant 0 : i32
        %dma_start3A_300 = arith.constant 0 : i32
        %dma_start3A_301 = tpu.memref_slice %arg2[%dma_start3A_299, %dma_start3A_300] : memref<10000x128xf32, #tpu.memory_space<hbm>> -> memref<10000x128xf32, #tpu.memory_space<hbm>>
        tpu.enqueue_indirect_dma source(%dma_start3A_301 : memref<10000x128xf32, #tpu.memory_space<hbm>>) target(%arg12 : memref<128x128xf32, #tpu.memory_space<vmem>>) offsets(%dma_start3A_298 : memref<128xi32, #tpu.memory_space<vmem>>) semaphore(%arg16 : memref<!tpu.dma_semaphore, #tpu.memory_space<semaphore_mem>>)
        %dma_wait3A_302 = arith.constant 0 : i32
        %dma_wait3A_303 = arith.constant 1 : i32
        %dma_wait3A_304 = arith.constant 0 : i32
        %dma_wait3A_305 = tpu.memref_slice %arg11[%dma_wait3A_302, %dma_wait3A_303, %dma_wait3A_304] : memref<2x8x128xi32, #tpu.memory_space<vmem>> -> memref<1x1x128xi32, #tpu.memory_space<vmem>>
        %dma_wait3A_306 = tpu.memref_squeeze %dma_wait3A_305 : memref<1x1x128xi32, #tpu.memory_space<vmem>> -> memref<128xi32, #tpu.memory_space<vmem>>
        %dma_wait3A_307 = arith.constant 0 : i32
        %dma_wait3A_308 = arith.constant 0 : i32
        %dma_wait3A_309 = tpu.memref_slice %arg2[%dma_wait3A_307, %dma_wait3A_308] : memref<10000x128xf32, #tpu.memory_space<hbm>> -> memref<10000x128xf32, #tpu.memory_space<hbm>>
        tpu.wait_indirect_dma semaphore(%arg17 : memref<!tpu.dma_semaphore, #tpu.memory_space<semaphore_mem>>) src(%dma_wait3A_309 : memref<10000x128xf32, #tpu.memory_space<hbm>>) dst(%arg13 : memref<128x128xf32, #tpu.memory_space<vmem>>)
        %dma_start3A_310 = arith.constant 1 : i32
        %dma_start3A_311 = arith.constant 1 : i32
        %dma_start3A_312 = arith.constant 0 : i32
        %dma_start3A_313 = tpu.memref_slice %arg11[%dma_start3A_310, %dma_start3A_311, %dma_start3A_312] : memref<2x8x128xi32, #tpu.memory_space<vmem>> -> memref<1x1x128xi32, #tpu.memory_space<vmem>>
        %dma_start3A_314 = tpu.memref_squeeze %dma_start3A_313 : memref<1x1x128xi32, #tpu.memory_space<vmem>> -> memref<128xi32, #tpu.memory_space<vmem>>
        %dma_start3A_315 = arith.constant 0 : i32
        %dma_start3A_316 = arith.constant 0 : i32
        %dma_start3A_317 = tpu.memref_slice %arg9[%dma_start3A_315, %dma_start3A_316] : memref<10240x128xf32, #tpu.memory_space<vmem_shared>> -> memref<10240x128xf32, #tpu.memory_space<vmem_shared>>
        tpu.enqueue_indirect_dma source(%arg13 : memref<128x128xf32, #tpu.memory_space<vmem>>) target(%dma_start3A_317 : memref<10240x128xf32, #tpu.memory_space<vmem_shared>>) offsets(%dma_start3A_314 : memref<128xi32, #tpu.memory_space<vmem>>) semaphore(%arg19 : memref<!tpu.dma_semaphore, #tpu.memory_space<semaphore_mem>>) {add = true}
        %dma_wait3A_318 = arith.constant 1 : i32
        %dma_wait3A_319 = arith.constant 1 : i32
        %dma_wait3A_320 = arith.constant 0 : i32
        %dma_wait3A_321 = tpu.memref_slice %arg11[%dma_wait3A_318, %dma_wait3A_319, %dma_wait3A_320] : memref<2x8x128xi32, #tpu.memory_space<vmem>> -> memref<1x1x128xi32, #tpu.memory_space<vmem>>
        %dma_wait3A_322 = tpu.memref_squeeze %dma_wait3A_321 : memref<1x1x128xi32, #tpu.memory_space<vmem>> -> memref<128xi32, #tpu.memory_space<vmem>>
        %dma_wait3A_323 = arith.constant 0 : i32
        %dma_wait3A_324 = arith.constant 0 : i32
        %dma_wait3A_325 = tpu.memref_slice %arg9[%dma_wait3A_323, %dma_wait3A_324] : memref<10240x128xf32, #tpu.memory_space<vmem_shared>> -> memref<10240x128xf32, #tpu.memory_space<vmem_shared>>
        tpu.wait_indirect_dma semaphore(%arg19 : memref<!tpu.dma_semaphore, #tpu.memory_space<semaphore_mem>>) src(%arg13 : memref<128x128xf32, #tpu.memory_space<vmem>>) dst(%dma_wait3A_325 : memref<10240x128xf32, #tpu.memory_space<vmem_shared>>)
        %dma_start3A_326 = arith.constant 0 : i32
        %dma_start3A_327 = arith.constant 3 : i32
        %dma_start3A_328 = arith.constant 0 : i32
        %dma_start3A_329 = tpu.memref_slice %arg11[%dma_start3A_326, %dma_start3A_327, %dma_start3A_328] : memref<2x8x128xi32, #tpu.memory_space<vmem>> -> memref<1x1x128xi32, #tpu.memory_space<vmem>>
        %dma_start3A_330 = tpu.memref_squeeze %dma_start3A_329 : memref<1x1x128xi32, #tpu.memory_space<vmem>> -> memref<128xi32, #tpu.memory_space<vmem>>
        %dma_start3A_331 = arith.constant 0 : i32
        %dma_start3A_332 = arith.constant 0 : i32
        %dma_start3A_333 = tpu.memref_slice %arg2[%dma_start3A_331, %dma_start3A_332] : memref<10000x128xf32, #tpu.memory_space<hbm>> -> memref<10000x128xf32, #tpu.memory_space<hbm>>
        tpu.enqueue_indirect_dma source(%dma_start3A_333 : memref<10000x128xf32, #tpu.memory_space<hbm>>) target(%arg13 : memref<128x128xf32, #tpu.memory_space<vmem>>) offsets(%dma_start3A_330 : memref<128xi32, #tpu.memory_space<vmem>>) semaphore(%arg17 : memref<!tpu.dma_semaphore, #tpu.memory_space<semaphore_mem>>)
        %dma_wait3A_334 = arith.constant 0 : i32
        %dma_wait3A_335 = arith.constant 2 : i32
        %dma_wait3A_336 = arith.constant 0 : i32
        %dma_wait3A_337 = tpu.memref_slice %arg11[%dma_wait3A_334, %dma_wait3A_335, %dma_wait3A_336] : memref<2x8x128xi32, #tpu.memory_space<vmem>> -> memref<1x1x128xi32, #tpu.memory_space<vmem>>
        %dma_wait3A_338 = tpu.memref_squeeze %dma_wait3A_337 : memref<1x1x128xi32, #tpu.memory_space<vmem>> -> memref<128xi32, #tpu.memory_space<vmem>>
        %dma_wait3A_339 = arith.constant 0 : i32
        %dma_wait3A_340 = arith.constant 0 : i32
        %dma_wait3A_341 = tpu.memref_slice %arg2[%dma_wait3A_339, %dma_wait3A_340] : memref<10000x128xf32, #tpu.memory_space<hbm>> -> memref<10000x128xf32, #tpu.memory_space<hbm>>
        tpu.wait_indirect_dma semaphore(%arg16 : memref<!tpu.dma_semaphore, #tpu.memory_space<semaphore_mem>>) src(%dma_wait3A_341 : memref<10000x128xf32, #tpu.memory_space<hbm>>) dst(%arg12 : memref<128x128xf32, #tpu.memory_space<vmem>>)
        %dma_start3A_342 = arith.constant 1 : i32
        %dma_start3A_343 = arith.constant 2 : i32
        %dma_start3A_344 = arith.constant 0 : i32
        %dma_start3A_345 = tpu.memref_slice %arg11[%dma_start3A_342, %dma_start3A_343, %dma_start3A_344] : memref<2x8x128xi32, #tpu.memory_space<vmem>> -> memref<1x1x128xi32, #tpu.memory_space<vmem>>
        %dma_start3A_346 = tpu.memref_squeeze %dma_start3A_345 : memref<1x1x128xi32, #tpu.memory_space<vmem>> -> memref<128xi32, #tpu.memory_space<vmem>>
        %dma_start3A_347 = arith.constant 0 : i32
        %dma_start3A_348 = arith.constant 0 : i32
        %dma_start3A_349 = tpu.memref_slice %arg9[%dma_start3A_347, %dma_start3A_348] : memref<10240x128xf32, #tpu.memory_space<vmem_shared>> -> memref<10240x128xf32, #tpu.memory_space<vmem_shared>>
        tpu.enqueue_indirect_dma source(%arg12 : memref<128x128xf32, #tpu.memory_space<vmem>>) target(%dma_start3A_349 : memref<10240x128xf32, #tpu.memory_space<vmem_shared>>) offsets(%dma_start3A_346 : memref<128xi32, #tpu.memory_space<vmem>>) semaphore(%arg18 : memref<!tpu.dma_semaphore, #tpu.memory_space<semaphore_mem>>) {add = true}
        %dma_start3A_350 = arith.constant 1 : i32
        %dma_start3A_351 = arith.constant 2 : i32
        %dma_start3A_352 = arith.constant 0 : i32
        %dma_start3A_353 = tpu.memref_slice %arg11[%dma_start3A_350, %dma_start3A_351, %dma_start3A_352] : memref<2x8x128xi32, #tpu.memory_space<vmem>> -> memref<1x1x128xi32, #tpu.memory_space<vmem>>
        %dma_start3A_354 = tpu.memref_squeeze %dma_start3A_353 : memref<1x1x128xi32, #tpu.memory_space<vmem>> -> memref<128xi32, #tpu.memory_space<vmem>>
        %dma_start3A_355 = arith.constant 0 : i32
        %dma_start3A_356 = tpu.memref_slice %arg10[%dma_start3A_355] : memref<10240xf32, #tpu.memory_space<vmem_shared>> -> memref<10240xf32, #tpu.memory_space<vmem_shared>>
        tpu.enqueue_indirect_dma source(%arg14 : memref<128xf32, #tpu.memory_space<vmem>>) target(%dma_start3A_356 : memref<10240xf32, #tpu.memory_space<vmem_shared>>) offsets(%dma_start3A_354 : memref<128xi32, #tpu.memory_space<vmem>>) semaphore(%arg20 : memref<!tpu.dma_semaphore, #tpu.memory_space<semaphore_mem>>) {add = true}
        %dma_wait3A_357 = arith.constant 1 : i32
        %dma_wait3A_358 = arith.constant 2 : i32
        %dma_wait3A_359 = arith.constant 0 : i32
        %dma_wait3A_360 = tpu.memref_slice %arg11[%dma_wait3A_357, %dma_wait3A_358, %dma_wait3A_359] : memref<2x8x128xi32, #tpu.memory_space<vmem>> -> memref<1x1x128xi32, #tpu.memory_space<vmem>>
        %dma_wait3A_361 = tpu.memref_squeeze %dma_wait3A_360 : memref<1x1x128xi32, #tpu.memory_space<vmem>> -> memref<128xi32, #tpu.memory_space<vmem>>
        %dma_wait3A_362 = arith.constant 0 : i32
        %dma_wait3A_363 = arith.constant 0 : i32
        %dma_wait3A_364 = tpu.memref_slice %arg9[%dma_wait3A_362, %dma_wait3A_363] : memref<10240x128xf32, #tpu.memory_space<vmem_shared>> -> memref<10240x128xf32, #tpu.memory_space<vmem_shared>>
        tpu.wait_indirect_dma semaphore(%arg18 : memref<!tpu.dma_semaphore, #tpu.memory_space<semaphore_mem>>) src(%arg12 : memref<128x128xf32, #tpu.memory_space<vmem>>) dst(%dma_wait3A_364 : memref<10240x128xf32, #tpu.memory_space<vmem_shared>>)
        %dma_start3A_365 = arith.constant 0 : i32
        %dma_start3A_366 = arith.constant 4 : i32
        %dma_start3A_367 = arith.constant 0 : i32
        %dma_start3A_368 = tpu.memref_slice %arg11[%dma_start3A_365, %dma_start3A_366, %dma_start3A_367] : memref<2x8x128xi32, #tpu.memory_space<vmem>> -> memref<1x1x128xi32, #tpu.memory_space<vmem>>
        %dma_start3A_369 = tpu.memref_squeeze %dma_start3A_368 : memref<1x1x128xi32, #tpu.memory_space<vmem>> -> memref<128xi32, #tpu.memory_space<vmem>>
        %dma_start3A_370 = arith.constant 0 : i32
        %dma_start3A_371 = arith.constant 0 : i32
        %dma_start3A_372 = tpu.memref_slice %arg2[%dma_start3A_370, %dma_start3A_371] : memref<10000x128xf32, #tpu.memory_space<hbm>> -> memref<10000x128xf32, #tpu.memory_space<hbm>>
        tpu.enqueue_indirect_dma source(%dma_start3A_372 : memref<10000x128xf32, #tpu.memory_space<hbm>>) target(%arg12 : memref<128x128xf32, #tpu.memory_space<vmem>>) offsets(%dma_start3A_369 : memref<128xi32, #tpu.memory_space<vmem>>) semaphore(%arg16 : memref<!tpu.dma_semaphore, #tpu.memory_space<semaphore_mem>>)
        %dma_wait3A_373 = arith.constant 0 : i32
        %dma_wait3A_374 = arith.constant 3 : i32
        %dma_wait3A_375 = arith.constant 0 : i32
        %dma_wait3A_376 = tpu.memref_slice %arg11[%dma_wait3A_373, %dma_wait3A_374, %dma_wait3A_375] : memref<2x8x128xi32, #tpu.memory_space<vmem>> -> memref<1x1x128xi32, #tpu.memory_space<vmem>>
        %dma_wait3A_377 = tpu.memref_squeeze %dma_wait3A_376 : memref<1x1x128xi32, #tpu.memory_space<vmem>> -> memref<128xi32, #tpu.memory_space<vmem>>
        %dma_wait3A_378 = arith.constant 0 : i32
        %dma_wait3A_379 = arith.constant 0 : i32
        %dma_wait3A_380 = tpu.memref_slice %arg2[%dma_wait3A_378, %dma_wait3A_379] : memref<10000x128xf32, #tpu.memory_space<hbm>> -> memref<10000x128xf32, #tpu.memory_space<hbm>>
        tpu.wait_indirect_dma semaphore(%arg17 : memref<!tpu.dma_semaphore, #tpu.memory_space<semaphore_mem>>) src(%dma_wait3A_380 : memref<10000x128xf32, #tpu.memory_space<hbm>>) dst(%arg13 : memref<128x128xf32, #tpu.memory_space<vmem>>)
        %dma_start3A_381 = arith.constant 1 : i32
        %dma_start3A_382 = arith.constant 3 : i32
        %dma_start3A_383 = arith.constant 0 : i32
        %dma_start3A_384 = tpu.memref_slice %arg11[%dma_start3A_381, %dma_start3A_382, %dma_start3A_383] : memref<2x8x128xi32, #tpu.memory_space<vmem>> -> memref<1x1x128xi32, #tpu.memory_space<vmem>>
        %dma_start3A_385 = tpu.memref_squeeze %dma_start3A_384 : memref<1x1x128xi32, #tpu.memory_space<vmem>> -> memref<128xi32, #tpu.memory_space<vmem>>
        %dma_start3A_386 = arith.constant 0 : i32
        %dma_start3A_387 = arith.constant 0 : i32
        %dma_start3A_388 = tpu.memref_slice %arg9[%dma_start3A_386, %dma_start3A_387] : memref<10240x128xf32, #tpu.memory_space<vmem_shared>> -> memref<10240x128xf32, #tpu.memory_space<vmem_shared>>
        tpu.enqueue_indirect_dma source(%arg13 : memref<128x128xf32, #tpu.memory_space<vmem>>) target(%dma_start3A_388 : memref<10240x128xf32, #tpu.memory_space<vmem_shared>>) offsets(%dma_start3A_385 : memref<128xi32, #tpu.memory_space<vmem>>) semaphore(%arg19 : memref<!tpu.dma_semaphore, #tpu.memory_space<semaphore_mem>>) {add = true}
        %dma_wait3A_389 = arith.constant 1 : i32
        %dma_wait3A_390 = arith.constant 3 : i32
        %dma_wait3A_391 = arith.constant 0 : i32
        %dma_wait3A_392 = tpu.memref_slice %arg11[%dma_wait3A_389, %dma_wait3A_390, %dma_wait3A_391] : memref<2x8x128xi32, #tpu.memory_space<vmem>> -> memref<1x1x128xi32, #tpu.memory_space<vmem>>
        %dma_wait3A_393 = tpu.memref_squeeze %dma_wait3A_392 : memref<1x1x128xi32, #tpu.memory_space<vmem>> -> memref<128xi32, #tpu.memory_space<vmem>>
        %dma_wait3A_394 = arith.constant 0 : i32
        %dma_wait3A_395 = arith.constant 0 : i32
        %dma_wait3A_396 = tpu.memref_slice %arg9[%dma_wait3A_394, %dma_wait3A_395] : memref<10240x128xf32, #tpu.memory_space<vmem_shared>> -> memref<10240x128xf32, #tpu.memory_space<vmem_shared>>
        tpu.wait_indirect_dma semaphore(%arg19 : memref<!tpu.dma_semaphore, #tpu.memory_space<semaphore_mem>>) src(%arg13 : memref<128x128xf32, #tpu.memory_space<vmem>>) dst(%dma_wait3A_396 : memref<10240x128xf32, #tpu.memory_space<vmem_shared>>)
        %dma_start3A_397 = arith.constant 0 : i32
        %dma_start3A_398 = arith.constant 5 : i32
        %dma_start3A_399 = arith.constant 0 : i32
        %dma_start3A_400 = tpu.memref_slice %arg11[%dma_start3A_397, %dma_start3A_398, %dma_start3A_399] : memref<2x8x128xi32, #tpu.memory_space<vmem>> -> memref<1x1x128xi32, #tpu.memory_space<vmem>>
        %dma_start3A_401 = tpu.memref_squeeze %dma_start3A_400 : memref<1x1x128xi32, #tpu.memory_space<vmem>> -> memref<128xi32, #tpu.memory_space<vmem>>
        %dma_start3A_402 = arith.constant 0 : i32
        %dma_start3A_403 = arith.constant 0 : i32
        %dma_start3A_404 = tpu.memref_slice %arg2[%dma_start3A_402, %dma_start3A_403] : memref<10000x128xf32, #tpu.memory_space<hbm>> -> memref<10000x128xf32, #tpu.memory_space<hbm>>
        tpu.enqueue_indirect_dma source(%dma_start3A_404 : memref<10000x128xf32, #tpu.memory_space<hbm>>) target(%arg13 : memref<128x128xf32, #tpu.memory_space<vmem>>) offsets(%dma_start3A_401 : memref<128xi32, #tpu.memory_space<vmem>>) semaphore(%arg17 : memref<!tpu.dma_semaphore, #tpu.memory_space<semaphore_mem>>)
        %dma_wait3A_405 = arith.constant 0 : i32
        %dma_wait3A_406 = arith.constant 4 : i32
        %dma_wait3A_407 = arith.constant 0 : i32
        %dma_wait3A_408 = tpu.memref_slice %arg11[%dma_wait3A_405, %dma_wait3A_406, %dma_wait3A_407] : memref<2x8x128xi32, #tpu.memory_space<vmem>> -> memref<1x1x128xi32, #tpu.memory_space<vmem>>
        %dma_wait3A_409 = tpu.memref_squeeze %dma_wait3A_408 : memref<1x1x128xi32, #tpu.memory_space<vmem>> -> memref<128xi32, #tpu.memory_space<vmem>>
        %dma_wait3A_410 = arith.constant 0 : i32
        %dma_wait3A_411 = arith.constant 0 : i32
        %dma_wait3A_412 = tpu.memref_slice %arg2[%dma_wait3A_410, %dma_wait3A_411] : memref<10000x128xf32, #tpu.memory_space<hbm>> -> memref<10000x128xf32, #tpu.memory_space<hbm>>
        tpu.wait_indirect_dma semaphore(%arg16 : memref<!tpu.dma_semaphore, #tpu.memory_space<semaphore_mem>>) src(%dma_wait3A_412 : memref<10000x128xf32, #tpu.memory_space<hbm>>) dst(%arg12 : memref<128x128xf32, #tpu.memory_space<vmem>>)
        %dma_start3A_413 = arith.constant 1 : i32
        %dma_start3A_414 = arith.constant 4 : i32
        %dma_start3A_415 = arith.constant 0 : i32
        %dma_start3A_416 = tpu.memref_slice %arg11[%dma_start3A_413, %dma_start3A_414, %dma_start3A_415] : memref<2x8x128xi32, #tpu.memory_space<vmem>> -> memref<1x1x128xi32, #tpu.memory_space<vmem>>
        %dma_start3A_417 = tpu.memref_squeeze %dma_start3A_416 : memref<1x1x128xi32, #tpu.memory_space<vmem>> -> memref<128xi32, #tpu.memory_space<vmem>>
        %dma_start3A_418 = arith.constant 0 : i32
        %dma_start3A_419 = arith.constant 0 : i32
        %dma_start3A_420 = tpu.memref_slice %arg9[%dma_start3A_418, %dma_start3A_419] : memref<10240x128xf32, #tpu.memory_space<vmem_shared>> -> memref<10240x128xf32, #tpu.memory_space<vmem_shared>>
        tpu.enqueue_indirect_dma source(%arg12 : memref<128x128xf32, #tpu.memory_space<vmem>>) target(%dma_start3A_420 : memref<10240x128xf32, #tpu.memory_space<vmem_shared>>) offsets(%dma_start3A_417 : memref<128xi32, #tpu.memory_space<vmem>>) semaphore(%arg18 : memref<!tpu.dma_semaphore, #tpu.memory_space<semaphore_mem>>) {add = true}
        %dma_start3A_421 = arith.constant 1 : i32
        %dma_start3A_422 = arith.constant 4 : i32
        %dma_start3A_423 = arith.constant 0 : i32
        %dma_start3A_424 = tpu.memref_slice %arg11[%dma_start3A_421, %dma_start3A_422, %dma_start3A_423] : memref<2x8x128xi32, #tpu.memory_space<vmem>> -> memref<1x1x128xi32, #tpu.memory_space<vmem>>
        %dma_start3A_425 = tpu.memref_squeeze %dma_start3A_424 : memref<1x1x128xi32, #tpu.memory_space<vmem>> -> memref<128xi32, #tpu.memory_space<vmem>>
        %dma_start3A_426 = arith.constant 0 : i32
        %dma_start3A_427 = tpu.memref_slice %arg10[%dma_start3A_426] : memref<10240xf32, #tpu.memory_space<vmem_shared>> -> memref<10240xf32, #tpu.memory_space<vmem_shared>>
        tpu.enqueue_indirect_dma source(%arg14 : memref<128xf32, #tpu.memory_space<vmem>>) target(%dma_start3A_427 : memref<10240xf32, #tpu.memory_space<vmem_shared>>) offsets(%dma_start3A_425 : memref<128xi32, #tpu.memory_space<vmem>>) semaphore(%arg20 : memref<!tpu.dma_semaphore, #tpu.memory_space<semaphore_mem>>) {add = true}
        %dma_wait3A_428 = arith.constant 1 : i32
        %dma_wait3A_429 = arith.constant 4 : i32
        %dma_wait3A_430 = arith.constant 0 : i32
        %dma_wait3A_431 = tpu.memref_slice %arg11[%dma_wait3A_428, %dma_wait3A_429, %dma_wait3A_430] : memref<2x8x128xi32, #tpu.memory_space<vmem>> -> memref<1x1x128xi32, #tpu.memory_space<vmem>>
        %dma_wait3A_432 = tpu.memref_squeeze %dma_wait3A_431 : memref<1x1x128xi32, #tpu.memory_space<vmem>> -> memref<128xi32, #tpu.memory_space<vmem>>
        %dma_wait3A_433 = arith.constant 0 : i32
        %dma_wait3A_434 = arith.constant 0 : i32
        %dma_wait3A_435 = tpu.memref_slice %arg9[%dma_wait3A_433, %dma_wait3A_434] : memref<10240x128xf32, #tpu.memory_space<vmem_shared>> -> memref<10240x128xf32, #tpu.memory_space<vmem_shared>>
        tpu.wait_indirect_dma semaphore(%arg18 : memref<!tpu.dma_semaphore, #tpu.memory_space<semaphore_mem>>) src(%arg12 : memref<128x128xf32, #tpu.memory_space<vmem>>) dst(%dma_wait3A_435 : memref<10240x128xf32, #tpu.memory_space<vmem_shared>>)
        %dma_start3A_436 = arith.constant 0 : i32
        %dma_start3A_437 = arith.constant 6 : i32
        %dma_start3A_438 = arith.constant 0 : i32
        %dma_start3A_439 = tpu.memref_slice %arg11[%dma_start3A_436, %dma_start3A_437, %dma_start3A_438] : memref<2x8x128xi32, #tpu.memory_space<vmem>> -> memref<1x1x128xi32, #tpu.memory_space<vmem>>
        %dma_start3A_440 = tpu.memref_squeeze %dma_start3A_439 : memref<1x1x128xi32, #tpu.memory_space<vmem>> -> memref<128xi32, #tpu.memory_space<vmem>>
        %dma_start3A_441 = arith.constant 0 : i32
        %dma_start3A_442 = arith.constant 0 : i32
        %dma_start3A_443 = tpu.memref_slice %arg2[%dma_start3A_441, %dma_start3A_442] : memref<10000x128xf32, #tpu.memory_space<hbm>> -> memref<10000x128xf32, #tpu.memory_space<hbm>>
        tpu.enqueue_indirect_dma source(%dma_start3A_443 : memref<10000x128xf32, #tpu.memory_space<hbm>>) target(%arg12 : memref<128x128xf32, #tpu.memory_space<vmem>>) offsets(%dma_start3A_440 : memref<128xi32, #tpu.memory_space<vmem>>) semaphore(%arg16 : memref<!tpu.dma_semaphore, #tpu.memory_space<semaphore_mem>>)
        %dma_wait3A_444 = arith.constant 0 : i32
        %dma_wait3A_445 = arith.constant 5 : i32
        %dma_wait3A_446 = arith.constant 0 : i32
        %dma_wait3A_447 = tpu.memref_slice %arg11[%dma_wait3A_444, %dma_wait3A_445, %dma_wait3A_446] : memref<2x8x128xi32, #tpu.memory_space<vmem>> -> memref<1x1x128xi32, #tpu.memory_space<vmem>>
        %dma_wait3A_448 = tpu.memref_squeeze %dma_wait3A_447 : memref<1x1x128xi32, #tpu.memory_space<vmem>> -> memref<128xi32, #tpu.memory_space<vmem>>
        %dma_wait3A_449 = arith.constant 0 : i32
        %dma_wait3A_450 = arith.constant 0 : i32
        %dma_wait3A_451 = tpu.memref_slice %arg2[%dma_wait3A_449, %dma_wait3A_450] : memref<10000x128xf32, #tpu.memory_space<hbm>> -> memref<10000x128xf32, #tpu.memory_space<hbm>>
        tpu.wait_indirect_dma semaphore(%arg17 : memref<!tpu.dma_semaphore, #tpu.memory_space<semaphore_mem>>) src(%dma_wait3A_451 : memref<10000x128xf32, #tpu.memory_space<hbm>>) dst(%arg13 : memref<128x128xf32, #tpu.memory_space<vmem>>)
        %dma_start3A_452 = arith.constant 1 : i32
        %dma_start3A_453 = arith.constant 5 : i32
        %dma_start3A_454 = arith.constant 0 : i32
        %dma_start3A_455 = tpu.memref_slice %arg11[%dma_start3A_452, %dma_start3A_453, %dma_start3A_454] : memref<2x8x128xi32, #tpu.memory_space<vmem>> -> memref<1x1x128xi32, #tpu.memory_space<vmem>>
        %dma_start3A_456 = tpu.memref_squeeze %dma_start3A_455 : memref<1x1x128xi32, #tpu.memory_space<vmem>> -> memref<128xi32, #tpu.memory_space<vmem>>
        %dma_start3A_457 = arith.constant 0 : i32
        %dma_start3A_458 = arith.constant 0 : i32
        %dma_start3A_459 = tpu.memref_slice %arg9[%dma_start3A_457, %dma_start3A_458] : memref<10240x128xf32, #tpu.memory_space<vmem_shared>> -> memref<10240x128xf32, #tpu.memory_space<vmem_shared>>
        tpu.enqueue_indirect_dma source(%arg13 : memref<128x128xf32, #tpu.memory_space<vmem>>) target(%dma_start3A_459 : memref<10240x128xf32, #tpu.memory_space<vmem_shared>>) offsets(%dma_start3A_456 : memref<128xi32, #tpu.memory_space<vmem>>) semaphore(%arg19 : memref<!tpu.dma_semaphore, #tpu.memory_space<semaphore_mem>>) {add = true}
        %dma_wait3A_460 = arith.constant 1 : i32
        %dma_wait3A_461 = arith.constant 5 : i32
        %dma_wait3A_462 = arith.constant 0 : i32
        %dma_wait3A_463 = tpu.memref_slice %arg11[%dma_wait3A_460, %dma_wait3A_461, %dma_wait3A_462] : memref<2x8x128xi32, #tpu.memory_space<vmem>> -> memref<1x1x128xi32, #tpu.memory_space<vmem>>
        %dma_wait3A_464 = tpu.memref_squeeze %dma_wait3A_463 : memref<1x1x128xi32, #tpu.memory_space<vmem>> -> memref<128xi32, #tpu.memory_space<vmem>>
        %dma_wait3A_465 = arith.constant 0 : i32
        %dma_wait3A_466 = arith.constant 0 : i32
        %dma_wait3A_467 = tpu.memref_slice %arg9[%dma_wait3A_465, %dma_wait3A_466] : memref<10240x128xf32, #tpu.memory_space<vmem_shared>> -> memref<10240x128xf32, #tpu.memory_space<vmem_shared>>
        tpu.wait_indirect_dma semaphore(%arg19 : memref<!tpu.dma_semaphore, #tpu.memory_space<semaphore_mem>>) src(%arg13 : memref<128x128xf32, #tpu.memory_space<vmem>>) dst(%dma_wait3A_467 : memref<10240x128xf32, #tpu.memory_space<vmem_shared>>)
        %dma_start3A_468 = arith.constant 0 : i32
        %dma_start3A_469 = arith.constant 7 : i32
        %dma_start3A_470 = arith.constant 0 : i32
        %dma_start3A_471 = tpu.memref_slice %arg11[%dma_start3A_468, %dma_start3A_469, %dma_start3A_470] : memref<2x8x128xi32, #tpu.memory_space<vmem>> -> memref<1x1x128xi32, #tpu.memory_space<vmem>>
        %dma_start3A_472 = tpu.memref_squeeze %dma_start3A_471 : memref<1x1x128xi32, #tpu.memory_space<vmem>> -> memref<128xi32, #tpu.memory_space<vmem>>
        %dma_start3A_473 = arith.constant 0 : i32
        %dma_start3A_474 = arith.constant 0 : i32
        %dma_start3A_475 = tpu.memref_slice %arg2[%dma_start3A_473, %dma_start3A_474] : memref<10000x128xf32, #tpu.memory_space<hbm>> -> memref<10000x128xf32, #tpu.memory_space<hbm>>
        tpu.enqueue_indirect_dma source(%dma_start3A_475 : memref<10000x128xf32, #tpu.memory_space<hbm>>) target(%arg13 : memref<128x128xf32, #tpu.memory_space<vmem>>) offsets(%dma_start3A_472 : memref<128xi32, #tpu.memory_space<vmem>>) semaphore(%arg17 : memref<!tpu.dma_semaphore, #tpu.memory_space<semaphore_mem>>)
        %dma_wait3A_476 = arith.constant 0 : i32
        %dma_wait3A_477 = arith.constant 6 : i32
        %dma_wait3A_478 = arith.constant 0 : i32
        %dma_wait3A_479 = tpu.memref_slice %arg11[%dma_wait3A_476, %dma_wait3A_477, %dma_wait3A_478] : memref<2x8x128xi32, #tpu.memory_space<vmem>> -> memref<1x1x128xi32, #tpu.memory_space<vmem>>
        %dma_wait3A_480 = tpu.memref_squeeze %dma_wait3A_479 : memref<1x1x128xi32, #tpu.memory_space<vmem>> -> memref<128xi32, #tpu.memory_space<vmem>>
        %dma_wait3A_481 = arith.constant 0 : i32
        %dma_wait3A_482 = arith.constant 0 : i32
        %dma_wait3A_483 = tpu.memref_slice %arg2[%dma_wait3A_481, %dma_wait3A_482] : memref<10000x128xf32, #tpu.memory_space<hbm>> -> memref<10000x128xf32, #tpu.memory_space<hbm>>
        tpu.wait_indirect_dma semaphore(%arg16 : memref<!tpu.dma_semaphore, #tpu.memory_space<semaphore_mem>>) src(%dma_wait3A_483 : memref<10000x128xf32, #tpu.memory_space<hbm>>) dst(%arg12 : memref<128x128xf32, #tpu.memory_space<vmem>>)
        %dma_start3A_484 = arith.constant 1 : i32
        %dma_start3A_485 = arith.constant 6 : i32
        %dma_start3A_486 = arith.constant 0 : i32
        %dma_start3A_487 = tpu.memref_slice %arg11[%dma_start3A_484, %dma_start3A_485, %dma_start3A_486] : memref<2x8x128xi32, #tpu.memory_space<vmem>> -> memref<1x1x128xi32, #tpu.memory_space<vmem>>
        %dma_start3A_488 = tpu.memref_squeeze %dma_start3A_487 : memref<1x1x128xi32, #tpu.memory_space<vmem>> -> memref<128xi32, #tpu.memory_space<vmem>>
        %dma_start3A_489 = arith.constant 0 : i32
        %dma_start3A_490 = arith.constant 0 : i32
        %dma_start3A_491 = tpu.memref_slice %arg9[%dma_start3A_489, %dma_start3A_490] : memref<10240x128xf32, #tpu.memory_space<vmem_shared>> -> memref<10240x128xf32, #tpu.memory_space<vmem_shared>>
        tpu.enqueue_indirect_dma source(%arg12 : memref<128x128xf32, #tpu.memory_space<vmem>>) target(%dma_start3A_491 : memref<10240x128xf32, #tpu.memory_space<vmem_shared>>) offsets(%dma_start3A_488 : memref<128xi32, #tpu.memory_space<vmem>>) semaphore(%arg18 : memref<!tpu.dma_semaphore, #tpu.memory_space<semaphore_mem>>) {add = true}
        %dma_start3A_492 = arith.constant 1 : i32
        %dma_start3A_493 = arith.constant 6 : i32
        %dma_start3A_494 = arith.constant 0 : i32
        %dma_start3A_495 = tpu.memref_slice %arg11[%dma_start3A_492, %dma_start3A_493, %dma_start3A_494] : memref<2x8x128xi32, #tpu.memory_space<vmem>> -> memref<1x1x128xi32, #tpu.memory_space<vmem>>
        %dma_start3A_496 = tpu.memref_squeeze %dma_start3A_495 : memref<1x1x128xi32, #tpu.memory_space<vmem>> -> memref<128xi32, #tpu.memory_space<vmem>>
        %dma_start3A_497 = arith.constant 0 : i32
        %dma_start3A_498 = tpu.memref_slice %arg10[%dma_start3A_497] : memref<10240xf32, #tpu.memory_space<vmem_shared>> -> memref<10240xf32, #tpu.memory_space<vmem_shared>>
        tpu.enqueue_indirect_dma source(%arg14 : memref<128xf32, #tpu.memory_space<vmem>>) target(%dma_start3A_498 : memref<10240xf32, #tpu.memory_space<vmem_shared>>) offsets(%dma_start3A_496 : memref<128xi32, #tpu.memory_space<vmem>>) semaphore(%arg20 : memref<!tpu.dma_semaphore, #tpu.memory_space<semaphore_mem>>) {add = true}
        %dma_wait3A_499 = arith.constant 0 : i32
        %dma_wait3A_500 = arith.constant 7 : i32
        %dma_wait3A_501 = arith.constant 0 : i32
        %dma_wait3A_502 = tpu.memref_slice %arg11[%dma_wait3A_499, %dma_wait3A_500, %dma_wait3A_501] : memref<2x8x128xi32, #tpu.memory_space<vmem>> -> memref<1x1x128xi32, #tpu.memory_space<vmem>>
        %dma_wait3A_503 = tpu.memref_squeeze %dma_wait3A_502 : memref<1x1x128xi32, #tpu.memory_space<vmem>> -> memref<128xi32, #tpu.memory_space<vmem>>
        %dma_wait3A_504 = arith.constant 0 : i32
        %dma_wait3A_505 = arith.constant 0 : i32
        %dma_wait3A_506 = tpu.memref_slice %arg2[%dma_wait3A_504, %dma_wait3A_505] : memref<10000x128xf32, #tpu.memory_space<hbm>> -> memref<10000x128xf32, #tpu.memory_space<hbm>>
        tpu.wait_indirect_dma semaphore(%arg17 : memref<!tpu.dma_semaphore, #tpu.memory_space<semaphore_mem>>) src(%dma_wait3A_506 : memref<10000x128xf32, #tpu.memory_space<hbm>>) dst(%arg13 : memref<128x128xf32, #tpu.memory_space<vmem>>)
        %dma_start3A_507 = arith.constant 1 : i32
        %dma_start3A_508 = arith.constant 7 : i32
        %dma_start3A_509 = arith.constant 0 : i32
        %dma_start3A_510 = tpu.memref_slice %arg11[%dma_start3A_507, %dma_start3A_508, %dma_start3A_509] : memref<2x8x128xi32, #tpu.memory_space<vmem>> -> memref<1x1x128xi32, #tpu.memory_space<vmem>>
        %dma_start3A_511 = tpu.memref_squeeze %dma_start3A_510 : memref<1x1x128xi32, #tpu.memory_space<vmem>> -> memref<128xi32, #tpu.memory_space<vmem>>
        %dma_start3A_512 = arith.constant 0 : i32
        %dma_start3A_513 = arith.constant 0 : i32
        %dma_start3A_514 = tpu.memref_slice %arg9[%dma_start3A_512, %dma_start3A_513] : memref<10240x128xf32, #tpu.memory_space<vmem_shared>> -> memref<10240x128xf32, #tpu.memory_space<vmem_shared>>
        tpu.enqueue_indirect_dma source(%arg13 : memref<128x128xf32, #tpu.memory_space<vmem>>) target(%dma_start3A_514 : memref<10240x128xf32, #tpu.memory_space<vmem_shared>>) offsets(%dma_start3A_511 : memref<128xi32, #tpu.memory_space<vmem>>) semaphore(%arg19 : memref<!tpu.dma_semaphore, #tpu.memory_space<semaphore_mem>>) {add = true}
        %dma_wait3A_515 = arith.constant 1 : i32
        %dma_wait3A_516 = arith.constant 6 : i32
        %dma_wait3A_517 = arith.constant 0 : i32
        %dma_wait3A_518 = tpu.memref_slice %arg11[%dma_wait3A_515, %dma_wait3A_516, %dma_wait3A_517] : memref<2x8x128xi32, #tpu.memory_space<vmem>> -> memref<1x1x128xi32, #tpu.memory_space<vmem>>
        %dma_wait3A_519 = tpu.memref_squeeze %dma_wait3A_518 : memref<1x1x128xi32, #tpu.memory_space<vmem>> -> memref<128xi32, #tpu.memory_space<vmem>>
        %dma_wait3A_520 = arith.constant 0 : i32
        %dma_wait3A_521 = arith.constant 0 : i32
        %dma_wait3A_522 = tpu.memref_slice %arg9[%dma_wait3A_520, %dma_wait3A_521] : memref<10240x128xf32, #tpu.memory_space<vmem_shared>> -> memref<10240x128xf32, #tpu.memory_space<vmem_shared>>
        tpu.wait_indirect_dma semaphore(%arg18 : memref<!tpu.dma_semaphore, #tpu.memory_space<semaphore_mem>>) src(%arg12 : memref<128x128xf32, #tpu.memory_space<vmem>>) dst(%dma_wait3A_522 : memref<10240x128xf32, #tpu.memory_space<vmem_shared>>)
        %dma_wait3A_523 = arith.constant 1 : i32
        %dma_wait3A_524 = arith.constant 7 : i32
        %dma_wait3A_525 = arith.constant 0 : i32
        %dma_wait3A_526 = tpu.memref_slice %arg11[%dma_wait3A_523, %dma_wait3A_524, %dma_wait3A_525] : memref<2x8x128xi32, #tpu.memory_space<vmem>> -> memref<1x1x128xi32, #tpu.memory_space<vmem>>
        %dma_wait3A_527 = tpu.memref_squeeze %dma_wait3A_526 : memref<1x1x128xi32, #tpu.memory_space<vmem>> -> memref<128xi32, #tpu.memory_space<vmem>>
        %dma_wait3A_528 = arith.constant 0 : i32
        %dma_wait3A_529 = arith.constant 0 : i32
        %dma_wait3A_530 = tpu.memref_slice %arg9[%dma_wait3A_528, %dma_wait3A_529] : memref<10240x128xf32, #tpu.memory_space<vmem_shared>> -> memref<10240x128xf32, #tpu.memory_space<vmem_shared>>
        tpu.wait_indirect_dma semaphore(%arg19 : memref<!tpu.dma_semaphore, #tpu.memory_space<semaphore_mem>>) src(%arg13 : memref<128x128xf32, #tpu.memory_space<vmem>>) dst(%dma_wait3A_530 : memref<10240x128xf32, #tpu.memory_space<vmem_shared>>)
        %dma_wait3A_531 = arith.constant 1 : i32
        %dma_wait3A_532 = arith.constant 0 : i32
        %dma_wait3A_533 = arith.constant 0 : i32
        %dma_wait3A_534 = tpu.memref_slice %arg11[%dma_wait3A_531, %dma_wait3A_532, %dma_wait3A_533] : memref<2x8x128xi32, #tpu.memory_space<vmem>> -> memref<1x1x128xi32, #tpu.memory_space<vmem>>
        %dma_wait3A_535 = tpu.memref_squeeze %dma_wait3A_534 : memref<1x1x128xi32, #tpu.memory_space<vmem>> -> memref<128xi32, #tpu.memory_space<vmem>>
        %dma_wait3A_536 = arith.constant 0 : i32
        %dma_wait3A_537 = tpu.memref_slice %arg10[%dma_wait3A_536] : memref<10240xf32, #tpu.memory_space<vmem_shared>> -> memref<10240xf32, #tpu.memory_space<vmem_shared>>
        tpu.wait_indirect_dma semaphore(%arg20 : memref<!tpu.dma_semaphore, #tpu.memory_space<semaphore_mem>>) src(%arg14 : memref<128xf32, #tpu.memory_space<vmem>>) dst(%dma_wait3A_537 : memref<10240xf32, #tpu.memory_space<vmem_shared>>)
        %dma_wait3A_538 = arith.constant 1 : i32
        %dma_wait3A_539 = arith.constant 2 : i32
        %dma_wait3A_540 = arith.constant 0 : i32
        %dma_wait3A_541 = tpu.memref_slice %arg11[%dma_wait3A_538, %dma_wait3A_539, %dma_wait3A_540] : memref<2x8x128xi32, #tpu.memory_space<vmem>> -> memref<1x1x128xi32, #tpu.memory_space<vmem>>
        %dma_wait3A_542 = tpu.memref_squeeze %dma_wait3A_541 : memref<1x1x128xi32, #tpu.memory_space<vmem>> -> memref<128xi32, #tpu.memory_space<vmem>>
        %dma_wait3A_543 = arith.constant 0 : i32
        %dma_wait3A_544 = tpu.memref_slice %arg10[%dma_wait3A_543] : memref<10240xf32, #tpu.memory_space<vmem_shared>> -> memref<10240xf32, #tpu.memory_space<vmem_shared>>
        tpu.wait_indirect_dma semaphore(%arg20 : memref<!tpu.dma_semaphore, #tpu.memory_space<semaphore_mem>>) src(%arg14 : memref<128xf32, #tpu.memory_space<vmem>>) dst(%dma_wait3A_544 : memref<10240xf32, #tpu.memory_space<vmem_shared>>)
        %dma_wait3A_545 = arith.constant 1 : i32
        %dma_wait3A_546 = arith.constant 4 : i32
        %dma_wait3A_547 = arith.constant 0 : i32
        %dma_wait3A_548 = tpu.memref_slice %arg11[%dma_wait3A_545, %dma_wait3A_546, %dma_wait3A_547] : memref<2x8x128xi32, #tpu.memory_space<vmem>> -> memref<1x1x128xi32, #tpu.memory_space<vmem>>
        %dma_wait3A_549 = tpu.memref_squeeze %dma_wait3A_548 : memref<1x1x128xi32, #tpu.memory_space<vmem>> -> memref<128xi32, #tpu.memory_space<vmem>>
        %dma_wait3A_550 = arith.constant 0 : i32
        %dma_wait3A_551 = tpu.memref_slice %arg10[%dma_wait3A_550] : memref<10240xf32, #tpu.memory_space<vmem_shared>> -> memref<10240xf32, #tpu.memory_space<vmem_shared>>
        tpu.wait_indirect_dma semaphore(%arg20 : memref<!tpu.dma_semaphore, #tpu.memory_space<semaphore_mem>>) src(%arg14 : memref<128xf32, #tpu.memory_space<vmem>>) dst(%dma_wait3A_551 : memref<10240xf32, #tpu.memory_space<vmem_shared>>)
        %dma_wait3A_552 = arith.constant 1 : i32
        %dma_wait3A_553 = arith.constant 6 : i32
        %dma_wait3A_554 = arith.constant 0 : i32
        %dma_wait3A_555 = tpu.memref_slice %arg11[%dma_wait3A_552, %dma_wait3A_553, %dma_wait3A_554] : memref<2x8x128xi32, #tpu.memory_space<vmem>> -> memref<1x1x128xi32, #tpu.memory_space<vmem>>
        %dma_wait3A_556 = tpu.memref_squeeze %dma_wait3A_555 : memref<1x1x128xi32, #tpu.memory_space<vmem>> -> memref<128xi32, #tpu.memory_space<vmem>>
        %dma_wait3A_557 = arith.constant 0 : i32
        %dma_wait3A_558 = tpu.memref_slice %arg10[%dma_wait3A_557] : memref<10240xf32, #tpu.memory_space<vmem_shared>> -> memref<10240xf32, #tpu.memory_space<vmem_shared>>
        tpu.wait_indirect_dma semaphore(%arg20 : memref<!tpu.dma_semaphore, #tpu.memory_space<semaphore_mem>>) src(%arg14 : memref<128xf32, #tpu.memory_space<vmem>>) dst(%dma_wait3A_558 : memref<10240xf32, #tpu.memory_space<vmem_shared>>)
      }
      %scan3A_242 = arith.constant 10 : i32
    } else {
    }
    %eq3A_210 = arith.constant 1 : i32
    %eq3A_211 = arith.cmpi eq, %arg0, %eq3A_210 : i32
    %convert_element_type3A_212 = arith.extui %eq3A_211 : i1 to i32
    %cond3A_213 = arith.constant 0 : i32
    %cond3A_214 = arith.cmpi ne, %convert_element_type3A_212, %cond3A_213 : i32
    scf.if %cond3A_214 {
      %scan3A_238 = arith.constant 0 : i32
      %scan3A_239 = arith.constant 10 : i32
      %scan3A_240 = arith.addi %scan3A_238, %scan3A_239 : i32
      %scan3A_241 = arith.constant 1 : i32
      scf.for %scan3A_243 = %scan3A_238 to %scan3A_240 step %scan3A_241  : i32 {
        %mul3A_244 = arith.constant 10 : i32
        %mul3A_245 = arith.muli %arg1, %mul3A_244 : i32
        %add3A_246 = arith.addi %mul3A_245, %scan3A_243 : i32
        %mul3A_247 = arith.constant 8 : i32
        %mul3A_248 = arith.muli %add3A_246, %mul3A_247 : i32
        "tpu.region"() ({
          %run_scoped3A = tpu.sem_alloc : memref<!tpu.dma_semaphore, #tpu.memory_space<semaphore_mem>>
          %dma_start3A_559 = arith.constant 0 : i32
          %dma_start3A_560 = arith.constant 0 : i32
          %dma_start3A_561 = tpu.memref_slice %arg4[%dma_start3A_559, %mul3A_248, %dma_start3A_560] : memref<2x1280x128xi32, #tpu.memory_space<hbm>> -> memref<2x8x128xi32, #tpu.memory_space<hbm>>
          %dma_start3A_562 = arith.constant 0 : i32
          %dma_start3A_563 = arith.constant 0 : i32
          %dma_start3A_564 = tpu.memref_slice %arg4[%dma_start3A_562, %mul3A_248, %dma_start3A_563] : memref<2x1280x128xi32, #tpu.memory_space<hbm>> -> memref<2x8x128xi32, #tpu.memory_space<hbm>>
          tpu.enqueue_dma source(%dma_start3A_564 : memref<2x8x128xi32, #tpu.memory_space<hbm>>) target(%arg11 : memref<2x8x128xi32, #tpu.memory_space<vmem>>) target_semaphore(%run_scoped3A : memref<!tpu.dma_semaphore, #tpu.memory_space<semaphore_mem>>)
          %dma_wait3A_565 = arith.constant 0 : i32
          %dma_wait3A_566 = arith.constant 0 : i32
          %dma_wait3A_567 = tpu.memref_slice %arg4[%dma_wait3A_565, %mul3A_248, %dma_wait3A_566] : memref<2x1280x128xi32, #tpu.memory_space<hbm>> -> memref<2x8x128xi32, #tpu.memory_space<hbm>>
          %dma_wait3A_568 = arith.constant 0 : i32
          %dma_wait3A_569 = arith.constant 0 : i32
          %dma_wait3A_570 = tpu.memref_slice %arg4[%dma_wait3A_568, %mul3A_248, %dma_wait3A_569] : memref<2x1280x128xi32, #tpu.memory_space<hbm>> -> memref<2x8x128xi32, #tpu.memory_space<hbm>>
          tpu.wait_dma2 semaphore(%run_scoped3A : memref<!tpu.dma_semaphore, #tpu.memory_space<semaphore_mem>>) src(%dma_wait3A_570 : memref<2x8x128xi32, #tpu.memory_space<hbm>>) dst(%arg11 : memref<2x8x128xi32, #tpu.memory_space<vmem>>)
          tpu.yield
        }) : () -> ()
        %dma_start3A = arith.constant 0 : i32
        %dma_start3A_249 = arith.constant 0 : i32
        %dma_start3A_250 = arith.constant 0 : i32
        %dma_start3A_251 = tpu.memref_slice %arg11[%dma_start3A, %dma_start3A_249, %dma_start3A_250] : memref<2x8x128xi32, #tpu.memory_space<vmem>> -> memref<1x1x128xi32, #tpu.memory_space<vmem>>
        %dma_start3A_252 = tpu.memref_squeeze %dma_start3A_251 : memref<1x1x128xi32, #tpu.memory_space<vmem>> -> memref<128xi32, #tpu.memory_space<vmem>>
        %dma_start3A_253 = arith.constant 0 : i32
        %dma_start3A_254 = arith.constant 0 : i32
        %dma_start3A_255 = tpu.memref_slice %arg3[%dma_start3A_253, %dma_start3A_254] : memref<10000x128xf32, #tpu.memory_space<hbm>> -> memref<10000x128xf32, #tpu.memory_space<hbm>>
        tpu.enqueue_indirect_dma source(%dma_start3A_255 : memref<10000x128xf32, #tpu.memory_space<hbm>>) target(%arg12 : memref<128x128xf32, #tpu.memory_space<vmem>>) offsets(%dma_start3A_252 : memref<128xi32, #tpu.memory_space<vmem>>) semaphore(%arg16 : memref<!tpu.dma_semaphore, #tpu.memory_space<semaphore_mem>>)
        %dma_start3A_256 = arith.constant 0 : i32
        %dma_start3A_257 = arith.constant 1 : i32
        %dma_start3A_258 = arith.constant 0 : i32
        %dma_start3A_259 = tpu.memref_slice %arg11[%dma_start3A_256, %dma_start3A_257, %dma_start3A_258] : memref<2x8x128xi32, #tpu.memory_space<vmem>> -> memref<1x1x128xi32, #tpu.memory_space<vmem>>
        %dma_start3A_260 = tpu.memref_squeeze %dma_start3A_259 : memref<1x1x128xi32, #tpu.memory_space<vmem>> -> memref<128xi32, #tpu.memory_space<vmem>>
        %dma_start3A_261 = arith.constant 0 : i32
        %dma_start3A_262 = arith.constant 0 : i32
        %dma_start3A_263 = tpu.memref_slice %arg3[%dma_start3A_261, %dma_start3A_262] : memref<10000x128xf32, #tpu.memory_space<hbm>> -> memref<10000x128xf32, #tpu.memory_space<hbm>>
        tpu.enqueue_indirect_dma source(%dma_start3A_263 : memref<10000x128xf32, #tpu.memory_space<hbm>>) target(%arg13 : memref<128x128xf32, #tpu.memory_space<vmem>>) offsets(%dma_start3A_260 : memref<128xi32, #tpu.memory_space<vmem>>) semaphore(%arg17 : memref<!tpu.dma_semaphore, #tpu.memory_space<semaphore_mem>>)
        %dma_wait3A = arith.constant 0 : i32
        %dma_wait3A_264 = arith.constant 0 : i32
        %dma_wait3A_265 = arith.constant 0 : i32
        %dma_wait3A_266 = tpu.memref_slice %arg11[%dma_wait3A, %dma_wait3A_264, %dma_wait3A_265] : memref<2x8x128xi32, #tpu.memory_space<vmem>> -> memref<1x1x128xi32, #tpu.memory_space<vmem>>
        %dma_wait3A_267 = tpu.memref_squeeze %dma_wait3A_266 : memref<1x1x128xi32, #tpu.memory_space<vmem>> -> memref<128xi32, #tpu.memory_space<vmem>>
        %dma_wait3A_268 = arith.constant 0 : i32
        %dma_wait3A_269 = arith.constant 0 : i32
        %dma_wait3A_270 = tpu.memref_slice %arg3[%dma_wait3A_268, %dma_wait3A_269] : memref<10000x128xf32, #tpu.memory_space<hbm>> -> memref<10000x128xf32, #tpu.memory_space<hbm>>
        tpu.wait_indirect_dma semaphore(%arg16 : memref<!tpu.dma_semaphore, #tpu.memory_space<semaphore_mem>>) src(%dma_wait3A_270 : memref<10000x128xf32, #tpu.memory_space<hbm>>) dst(%arg12 : memref<128x128xf32, #tpu.memory_space<vmem>>)
        %dma_start3A_271 = arith.constant 1 : i32
        %dma_start3A_272 = arith.constant 0 : i32
        %dma_start3A_273 = arith.constant 0 : i32
        %dma_start3A_274 = tpu.memref_slice %arg11[%dma_start3A_271, %dma_start3A_272, %dma_start3A_273] : memref<2x8x128xi32, #tpu.memory_space<vmem>> -> memref<1x1x128xi32, #tpu.memory_space<vmem>>
        %dma_start3A_275 = tpu.memref_squeeze %dma_start3A_274 : memref<1x1x128xi32, #tpu.memory_space<vmem>> -> memref<128xi32, #tpu.memory_space<vmem>>
        %dma_start3A_276 = arith.constant 0 : i32
        %dma_start3A_277 = arith.constant 0 : i32
        %dma_start3A_278 = tpu.memref_slice %arg9[%dma_start3A_276, %dma_start3A_277] : memref<10240x128xf32, #tpu.memory_space<vmem_shared>> -> memref<10240x128xf32, #tpu.memory_space<vmem_shared>>
        tpu.enqueue_indirect_dma source(%arg12 : memref<128x128xf32, #tpu.memory_space<vmem>>) target(%dma_start3A_278 : memref<10240x128xf32, #tpu.memory_space<vmem_shared>>) offsets(%dma_start3A_275 : memref<128xi32, #tpu.memory_space<vmem>>) semaphore(%arg18 : memref<!tpu.dma_semaphore, #tpu.memory_space<semaphore_mem>>) {add = true}
        %dma_wait3A_279 = arith.constant 1 : i32
        %dma_wait3A_280 = arith.constant 0 : i32
        %dma_wait3A_281 = arith.constant 0 : i32
        %dma_wait3A_282 = tpu.memref_slice %arg11[%dma_wait3A_279, %dma_wait3A_280, %dma_wait3A_281] : memref<2x8x128xi32, #tpu.memory_space<vmem>> -> memref<1x1x128xi32, #tpu.memory_space<vmem>>
        %dma_wait3A_283 = tpu.memref_squeeze %dma_wait3A_282 : memref<1x1x128xi32, #tpu.memory_space<vmem>> -> memref<128xi32, #tpu.memory_space<vmem>>
        %dma_wait3A_284 = arith.constant 0 : i32
        %dma_wait3A_285 = arith.constant 0 : i32
        %dma_wait3A_286 = tpu.memref_slice %arg9[%dma_wait3A_284, %dma_wait3A_285] : memref<10240x128xf32, #tpu.memory_space<vmem_shared>> -> memref<10240x128xf32, #tpu.memory_space<vmem_shared>>
        tpu.wait_indirect_dma semaphore(%arg18 : memref<!tpu.dma_semaphore, #tpu.memory_space<semaphore_mem>>) src(%arg12 : memref<128x128xf32, #tpu.memory_space<vmem>>) dst(%dma_wait3A_286 : memref<10240x128xf32, #tpu.memory_space<vmem_shared>>)
        %dma_start3A_287 = arith.constant 0 : i32
        %dma_start3A_288 = arith.constant 2 : i32
        %dma_start3A_289 = arith.constant 0 : i32
        %dma_start3A_290 = tpu.memref_slice %arg11[%dma_start3A_287, %dma_start3A_288, %dma_start3A_289] : memref<2x8x128xi32, #tpu.memory_space<vmem>> -> memref<1x1x128xi32, #tpu.memory_space<vmem>>
        %dma_start3A_291 = tpu.memref_squeeze %dma_start3A_290 : memref<1x1x128xi32, #tpu.memory_space<vmem>> -> memref<128xi32, #tpu.memory_space<vmem>>
        %dma_start3A_292 = arith.constant 0 : i32
        %dma_start3A_293 = arith.constant 0 : i32
        %dma_start3A_294 = tpu.memref_slice %arg3[%dma_start3A_292, %dma_start3A_293] : memref<10000x128xf32, #tpu.memory_space<hbm>> -> memref<10000x128xf32, #tpu.memory_space<hbm>>
        tpu.enqueue_indirect_dma source(%dma_start3A_294 : memref<10000x128xf32, #tpu.memory_space<hbm>>) target(%arg12 : memref<128x128xf32, #tpu.memory_space<vmem>>) offsets(%dma_start3A_291 : memref<128xi32, #tpu.memory_space<vmem>>) semaphore(%arg16 : memref<!tpu.dma_semaphore, #tpu.memory_space<semaphore_mem>>)
        %dma_wait3A_295 = arith.constant 0 : i32
        %dma_wait3A_296 = arith.constant 1 : i32
        %dma_wait3A_297 = arith.constant 0 : i32
        %dma_wait3A_298 = tpu.memref_slice %arg11[%dma_wait3A_295, %dma_wait3A_296, %dma_wait3A_297] : memref<2x8x128xi32, #tpu.memory_space<vmem>> -> memref<1x1x128xi32, #tpu.memory_space<vmem>>
        %dma_wait3A_299 = tpu.memref_squeeze %dma_wait3A_298 : memref<1x1x128xi32, #tpu.memory_space<vmem>> -> memref<128xi32, #tpu.memory_space<vmem>>
        %dma_wait3A_300 = arith.constant 0 : i32
        %dma_wait3A_301 = arith.constant 0 : i32
        %dma_wait3A_302 = tpu.memref_slice %arg3[%dma_wait3A_300, %dma_wait3A_301] : memref<10000x128xf32, #tpu.memory_space<hbm>> -> memref<10000x128xf32, #tpu.memory_space<hbm>>
        tpu.wait_indirect_dma semaphore(%arg17 : memref<!tpu.dma_semaphore, #tpu.memory_space<semaphore_mem>>) src(%dma_wait3A_302 : memref<10000x128xf32, #tpu.memory_space<hbm>>) dst(%arg13 : memref<128x128xf32, #tpu.memory_space<vmem>>)
        %dma_start3A_303 = arith.constant 1 : i32
        %dma_start3A_304 = arith.constant 1 : i32
        %dma_start3A_305 = arith.constant 0 : i32
        %dma_start3A_306 = tpu.memref_slice %arg11[%dma_start3A_303, %dma_start3A_304, %dma_start3A_305] : memref<2x8x128xi32, #tpu.memory_space<vmem>> -> memref<1x1x128xi32, #tpu.memory_space<vmem>>
        %dma_start3A_307 = tpu.memref_squeeze %dma_start3A_306 : memref<1x1x128xi32, #tpu.memory_space<vmem>> -> memref<128xi32, #tpu.memory_space<vmem>>
        %dma_start3A_308 = arith.constant 0 : i32
        %dma_start3A_309 = arith.constant 0 : i32
        %dma_start3A_310 = tpu.memref_slice %arg9[%dma_start3A_308, %dma_start3A_309] : memref<10240x128xf32, #tpu.memory_space<vmem_shared>> -> memref<10240x128xf32, #tpu.memory_space<vmem_shared>>
        tpu.enqueue_indirect_dma source(%arg13 : memref<128x128xf32, #tpu.memory_space<vmem>>) target(%dma_start3A_310 : memref<10240x128xf32, #tpu.memory_space<vmem_shared>>) offsets(%dma_start3A_307 : memref<128xi32, #tpu.memory_space<vmem>>) semaphore(%arg19 : memref<!tpu.dma_semaphore, #tpu.memory_space<semaphore_mem>>) {add = true}
        %dma_start3A_311 = arith.constant 1 : i32
        %dma_start3A_312 = arith.constant 1 : i32
        %dma_start3A_313 = arith.constant 0 : i32
        %dma_start3A_314 = tpu.memref_slice %arg11[%dma_start3A_311, %dma_start3A_312, %dma_start3A_313] : memref<2x8x128xi32, #tpu.memory_space<vmem>> -> memref<1x1x128xi32, #tpu.memory_space<vmem>>
        %dma_start3A_315 = tpu.memref_squeeze %dma_start3A_314 : memref<1x1x128xi32, #tpu.memory_space<vmem>> -> memref<128xi32, #tpu.memory_space<vmem>>
        %dma_start3A_316 = arith.constant 0 : i32
        %dma_start3A_317 = tpu.memref_slice %arg10[%dma_start3A_316] : memref<10240xf32, #tpu.memory_space<vmem_shared>> -> memref<10240xf32, #tpu.memory_space<vmem_shared>>
        tpu.enqueue_indirect_dma source(%arg14 : memref<128xf32, #tpu.memory_space<vmem>>) target(%dma_start3A_317 : memref<10240xf32, #tpu.memory_space<vmem_shared>>) offsets(%dma_start3A_315 : memref<128xi32, #tpu.memory_space<vmem>>) semaphore(%arg20 : memref<!tpu.dma_semaphore, #tpu.memory_space<semaphore_mem>>) {add = true}
        %dma_wait3A_318 = arith.constant 1 : i32
        %dma_wait3A_319 = arith.constant 1 : i32
        %dma_wait3A_320 = arith.constant 0 : i32
        %dma_wait3A_321 = tpu.memref_slice %arg11[%dma_wait3A_318, %dma_wait3A_319, %dma_wait3A_320] : memref<2x8x128xi32, #tpu.memory_space<vmem>> -> memref<1x1x128xi32, #tpu.memory_space<vmem>>
        %dma_wait3A_322 = tpu.memref_squeeze %dma_wait3A_321 : memref<1x1x128xi32, #tpu.memory_space<vmem>> -> memref<128xi32, #tpu.memory_space<vmem>>
        %dma_wait3A_323 = arith.constant 0 : i32
        %dma_wait3A_324 = arith.constant 0 : i32
        %dma_wait3A_325 = tpu.memref_slice %arg9[%dma_wait3A_323, %dma_wait3A_324] : memref<10240x128xf32, #tpu.memory_space<vmem_shared>> -> memref<10240x128xf32, #tpu.memory_space<vmem_shared>>
        tpu.wait_indirect_dma semaphore(%arg19 : memref<!tpu.dma_semaphore, #tpu.memory_space<semaphore_mem>>) src(%arg13 : memref<128x128xf32, #tpu.memory_space<vmem>>) dst(%dma_wait3A_325 : memref<10240x128xf32, #tpu.memory_space<vmem_shared>>)
        %dma_start3A_326 = arith.constant 0 : i32
        %dma_start3A_327 = arith.constant 3 : i32
        %dma_start3A_328 = arith.constant 0 : i32
        %dma_start3A_329 = tpu.memref_slice %arg11[%dma_start3A_326, %dma_start3A_327, %dma_start3A_328] : memref<2x8x128xi32, #tpu.memory_space<vmem>> -> memref<1x1x128xi32, #tpu.memory_space<vmem>>
        %dma_start3A_330 = tpu.memref_squeeze %dma_start3A_329 : memref<1x1x128xi32, #tpu.memory_space<vmem>> -> memref<128xi32, #tpu.memory_space<vmem>>
        %dma_start3A_331 = arith.constant 0 : i32
        %dma_start3A_332 = arith.constant 0 : i32
        %dma_start3A_333 = tpu.memref_slice %arg3[%dma_start3A_331, %dma_start3A_332] : memref<10000x128xf32, #tpu.memory_space<hbm>> -> memref<10000x128xf32, #tpu.memory_space<hbm>>
        tpu.enqueue_indirect_dma source(%dma_start3A_333 : memref<10000x128xf32, #tpu.memory_space<hbm>>) target(%arg13 : memref<128x128xf32, #tpu.memory_space<vmem>>) offsets(%dma_start3A_330 : memref<128xi32, #tpu.memory_space<vmem>>) semaphore(%arg17 : memref<!tpu.dma_semaphore, #tpu.memory_space<semaphore_mem>>)
        %dma_wait3A_334 = arith.constant 0 : i32
        %dma_wait3A_335 = arith.constant 2 : i32
        %dma_wait3A_336 = arith.constant 0 : i32
        %dma_wait3A_337 = tpu.memref_slice %arg11[%dma_wait3A_334, %dma_wait3A_335, %dma_wait3A_336] : memref<2x8x128xi32, #tpu.memory_space<vmem>> -> memref<1x1x128xi32, #tpu.memory_space<vmem>>
        %dma_wait3A_338 = tpu.memref_squeeze %dma_wait3A_337 : memref<1x1x128xi32, #tpu.memory_space<vmem>> -> memref<128xi32, #tpu.memory_space<vmem>>
        %dma_wait3A_339 = arith.constant 0 : i32
        %dma_wait3A_340 = arith.constant 0 : i32
        %dma_wait3A_341 = tpu.memref_slice %arg3[%dma_wait3A_339, %dma_wait3A_340] : memref<10000x128xf32, #tpu.memory_space<hbm>> -> memref<10000x128xf32, #tpu.memory_space<hbm>>
        tpu.wait_indirect_dma semaphore(%arg16 : memref<!tpu.dma_semaphore, #tpu.memory_space<semaphore_mem>>) src(%dma_wait3A_341 : memref<10000x128xf32, #tpu.memory_space<hbm>>) dst(%arg12 : memref<128x128xf32, #tpu.memory_space<vmem>>)
        %dma_start3A_342 = arith.constant 1 : i32
        %dma_start3A_343 = arith.constant 2 : i32
        %dma_start3A_344 = arith.constant 0 : i32
        %dma_start3A_345 = tpu.memref_slice %arg11[%dma_start3A_342, %dma_start3A_343, %dma_start3A_344] : memref<2x8x128xi32, #tpu.memory_space<vmem>> -> memref<1x1x128xi32, #tpu.memory_space<vmem>>
        %dma_start3A_346 = tpu.memref_squeeze %dma_start3A_345 : memref<1x1x128xi32, #tpu.memory_space<vmem>> -> memref<128xi32, #tpu.memory_space<vmem>>
        %dma_start3A_347 = arith.constant 0 : i32
        %dma_start3A_348 = arith.constant 0 : i32
        %dma_start3A_349 = tpu.memref_slice %arg9[%dma_start3A_347, %dma_start3A_348] : memref<10240x128xf32, #tpu.memory_space<vmem_shared>> -> memref<10240x128xf32, #tpu.memory_space<vmem_shared>>
        tpu.enqueue_indirect_dma source(%arg12 : memref<128x128xf32, #tpu.memory_space<vmem>>) target(%dma_start3A_349 : memref<10240x128xf32, #tpu.memory_space<vmem_shared>>) offsets(%dma_start3A_346 : memref<128xi32, #tpu.memory_space<vmem>>) semaphore(%arg18 : memref<!tpu.dma_semaphore, #tpu.memory_space<semaphore_mem>>) {add = true}
        %dma_wait3A_350 = arith.constant 1 : i32
        %dma_wait3A_351 = arith.constant 2 : i32
        %dma_wait3A_352 = arith.constant 0 : i32
        %dma_wait3A_353 = tpu.memref_slice %arg11[%dma_wait3A_350, %dma_wait3A_351, %dma_wait3A_352] : memref<2x8x128xi32, #tpu.memory_space<vmem>> -> memref<1x1x128xi32, #tpu.memory_space<vmem>>
        %dma_wait3A_354 = tpu.memref_squeeze %dma_wait3A_353 : memref<1x1x128xi32, #tpu.memory_space<vmem>> -> memref<128xi32, #tpu.memory_space<vmem>>
        %dma_wait3A_355 = arith.constant 0 : i32
        %dma_wait3A_356 = arith.constant 0 : i32
        %dma_wait3A_357 = tpu.memref_slice %arg9[%dma_wait3A_355, %dma_wait3A_356] : memref<10240x128xf32, #tpu.memory_space<vmem_shared>> -> memref<10240x128xf32, #tpu.memory_space<vmem_shared>>
        tpu.wait_indirect_dma semaphore(%arg18 : memref<!tpu.dma_semaphore, #tpu.memory_space<semaphore_mem>>) src(%arg12 : memref<128x128xf32, #tpu.memory_space<vmem>>) dst(%dma_wait3A_357 : memref<10240x128xf32, #tpu.memory_space<vmem_shared>>)
        %dma_start3A_358 = arith.constant 0 : i32
        %dma_start3A_359 = arith.constant 4 : i32
        %dma_start3A_360 = arith.constant 0 : i32
        %dma_start3A_361 = tpu.memref_slice %arg11[%dma_start3A_358, %dma_start3A_359, %dma_start3A_360] : memref<2x8x128xi32, #tpu.memory_space<vmem>> -> memref<1x1x128xi32, #tpu.memory_space<vmem>>
        %dma_start3A_362 = tpu.memref_squeeze %dma_start3A_361 : memref<1x1x128xi32, #tpu.memory_space<vmem>> -> memref<128xi32, #tpu.memory_space<vmem>>
        %dma_start3A_363 = arith.constant 0 : i32
        %dma_start3A_364 = arith.constant 0 : i32
        %dma_start3A_365 = tpu.memref_slice %arg3[%dma_start3A_363, %dma_start3A_364] : memref<10000x128xf32, #tpu.memory_space<hbm>> -> memref<10000x128xf32, #tpu.memory_space<hbm>>
        tpu.enqueue_indirect_dma source(%dma_start3A_365 : memref<10000x128xf32, #tpu.memory_space<hbm>>) target(%arg12 : memref<128x128xf32, #tpu.memory_space<vmem>>) offsets(%dma_start3A_362 : memref<128xi32, #tpu.memory_space<vmem>>) semaphore(%arg16 : memref<!tpu.dma_semaphore, #tpu.memory_space<semaphore_mem>>)
        %dma_wait3A_366 = arith.constant 0 : i32
        %dma_wait3A_367 = arith.constant 3 : i32
        %dma_wait3A_368 = arith.constant 0 : i32
        %dma_wait3A_369 = tpu.memref_slice %arg11[%dma_wait3A_366, %dma_wait3A_367, %dma_wait3A_368] : memref<2x8x128xi32, #tpu.memory_space<vmem>> -> memref<1x1x128xi32, #tpu.memory_space<vmem>>
        %dma_wait3A_370 = tpu.memref_squeeze %dma_wait3A_369 : memref<1x1x128xi32, #tpu.memory_space<vmem>> -> memref<128xi32, #tpu.memory_space<vmem>>
        %dma_wait3A_371 = arith.constant 0 : i32
        %dma_wait3A_372 = arith.constant 0 : i32
        %dma_wait3A_373 = tpu.memref_slice %arg3[%dma_wait3A_371, %dma_wait3A_372] : memref<10000x128xf32, #tpu.memory_space<hbm>> -> memref<10000x128xf32, #tpu.memory_space<hbm>>
        tpu.wait_indirect_dma semaphore(%arg17 : memref<!tpu.dma_semaphore, #tpu.memory_space<semaphore_mem>>) src(%dma_wait3A_373 : memref<10000x128xf32, #tpu.memory_space<hbm>>) dst(%arg13 : memref<128x128xf32, #tpu.memory_space<vmem>>)
        %dma_start3A_374 = arith.constant 1 : i32
        %dma_start3A_375 = arith.constant 3 : i32
        %dma_start3A_376 = arith.constant 0 : i32
        %dma_start3A_377 = tpu.memref_slice %arg11[%dma_start3A_374, %dma_start3A_375, %dma_start3A_376] : memref<2x8x128xi32, #tpu.memory_space<vmem>> -> memref<1x1x128xi32, #tpu.memory_space<vmem>>
        %dma_start3A_378 = tpu.memref_squeeze %dma_start3A_377 : memref<1x1x128xi32, #tpu.memory_space<vmem>> -> memref<128xi32, #tpu.memory_space<vmem>>
        %dma_start3A_379 = arith.constant 0 : i32
        %dma_start3A_380 = arith.constant 0 : i32
        %dma_start3A_381 = tpu.memref_slice %arg9[%dma_start3A_379, %dma_start3A_380] : memref<10240x128xf32, #tpu.memory_space<vmem_shared>> -> memref<10240x128xf32, #tpu.memory_space<vmem_shared>>
        tpu.enqueue_indirect_dma source(%arg13 : memref<128x128xf32, #tpu.memory_space<vmem>>) target(%dma_start3A_381 : memref<10240x128xf32, #tpu.memory_space<vmem_shared>>) offsets(%dma_start3A_378 : memref<128xi32, #tpu.memory_space<vmem>>) semaphore(%arg19 : memref<!tpu.dma_semaphore, #tpu.memory_space<semaphore_mem>>) {add = true}
        %dma_start3A_382 = arith.constant 1 : i32
        %dma_start3A_383 = arith.constant 3 : i32
        %dma_start3A_384 = arith.constant 0 : i32
        %dma_start3A_385 = tpu.memref_slice %arg11[%dma_start3A_382, %dma_start3A_383, %dma_start3A_384] : memref<2x8x128xi32, #tpu.memory_space<vmem>> -> memref<1x1x128xi32, #tpu.memory_space<vmem>>
        %dma_start3A_386 = tpu.memref_squeeze %dma_start3A_385 : memref<1x1x128xi32, #tpu.memory_space<vmem>> -> memref<128xi32, #tpu.memory_space<vmem>>
        %dma_start3A_387 = arith.constant 0 : i32
        %dma_start3A_388 = tpu.memref_slice %arg10[%dma_start3A_387] : memref<10240xf32, #tpu.memory_space<vmem_shared>> -> memref<10240xf32, #tpu.memory_space<vmem_shared>>
        tpu.enqueue_indirect_dma source(%arg14 : memref<128xf32, #tpu.memory_space<vmem>>) target(%dma_start3A_388 : memref<10240xf32, #tpu.memory_space<vmem_shared>>) offsets(%dma_start3A_386 : memref<128xi32, #tpu.memory_space<vmem>>) semaphore(%arg20 : memref<!tpu.dma_semaphore, #tpu.memory_space<semaphore_mem>>) {add = true}
        %dma_wait3A_389 = arith.constant 1 : i32
        %dma_wait3A_390 = arith.constant 3 : i32
        %dma_wait3A_391 = arith.constant 0 : i32
        %dma_wait3A_392 = tpu.memref_slice %arg11[%dma_wait3A_389, %dma_wait3A_390, %dma_wait3A_391] : memref<2x8x128xi32, #tpu.memory_space<vmem>> -> memref<1x1x128xi32, #tpu.memory_space<vmem>>
        %dma_wait3A_393 = tpu.memref_squeeze %dma_wait3A_392 : memref<1x1x128xi32, #tpu.memory_space<vmem>> -> memref<128xi32, #tpu.memory_space<vmem>>
        %dma_wait3A_394 = arith.constant 0 : i32
        %dma_wait3A_395 = arith.constant 0 : i32
        %dma_wait3A_396 = tpu.memref_slice %arg9[%dma_wait3A_394, %dma_wait3A_395] : memref<10240x128xf32, #tpu.memory_space<vmem_shared>> -> memref<10240x128xf32, #tpu.memory_space<vmem_shared>>
        tpu.wait_indirect_dma semaphore(%arg19 : memref<!tpu.dma_semaphore, #tpu.memory_space<semaphore_mem>>) src(%arg13 : memref<128x128xf32, #tpu.memory_space<vmem>>) dst(%dma_wait3A_396 : memref<10240x128xf32, #tpu.memory_space<vmem_shared>>)
        %dma_start3A_397 = arith.constant 0 : i32
        %dma_start3A_398 = arith.constant 5 : i32
        %dma_start3A_399 = arith.constant 0 : i32
        %dma_start3A_400 = tpu.memref_slice %arg11[%dma_start3A_397, %dma_start3A_398, %dma_start3A_399] : memref<2x8x128xi32, #tpu.memory_space<vmem>> -> memref<1x1x128xi32, #tpu.memory_space<vmem>>
        %dma_start3A_401 = tpu.memref_squeeze %dma_start3A_400 : memref<1x1x128xi32, #tpu.memory_space<vmem>> -> memref<128xi32, #tpu.memory_space<vmem>>
        %dma_start3A_402 = arith.constant 0 : i32
        %dma_start3A_403 = arith.constant 0 : i32
        %dma_start3A_404 = tpu.memref_slice %arg3[%dma_start3A_402, %dma_start3A_403] : memref<10000x128xf32, #tpu.memory_space<hbm>> -> memref<10000x128xf32, #tpu.memory_space<hbm>>
        tpu.enqueue_indirect_dma source(%dma_start3A_404 : memref<10000x128xf32, #tpu.memory_space<hbm>>) target(%arg13 : memref<128x128xf32, #tpu.memory_space<vmem>>) offsets(%dma_start3A_401 : memref<128xi32, #tpu.memory_space<vmem>>) semaphore(%arg17 : memref<!tpu.dma_semaphore, #tpu.memory_space<semaphore_mem>>)
        %dma_wait3A_405 = arith.constant 0 : i32
        %dma_wait3A_406 = arith.constant 4 : i32
        %dma_wait3A_407 = arith.constant 0 : i32
        %dma_wait3A_408 = tpu.memref_slice %arg11[%dma_wait3A_405, %dma_wait3A_406, %dma_wait3A_407] : memref<2x8x128xi32, #tpu.memory_space<vmem>> -> memref<1x1x128xi32, #tpu.memory_space<vmem>>
        %dma_wait3A_409 = tpu.memref_squeeze %dma_wait3A_408 : memref<1x1x128xi32, #tpu.memory_space<vmem>> -> memref<128xi32, #tpu.memory_space<vmem>>
        %dma_wait3A_410 = arith.constant 0 : i32
        %dma_wait3A_411 = arith.constant 0 : i32
        %dma_wait3A_412 = tpu.memref_slice %arg3[%dma_wait3A_410, %dma_wait3A_411] : memref<10000x128xf32, #tpu.memory_space<hbm>> -> memref<10000x128xf32, #tpu.memory_space<hbm>>
        tpu.wait_indirect_dma semaphore(%arg16 : memref<!tpu.dma_semaphore, #tpu.memory_space<semaphore_mem>>) src(%dma_wait3A_412 : memref<10000x128xf32, #tpu.memory_space<hbm>>) dst(%arg12 : memref<128x128xf32, #tpu.memory_space<vmem>>)
        %dma_start3A_413 = arith.constant 1 : i32
        %dma_start3A_414 = arith.constant 4 : i32
        %dma_start3A_415 = arith.constant 0 : i32
        %dma_start3A_416 = tpu.memref_slice %arg11[%dma_start3A_413, %dma_start3A_414, %dma_start3A_415] : memref<2x8x128xi32, #tpu.memory_space<vmem>> -> memref<1x1x128xi32, #tpu.memory_space<vmem>>
        %dma_start3A_417 = tpu.memref_squeeze %dma_start3A_416 : memref<1x1x128xi32, #tpu.memory_space<vmem>> -> memref<128xi32, #tpu.memory_space<vmem>>
        %dma_start3A_418 = arith.constant 0 : i32
        %dma_start3A_419 = arith.constant 0 : i32
        %dma_start3A_420 = tpu.memref_slice %arg9[%dma_start3A_418, %dma_start3A_419] : memref<10240x128xf32, #tpu.memory_space<vmem_shared>> -> memref<10240x128xf32, #tpu.memory_space<vmem_shared>>
        tpu.enqueue_indirect_dma source(%arg12 : memref<128x128xf32, #tpu.memory_space<vmem>>) target(%dma_start3A_420 : memref<10240x128xf32, #tpu.memory_space<vmem_shared>>) offsets(%dma_start3A_417 : memref<128xi32, #tpu.memory_space<vmem>>) semaphore(%arg18 : memref<!tpu.dma_semaphore, #tpu.memory_space<semaphore_mem>>) {add = true}
        %dma_wait3A_421 = arith.constant 1 : i32
        %dma_wait3A_422 = arith.constant 4 : i32
        %dma_wait3A_423 = arith.constant 0 : i32
        %dma_wait3A_424 = tpu.memref_slice %arg11[%dma_wait3A_421, %dma_wait3A_422, %dma_wait3A_423] : memref<2x8x128xi32, #tpu.memory_space<vmem>> -> memref<1x1x128xi32, #tpu.memory_space<vmem>>
        %dma_wait3A_425 = tpu.memref_squeeze %dma_wait3A_424 : memref<1x1x128xi32, #tpu.memory_space<vmem>> -> memref<128xi32, #tpu.memory_space<vmem>>
        %dma_wait3A_426 = arith.constant 0 : i32
        %dma_wait3A_427 = arith.constant 0 : i32
        %dma_wait3A_428 = tpu.memref_slice %arg9[%dma_wait3A_426, %dma_wait3A_427] : memref<10240x128xf32, #tpu.memory_space<vmem_shared>> -> memref<10240x128xf32, #tpu.memory_space<vmem_shared>>
        tpu.wait_indirect_dma semaphore(%arg18 : memref<!tpu.dma_semaphore, #tpu.memory_space<semaphore_mem>>) src(%arg12 : memref<128x128xf32, #tpu.memory_space<vmem>>) dst(%dma_wait3A_428 : memref<10240x128xf32, #tpu.memory_space<vmem_shared>>)
        %dma_start3A_429 = arith.constant 0 : i32
        %dma_start3A_430 = arith.constant 6 : i32
        %dma_start3A_431 = arith.constant 0 : i32
        %dma_start3A_432 = tpu.memref_slice %arg11[%dma_start3A_429, %dma_start3A_430, %dma_start3A_431] : memref<2x8x128xi32, #tpu.memory_space<vmem>> -> memref<1x1x128xi32, #tpu.memory_space<vmem>>
        %dma_start3A_433 = tpu.memref_squeeze %dma_start3A_432 : memref<1x1x128xi32, #tpu.memory_space<vmem>> -> memref<128xi32, #tpu.memory_space<vmem>>
        %dma_start3A_434 = arith.constant 0 : i32
        %dma_start3A_435 = arith.constant 0 : i32
        %dma_start3A_436 = tpu.memref_slice %arg3[%dma_start3A_434, %dma_start3A_435] : memref<10000x128xf32, #tpu.memory_space<hbm>> -> memref<10000x128xf32, #tpu.memory_space<hbm>>
        tpu.enqueue_indirect_dma source(%dma_start3A_436 : memref<10000x128xf32, #tpu.memory_space<hbm>>) target(%arg12 : memref<128x128xf32, #tpu.memory_space<vmem>>) offsets(%dma_start3A_433 : memref<128xi32, #tpu.memory_space<vmem>>) semaphore(%arg16 : memref<!tpu.dma_semaphore, #tpu.memory_space<semaphore_mem>>)
        %dma_wait3A_437 = arith.constant 0 : i32
        %dma_wait3A_438 = arith.constant 5 : i32
        %dma_wait3A_439 = arith.constant 0 : i32
        %dma_wait3A_440 = tpu.memref_slice %arg11[%dma_wait3A_437, %dma_wait3A_438, %dma_wait3A_439] : memref<2x8x128xi32, #tpu.memory_space<vmem>> -> memref<1x1x128xi32, #tpu.memory_space<vmem>>
        %dma_wait3A_441 = tpu.memref_squeeze %dma_wait3A_440 : memref<1x1x128xi32, #tpu.memory_space<vmem>> -> memref<128xi32, #tpu.memory_space<vmem>>
        %dma_wait3A_442 = arith.constant 0 : i32
        %dma_wait3A_443 = arith.constant 0 : i32
        %dma_wait3A_444 = tpu.memref_slice %arg3[%dma_wait3A_442, %dma_wait3A_443] : memref<10000x128xf32, #tpu.memory_space<hbm>> -> memref<10000x128xf32, #tpu.memory_space<hbm>>
        tpu.wait_indirect_dma semaphore(%arg17 : memref<!tpu.dma_semaphore, #tpu.memory_space<semaphore_mem>>) src(%dma_wait3A_444 : memref<10000x128xf32, #tpu.memory_space<hbm>>) dst(%arg13 : memref<128x128xf32, #tpu.memory_space<vmem>>)
        %dma_start3A_445 = arith.constant 1 : i32
        %dma_start3A_446 = arith.constant 5 : i32
        %dma_start3A_447 = arith.constant 0 : i32
        %dma_start3A_448 = tpu.memref_slice %arg11[%dma_start3A_445, %dma_start3A_446, %dma_start3A_447] : memref<2x8x128xi32, #tpu.memory_space<vmem>> -> memref<1x1x128xi32, #tpu.memory_space<vmem>>
        %dma_start3A_449 = tpu.memref_squeeze %dma_start3A_448 : memref<1x1x128xi32, #tpu.memory_space<vmem>> -> memref<128xi32, #tpu.memory_space<vmem>>
        %dma_start3A_450 = arith.constant 0 : i32
        %dma_start3A_451 = arith.constant 0 : i32
        %dma_start3A_452 = tpu.memref_slice %arg9[%dma_start3A_450, %dma_start3A_451] : memref<10240x128xf32, #tpu.memory_space<vmem_shared>> -> memref<10240x128xf32, #tpu.memory_space<vmem_shared>>
        tpu.enqueue_indirect_dma source(%arg13 : memref<128x128xf32, #tpu.memory_space<vmem>>) target(%dma_start3A_452 : memref<10240x128xf32, #tpu.memory_space<vmem_shared>>) offsets(%dma_start3A_449 : memref<128xi32, #tpu.memory_space<vmem>>) semaphore(%arg19 : memref<!tpu.dma_semaphore, #tpu.memory_space<semaphore_mem>>) {add = true}
        %dma_start3A_453 = arith.constant 1 : i32
        %dma_start3A_454 = arith.constant 5 : i32
        %dma_start3A_455 = arith.constant 0 : i32
        %dma_start3A_456 = tpu.memref_slice %arg11[%dma_start3A_453, %dma_start3A_454, %dma_start3A_455] : memref<2x8x128xi32, #tpu.memory_space<vmem>> -> memref<1x1x128xi32, #tpu.memory_space<vmem>>
        %dma_start3A_457 = tpu.memref_squeeze %dma_start3A_456 : memref<1x1x128xi32, #tpu.memory_space<vmem>> -> memref<128xi32, #tpu.memory_space<vmem>>
        %dma_start3A_458 = arith.constant 0 : i32
        %dma_start3A_459 = tpu.memref_slice %arg10[%dma_start3A_458] : memref<10240xf32, #tpu.memory_space<vmem_shared>> -> memref<10240xf32, #tpu.memory_space<vmem_shared>>
        tpu.enqueue_indirect_dma source(%arg14 : memref<128xf32, #tpu.memory_space<vmem>>) target(%dma_start3A_459 : memref<10240xf32, #tpu.memory_space<vmem_shared>>) offsets(%dma_start3A_457 : memref<128xi32, #tpu.memory_space<vmem>>) semaphore(%arg20 : memref<!tpu.dma_semaphore, #tpu.memory_space<semaphore_mem>>) {add = true}
        %dma_wait3A_460 = arith.constant 1 : i32
        %dma_wait3A_461 = arith.constant 5 : i32
        %dma_wait3A_462 = arith.constant 0 : i32
        %dma_wait3A_463 = tpu.memref_slice %arg11[%dma_wait3A_460, %dma_wait3A_461, %dma_wait3A_462] : memref<2x8x128xi32, #tpu.memory_space<vmem>> -> memref<1x1x128xi32, #tpu.memory_space<vmem>>
        %dma_wait3A_464 = tpu.memref_squeeze %dma_wait3A_463 : memref<1x1x128xi32, #tpu.memory_space<vmem>> -> memref<128xi32, #tpu.memory_space<vmem>>
        %dma_wait3A_465 = arith.constant 0 : i32
        %dma_wait3A_466 = arith.constant 0 : i32
        %dma_wait3A_467 = tpu.memref_slice %arg9[%dma_wait3A_465, %dma_wait3A_466] : memref<10240x128xf32, #tpu.memory_space<vmem_shared>> -> memref<10240x128xf32, #tpu.memory_space<vmem_shared>>
        tpu.wait_indirect_dma semaphore(%arg19 : memref<!tpu.dma_semaphore, #tpu.memory_space<semaphore_mem>>) src(%arg13 : memref<128x128xf32, #tpu.memory_space<vmem>>) dst(%dma_wait3A_467 : memref<10240x128xf32, #tpu.memory_space<vmem_shared>>)
        %dma_start3A_468 = arith.constant 0 : i32
        %dma_start3A_469 = arith.constant 7 : i32
        %dma_start3A_470 = arith.constant 0 : i32
        %dma_start3A_471 = tpu.memref_slice %arg11[%dma_start3A_468, %dma_start3A_469, %dma_start3A_470] : memref<2x8x128xi32, #tpu.memory_space<vmem>> -> memref<1x1x128xi32, #tpu.memory_space<vmem>>
        %dma_start3A_472 = tpu.memref_squeeze %dma_start3A_471 : memref<1x1x128xi32, #tpu.memory_space<vmem>> -> memref<128xi32, #tpu.memory_space<vmem>>
        %dma_start3A_473 = arith.constant 0 : i32
        %dma_start3A_474 = arith.constant 0 : i32
        %dma_start3A_475 = tpu.memref_slice %arg3[%dma_start3A_473, %dma_start3A_474] : memref<10000x128xf32, #tpu.memory_space<hbm>> -> memref<10000x128xf32, #tpu.memory_space<hbm>>
        tpu.enqueue_indirect_dma source(%dma_start3A_475 : memref<10000x128xf32, #tpu.memory_space<hbm>>) target(%arg13 : memref<128x128xf32, #tpu.memory_space<vmem>>) offsets(%dma_start3A_472 : memref<128xi32, #tpu.memory_space<vmem>>) semaphore(%arg17 : memref<!tpu.dma_semaphore, #tpu.memory_space<semaphore_mem>>)
        %dma_wait3A_476 = arith.constant 0 : i32
        %dma_wait3A_477 = arith.constant 6 : i32
        %dma_wait3A_478 = arith.constant 0 : i32
        %dma_wait3A_479 = tpu.memref_slice %arg11[%dma_wait3A_476, %dma_wait3A_477, %dma_wait3A_478] : memref<2x8x128xi32, #tpu.memory_space<vmem>> -> memref<1x1x128xi32, #tpu.memory_space<vmem>>
        %dma_wait3A_480 = tpu.memref_squeeze %dma_wait3A_479 : memref<1x1x128xi32, #tpu.memory_space<vmem>> -> memref<128xi32, #tpu.memory_space<vmem>>
        %dma_wait3A_481 = arith.constant 0 : i32
        %dma_wait3A_482 = arith.constant 0 : i32
        %dma_wait3A_483 = tpu.memref_slice %arg3[%dma_wait3A_481, %dma_wait3A_482] : memref<10000x128xf32, #tpu.memory_space<hbm>> -> memref<10000x128xf32, #tpu.memory_space<hbm>>
        tpu.wait_indirect_dma semaphore(%arg16 : memref<!tpu.dma_semaphore, #tpu.memory_space<semaphore_mem>>) src(%dma_wait3A_483 : memref<10000x128xf32, #tpu.memory_space<hbm>>) dst(%arg12 : memref<128x128xf32, #tpu.memory_space<vmem>>)
        %dma_start3A_484 = arith.constant 1 : i32
        %dma_start3A_485 = arith.constant 6 : i32
        %dma_start3A_486 = arith.constant 0 : i32
        %dma_start3A_487 = tpu.memref_slice %arg11[%dma_start3A_484, %dma_start3A_485, %dma_start3A_486] : memref<2x8x128xi32, #tpu.memory_space<vmem>> -> memref<1x1x128xi32, #tpu.memory_space<vmem>>
        %dma_start3A_488 = tpu.memref_squeeze %dma_start3A_487 : memref<1x1x128xi32, #tpu.memory_space<vmem>> -> memref<128xi32, #tpu.memory_space<vmem>>
        %dma_start3A_489 = arith.constant 0 : i32
        %dma_start3A_490 = arith.constant 0 : i32
        %dma_start3A_491 = tpu.memref_slice %arg9[%dma_start3A_489, %dma_start3A_490] : memref<10240x128xf32, #tpu.memory_space<vmem_shared>> -> memref<10240x128xf32, #tpu.memory_space<vmem_shared>>
        tpu.enqueue_indirect_dma source(%arg12 : memref<128x128xf32, #tpu.memory_space<vmem>>) target(%dma_start3A_491 : memref<10240x128xf32, #tpu.memory_space<vmem_shared>>) offsets(%dma_start3A_488 : memref<128xi32, #tpu.memory_space<vmem>>) semaphore(%arg18 : memref<!tpu.dma_semaphore, #tpu.memory_space<semaphore_mem>>) {add = true}
        %dma_wait3A_492 = arith.constant 0 : i32
        %dma_wait3A_493 = arith.constant 7 : i32
        %dma_wait3A_494 = arith.constant 0 : i32
        %dma_wait3A_495 = tpu.memref_slice %arg11[%dma_wait3A_492, %dma_wait3A_493, %dma_wait3A_494] : memref<2x8x128xi32, #tpu.memory_space<vmem>> -> memref<1x1x128xi32, #tpu.memory_space<vmem>>
        %dma_wait3A_496 = tpu.memref_squeeze %dma_wait3A_495 : memref<1x1x128xi32, #tpu.memory_space<vmem>> -> memref<128xi32, #tpu.memory_space<vmem>>
        %dma_wait3A_497 = arith.constant 0 : i32
        %dma_wait3A_498 = arith.constant 0 : i32
        %dma_wait3A_499 = tpu.memref_slice %arg3[%dma_wait3A_497, %dma_wait3A_498] : memref<10000x128xf32, #tpu.memory_space<hbm>> -> memref<10000x128xf32, #tpu.memory_space<hbm>>
        tpu.wait_indirect_dma semaphore(%arg17 : memref<!tpu.dma_semaphore, #tpu.memory_space<semaphore_mem>>) src(%dma_wait3A_499 : memref<10000x128xf32, #tpu.memory_space<hbm>>) dst(%arg13 : memref<128x128xf32, #tpu.memory_space<vmem>>)
        %dma_start3A_500 = arith.constant 1 : i32
        %dma_start3A_501 = arith.constant 7 : i32
        %dma_start3A_502 = arith.constant 0 : i32
        %dma_start3A_503 = tpu.memref_slice %arg11[%dma_start3A_500, %dma_start3A_501, %dma_start3A_502] : memref<2x8x128xi32, #tpu.memory_space<vmem>> -> memref<1x1x128xi32, #tpu.memory_space<vmem>>
        %dma_start3A_504 = tpu.memref_squeeze %dma_start3A_503 : memref<1x1x128xi32, #tpu.memory_space<vmem>> -> memref<128xi32, #tpu.memory_space<vmem>>
        %dma_start3A_505 = arith.constant 0 : i32
        %dma_start3A_506 = arith.constant 0 : i32
        %dma_start3A_507 = tpu.memref_slice %arg9[%dma_start3A_505, %dma_start3A_506] : memref<10240x128xf32, #tpu.memory_space<vmem_shared>> -> memref<10240x128xf32, #tpu.memory_space<vmem_shared>>
        tpu.enqueue_indirect_dma source(%arg13 : memref<128x128xf32, #tpu.memory_space<vmem>>) target(%dma_start3A_507 : memref<10240x128xf32, #tpu.memory_space<vmem_shared>>) offsets(%dma_start3A_504 : memref<128xi32, #tpu.memory_space<vmem>>) semaphore(%arg19 : memref<!tpu.dma_semaphore, #tpu.memory_space<semaphore_mem>>) {add = true}
        %dma_start3A_508 = arith.constant 1 : i32
        %dma_start3A_509 = arith.constant 7 : i32
        %dma_start3A_510 = arith.constant 0 : i32
        %dma_start3A_511 = tpu.memref_slice %arg11[%dma_start3A_508, %dma_start3A_509, %dma_start3A_510] : memref<2x8x128xi32, #tpu.memory_space<vmem>> -> memref<1x1x128xi32, #tpu.memory_space<vmem>>
        %dma_start3A_512 = tpu.memref_squeeze %dma_start3A_511 : memref<1x1x128xi32, #tpu.memory_space<vmem>> -> memref<128xi32, #tpu.memory_space<vmem>>
        %dma_start3A_513 = arith.constant 0 : i32
        %dma_start3A_514 = tpu.memref_slice %arg10[%dma_start3A_513] : memref<10240xf32, #tpu.memory_space<vmem_shared>> -> memref<10240xf32, #tpu.memory_space<vmem_shared>>
        tpu.enqueue_indirect_dma source(%arg14 : memref<128xf32, #tpu.memory_space<vmem>>) target(%dma_start3A_514 : memref<10240xf32, #tpu.memory_space<vmem_shared>>) offsets(%dma_start3A_512 : memref<128xi32, #tpu.memory_space<vmem>>) semaphore(%arg20 : memref<!tpu.dma_semaphore, #tpu.memory_space<semaphore_mem>>) {add = true}
        %dma_wait3A_515 = arith.constant 1 : i32
        %dma_wait3A_516 = arith.constant 6 : i32
        %dma_wait3A_517 = arith.constant 0 : i32
        %dma_wait3A_518 = tpu.memref_slice %arg11[%dma_wait3A_515, %dma_wait3A_516, %dma_wait3A_517] : memref<2x8x128xi32, #tpu.memory_space<vmem>> -> memref<1x1x128xi32, #tpu.memory_space<vmem>>
        %dma_wait3A_519 = tpu.memref_squeeze %dma_wait3A_518 : memref<1x1x128xi32, #tpu.memory_space<vmem>> -> memref<128xi32, #tpu.memory_space<vmem>>
        %dma_wait3A_520 = arith.constant 0 : i32
        %dma_wait3A_521 = arith.constant 0 : i32
        %dma_wait3A_522 = tpu.memref_slice %arg9[%dma_wait3A_520, %dma_wait3A_521] : memref<10240x128xf32, #tpu.memory_space<vmem_shared>> -> memref<10240x128xf32, #tpu.memory_space<vmem_shared>>
        tpu.wait_indirect_dma semaphore(%arg18 : memref<!tpu.dma_semaphore, #tpu.memory_space<semaphore_mem>>) src(%arg12 : memref<128x128xf32, #tpu.memory_space<vmem>>) dst(%dma_wait3A_522 : memref<10240x128xf32, #tpu.memory_space<vmem_shared>>)
        %dma_wait3A_523 = arith.constant 1 : i32
        %dma_wait3A_524 = arith.constant 7 : i32
        %dma_wait3A_525 = arith.constant 0 : i32
        %dma_wait3A_526 = tpu.memref_slice %arg11[%dma_wait3A_523, %dma_wait3A_524, %dma_wait3A_525] : memref<2x8x128xi32, #tpu.memory_space<vmem>> -> memref<1x1x128xi32, #tpu.memory_space<vmem>>
        %dma_wait3A_527 = tpu.memref_squeeze %dma_wait3A_526 : memref<1x1x128xi32, #tpu.memory_space<vmem>> -> memref<128xi32, #tpu.memory_space<vmem>>
        %dma_wait3A_528 = arith.constant 0 : i32
        %dma_wait3A_529 = arith.constant 0 : i32
        %dma_wait3A_530 = tpu.memref_slice %arg9[%dma_wait3A_528, %dma_wait3A_529] : memref<10240x128xf32, #tpu.memory_space<vmem_shared>> -> memref<10240x128xf32, #tpu.memory_space<vmem_shared>>
        tpu.wait_indirect_dma semaphore(%arg19 : memref<!tpu.dma_semaphore, #tpu.memory_space<semaphore_mem>>) src(%arg13 : memref<128x128xf32, #tpu.memory_space<vmem>>) dst(%dma_wait3A_530 : memref<10240x128xf32, #tpu.memory_space<vmem_shared>>)
        %dma_wait3A_531 = arith.constant 1 : i32
        %dma_wait3A_532 = arith.constant 1 : i32
        %dma_wait3A_533 = arith.constant 0 : i32
        %dma_wait3A_534 = tpu.memref_slice %arg11[%dma_wait3A_531, %dma_wait3A_532, %dma_wait3A_533] : memref<2x8x128xi32, #tpu.memory_space<vmem>> -> memref<1x1x128xi32, #tpu.memory_space<vmem>>
        %dma_wait3A_535 = tpu.memref_squeeze %dma_wait3A_534 : memref<1x1x128xi32, #tpu.memory_space<vmem>> -> memref<128xi32, #tpu.memory_space<vmem>>
        %dma_wait3A_536 = arith.constant 0 : i32
        %dma_wait3A_537 = tpu.memref_slice %arg10[%dma_wait3A_536] : memref<10240xf32, #tpu.memory_space<vmem_shared>> -> memref<10240xf32, #tpu.memory_space<vmem_shared>>
        tpu.wait_indirect_dma semaphore(%arg20 : memref<!tpu.dma_semaphore, #tpu.memory_space<semaphore_mem>>) src(%arg14 : memref<128xf32, #tpu.memory_space<vmem>>) dst(%dma_wait3A_537 : memref<10240xf32, #tpu.memory_space<vmem_shared>>)
        %dma_wait3A_538 = arith.constant 1 : i32
        %dma_wait3A_539 = arith.constant 3 : i32
        %dma_wait3A_540 = arith.constant 0 : i32
        %dma_wait3A_541 = tpu.memref_slice %arg11[%dma_wait3A_538, %dma_wait3A_539, %dma_wait3A_540] : memref<2x8x128xi32, #tpu.memory_space<vmem>> -> memref<1x1x128xi32, #tpu.memory_space<vmem>>
        %dma_wait3A_542 = tpu.memref_squeeze %dma_wait3A_541 : memref<1x1x128xi32, #tpu.memory_space<vmem>> -> memref<128xi32, #tpu.memory_space<vmem>>
        %dma_wait3A_543 = arith.constant 0 : i32
        %dma_wait3A_544 = tpu.memref_slice %arg10[%dma_wait3A_543] : memref<10240xf32, #tpu.memory_space<vmem_shared>> -> memref<10240xf32, #tpu.memory_space<vmem_shared>>
        tpu.wait_indirect_dma semaphore(%arg20 : memref<!tpu.dma_semaphore, #tpu.memory_space<semaphore_mem>>) src(%arg14 : memref<128xf32, #tpu.memory_space<vmem>>) dst(%dma_wait3A_544 : memref<10240xf32, #tpu.memory_space<vmem_shared>>)
        %dma_wait3A_545 = arith.constant 1 : i32
        %dma_wait3A_546 = arith.constant 5 : i32
        %dma_wait3A_547 = arith.constant 0 : i32
        %dma_wait3A_548 = tpu.memref_slice %arg11[%dma_wait3A_545, %dma_wait3A_546, %dma_wait3A_547] : memref<2x8x128xi32, #tpu.memory_space<vmem>> -> memref<1x1x128xi32, #tpu.memory_space<vmem>>
        %dma_wait3A_549 = tpu.memref_squeeze %dma_wait3A_548 : memref<1x1x128xi32, #tpu.memory_space<vmem>> -> memref<128xi32, #tpu.memory_space<vmem>>
        %dma_wait3A_550 = arith.constant 0 : i32
        %dma_wait3A_551 = tpu.memref_slice %arg10[%dma_wait3A_550] : memref<10240xf32, #tpu.memory_space<vmem_shared>> -> memref<10240xf32, #tpu.memory_space<vmem_shared>>
        tpu.wait_indirect_dma semaphore(%arg20 : memref<!tpu.dma_semaphore, #tpu.memory_space<semaphore_mem>>) src(%arg14 : memref<128xf32, #tpu.memory_space<vmem>>) dst(%dma_wait3A_551 : memref<10240xf32, #tpu.memory_space<vmem_shared>>)
        %dma_wait3A_552 = arith.constant 1 : i32
        %dma_wait3A_553 = arith.constant 7 : i32
        %dma_wait3A_554 = arith.constant 0 : i32
        %dma_wait3A_555 = tpu.memref_slice %arg11[%dma_wait3A_552, %dma_wait3A_553, %dma_wait3A_554] : memref<2x8x128xi32, #tpu.memory_space<vmem>> -> memref<1x1x128xi32, #tpu.memory_space<vmem>>
        %dma_wait3A_556 = tpu.memref_squeeze %dma_wait3A_555 : memref<1x1x128xi32, #tpu.memory_space<vmem>> -> memref<128xi32, #tpu.memory_space<vmem>>
        %dma_wait3A_557 = arith.constant 0 : i32
        %dma_wait3A_558 = tpu.memref_slice %arg10[%dma_wait3A_557] : memref<10240xf32, #tpu.memory_space<vmem_shared>> -> memref<10240xf32, #tpu.memory_space<vmem_shared>>
        tpu.wait_indirect_dma semaphore(%arg20 : memref<!tpu.dma_semaphore, #tpu.memory_space<semaphore_mem>>) src(%arg14 : memref<128xf32, #tpu.memory_space<vmem>>) dst(%dma_wait3A_558 : memref<10240xf32, #tpu.memory_space<vmem_shared>>)
      }
      %scan3A_242 = arith.constant 10 : i32
    } else {
    }
    %barrier3A_215 = arith.constant 0 : index
    tpu.barrier barrier_id(%barrier3A_215)
    %mul3A_216 = arith.constant 640 : i32
    %mul3A_217 = arith.muli %arg1, %mul3A_216 : i32
    %eq3A_218 = arith.constant 0 : i32
    %eq3A_219 = arith.cmpi eq, %arg0, %eq3A_218 : i32
    %convert_element_type3A_220 = arith.extui %eq3A_219 : i1 to i32
    %cond3A_221 = arith.constant 0 : i32
    %cond3A_222 = arith.cmpi ne, %convert_element_type3A_220, %cond3A_221 : i32
    scf.if %cond3A_222 {
      "tpu.region"() ({
        %run_scoped3A = tpu.sem_alloc : memref<!tpu.dma_semaphore, #tpu.memory_space<semaphore_mem>>
        %dma_start3A = arith.constant 0 : i32
        %dma_start3A_238 = tpu.memref_slice %arg5[%mul3A_217, %dma_start3A] : memref<10240x128xf32, #tpu.memory_space<hbm>> -> memref<640x128xf32, #tpu.memory_space<hbm>>
        %dma_start3A_239 = arith.constant 0 : i32
        %dma_start3A_240 = tpu.memref_slice %arg9[%mul3A_217, %dma_start3A_239] : memref<10240x128xf32, #tpu.memory_space<vmem_shared>> -> memref<640x128xf32, #tpu.memory_space<vmem_shared>>
        tpu.enqueue_dma source(%dma_start3A_240 : memref<640x128xf32, #tpu.memory_space<vmem_shared>>) target(%dma_start3A_238 : memref<640x128xf32, #tpu.memory_space<hbm>>) target_semaphore(%run_scoped3A : memref<!tpu.dma_semaphore, #tpu.memory_space<semaphore_mem>>)
        %dma_wait3A = arith.constant 0 : i32
        %dma_wait3A_241 = tpu.memref_slice %arg5[%mul3A_217, %dma_wait3A] : memref<10240x128xf32, #tpu.memory_space<hbm>> -> memref<640x128xf32, #tpu.memory_space<hbm>>
        %dma_wait3A_242 = arith.constant 0 : i32
        %dma_wait3A_243 = tpu.memref_slice %arg9[%mul3A_217, %dma_wait3A_242] : memref<10240x128xf32, #tpu.memory_space<vmem_shared>> -> memref<640x128xf32, #tpu.memory_space<vmem_shared>>
        tpu.wait_dma2 semaphore(%run_scoped3A : memref<!tpu.dma_semaphore, #tpu.memory_space<semaphore_mem>>) src(%dma_wait3A_243 : memref<640x128xf32, #tpu.memory_space<vmem_shared>>) dst(%dma_wait3A_241 : memref<640x128xf32, #tpu.memory_space<hbm>>)
        tpu.yield
      }) : () -> ()
    } else {
    }
    %eq3A_223 = arith.constant 1 : i32
    %eq3A_224 = arith.cmpi eq, %arg0, %eq3A_223 : i32
    %convert_element_type3A_225 = arith.extui %eq3A_224 : i1 to i32
    %cond3A_226 = arith.constant 0 : i32
    %cond3A_227 = arith.cmpi ne, %convert_element_type3A_225, %cond3A_226 : i32
    scf.if %cond3A_227 {
      "tpu.region"() ({
        %run_scoped3A = tpu.sem_alloc : memref<!tpu.dma_semaphore, #tpu.memory_space<semaphore_mem>>
        %dma_start3A = arith.constant 0 : i32
        %dma_start3A_238 = tpu.memref_slice %arg6[%mul3A_217, %dma_start3A] : memref<10240x128xf32, #tpu.memory_space<hbm>> -> memref<640x128xf32, #tpu.memory_space<hbm>>
        %dma_start3A_239 = arith.constant 0 : i32
        %dma_start3A_240 = tpu.memref_slice %arg9[%mul3A_217, %dma_start3A_239] : memref<10240x128xf32, #tpu.memory_space<vmem_shared>> -> memref<640x128xf32, #tpu.memory_space<vmem_shared>>
        tpu.enqueue_dma source(%dma_start3A_240 : memref<640x128xf32, #tpu.memory_space<vmem_shared>>) target(%dma_start3A_238 : memref<640x128xf32, #tpu.memory_space<hbm>>) target_semaphore(%run_scoped3A : memref<!tpu.dma_semaphore, #tpu.memory_space<semaphore_mem>>)
        %dma_wait3A = arith.constant 0 : i32
        %dma_wait3A_241 = tpu.memref_slice %arg6[%mul3A_217, %dma_wait3A] : memref<10240x128xf32, #tpu.memory_space<hbm>> -> memref<640x128xf32, #tpu.memory_space<hbm>>
        %dma_wait3A_242 = arith.constant 0 : i32
        %dma_wait3A_243 = tpu.memref_slice %arg9[%mul3A_217, %dma_wait3A_242] : memref<10240x128xf32, #tpu.memory_space<vmem_shared>> -> memref<640x128xf32, #tpu.memory_space<vmem_shared>>
        tpu.wait_dma2 semaphore(%run_scoped3A : memref<!tpu.dma_semaphore, #tpu.memory_space<semaphore_mem>>) src(%dma_wait3A_243 : memref<640x128xf32, #tpu.memory_space<vmem_shared>>) dst(%dma_wait3A_241 : memref<640x128xf32, #tpu.memory_space<hbm>>)
        tpu.yield
      }) : () -> ()
    } else {
    }
    %eq3A_228 = arith.constant 0 : i32
    %eq3A_229 = arith.cmpi eq, %arg0, %eq3A_228 : i32
    %convert_element_type3A_230 = arith.extui %eq3A_229 : i1 to i32
    %cond3A_231 = arith.constant 0 : i32
    %cond3A_232 = arith.cmpi ne, %convert_element_type3A_230, %cond3A_231 : i32
    scf.if %cond3A_232 {
      %mul3A_238 = arith.constant 640 : i32
      %mul3A_239 = arith.muli %arg1, %mul3A_238 : i32
      "tpu.region"() ({
        %run_scoped3A = tpu.sem_alloc : memref<!tpu.dma_semaphore, #tpu.memory_space<semaphore_mem>>
        %dma_start3A = arith.constant 0 : i32
        %dma_start3A_242 = tpu.memref_slice %arg15[%dma_start3A] : memref<640xf32, #tpu.memory_space<vmem>> -> memref<640xf32, #tpu.memory_space<vmem>>
        %dma_start3A_243 = tpu.memref_slice %arg10[%mul3A_239] : memref<10240xf32, #tpu.memory_space<vmem_shared>> -> memref<640xf32, #tpu.memory_space<vmem_shared>>
        %dma_start3A_244 = arith.constant 0 : i32
        %dma_start3A_245 = tpu.memref_slice %arg15[%dma_start3A_244] : memref<640xf32, #tpu.memory_space<vmem>> -> memref<640xf32, #tpu.memory_space<vmem>>
        %dma_start3A_246 = tpu.memref_slice %arg10[%mul3A_239] : memref<10240xf32, #tpu.memory_space<vmem_shared>> -> memref<640xf32, #tpu.memory_space<vmem_shared>>
        tpu.enqueue_dma source(%dma_start3A_246 : memref<640xf32, #tpu.memory_space<vmem_shared>>) target(%dma_start3A_245 : memref<640xf32, #tpu.memory_space<vmem>>) target_semaphore(%run_scoped3A : memref<!tpu.dma_semaphore, #tpu.memory_space<semaphore_mem>>)
        %dma_wait3A = arith.constant 0 : i32
        %dma_wait3A_247 = tpu.memref_slice %arg15[%dma_wait3A] : memref<640xf32, #tpu.memory_space<vmem>> -> memref<640xf32, #tpu.memory_space<vmem>>
        %dma_wait3A_248 = tpu.memref_slice %arg10[%mul3A_239] : memref<10240xf32, #tpu.memory_space<vmem_shared>> -> memref<640xf32, #tpu.memory_space<vmem_shared>>
        %dma_wait3A_249 = arith.constant 0 : i32
        %dma_wait3A_250 = tpu.memref_slice %arg15[%dma_wait3A_249] : memref<640xf32, #tpu.memory_space<vmem>> -> memref<640xf32, #tpu.memory_space<vmem>>
        %dma_wait3A_251 = tpu.memref_slice %arg10[%mul3A_239] : memref<10240xf32, #tpu.memory_space<vmem_shared>> -> memref<640xf32, #tpu.memory_space<vmem_shared>>
        tpu.wait_dma2 semaphore(%run_scoped3A : memref<!tpu.dma_semaphore, #tpu.memory_space<semaphore_mem>>) src(%dma_wait3A_251 : memref<640xf32, #tpu.memory_space<vmem_shared>>) dst(%dma_wait3A_250 : memref<640xf32, #tpu.memory_space<vmem>>)
        tpu.yield
      }) : () -> ()
      %mul3A_240 = arith.constant 640 : i32
      %mul3A_241 = arith.muli %arg1, %mul3A_240 : i32
      "tpu.region"() ({
        %run_scoped3A = tpu.sem_alloc : memref<!tpu.dma_semaphore, #tpu.memory_space<semaphore_mem>>
        %dma_start3A = arith.constant 0 : i32
        %dma_start3A_242 = tpu.memref_slice %arg15[%dma_start3A] : memref<640xf32, #tpu.memory_space<vmem>> -> memref<640xf32, #tpu.memory_space<vmem>>
        %dma_start3A_243 = tpu.memref_slice %arg7[%mul3A_241] : memref<10240xf32, #tpu.memory_space<hbm>> -> memref<640xf32, #tpu.memory_space<hbm>>
        %dma_start3A_244 = tpu.memref_slice %arg7[%mul3A_241] : memref<10240xf32, #tpu.memory_space<hbm>> -> memref<640xf32, #tpu.memory_space<hbm>>
        %dma_start3A_245 = arith.constant 0 : i32
        %dma_start3A_246 = tpu.memref_slice %arg15[%dma_start3A_245] : memref<640xf32, #tpu.memory_space<vmem>> -> memref<640xf32, #tpu.memory_space<vmem>>
        tpu.enqueue_dma source(%dma_start3A_246 : memref<640xf32, #tpu.memory_space<vmem>>) target(%dma_start3A_244 : memref<640xf32, #tpu.memory_space<hbm>>) target_semaphore(%run_scoped3A : memref<!tpu.dma_semaphore, #tpu.memory_space<semaphore_mem>>)
        %dma_wait3A = arith.constant 0 : i32
        %dma_wait3A_247 = tpu.memref_slice %arg15[%dma_wait3A] : memref<640xf32, #tpu.memory_space<vmem>> -> memref<640xf32, #tpu.memory_space<vmem>>
        %dma_wait3A_248 = tpu.memref_slice %arg7[%mul3A_241] : memref<10240xf32, #tpu.memory_space<hbm>> -> memref<640xf32, #tpu.memory_space<hbm>>
        %dma_wait3A_249 = tpu.memref_slice %arg7[%mul3A_241] : memref<10240xf32, #tpu.memory_space<hbm>> -> memref<640xf32, #tpu.memory_space<hbm>>
        %dma_wait3A_250 = arith.constant 0 : i32
        %dma_wait3A_251 = tpu.memref_slice %arg15[%dma_wait3A_250] : memref<640xf32, #tpu.memory_space<vmem>> -> memref<640xf32, #tpu.memory_space<vmem>>
        tpu.wait_dma2 semaphore(%run_scoped3A : memref<!tpu.dma_semaphore, #tpu.memory_space<semaphore_mem>>) src(%dma_wait3A_251 : memref<640xf32, #tpu.memory_space<vmem>>) dst(%dma_wait3A_249 : memref<640xf32, #tpu.memory_space<hbm>>)
        tpu.yield
      }) : () -> ()
    } else {
    }
    %eq3A_233 = arith.constant 1 : i32
    %eq3A_234 = arith.cmpi eq, %arg0, %eq3A_233 : i32
    %convert_element_type3A_235 = arith.extui %eq3A_234 : i1 to i32
    %cond3A_236 = arith.constant 0 : i32
    %cond3A_237 = arith.cmpi ne, %convert_element_type3A_235, %cond3A_236 : i32
    scf.if %cond3A_237 {
      %mul3A_238 = arith.constant 640 : i32
      %mul3A_239 = arith.muli %arg1, %mul3A_238 : i32
      "tpu.region"() ({
        %run_scoped3A = tpu.sem_alloc : memref<!tpu.dma_semaphore, #tpu.memory_space<semaphore_mem>>
        %dma_start3A = arith.constant 0 : i32
        %dma_start3A_242 = tpu.memref_slice %arg15[%dma_start3A] : memref<640xf32, #tpu.memory_space<vmem>> -> memref<640xf32, #tpu.memory_space<vmem>>
        %dma_start3A_243 = tpu.memref_slice %arg10[%mul3A_239] : memref<10240xf32, #tpu.memory_space<vmem_shared>> -> memref<640xf32, #tpu.memory_space<vmem_shared>>
        %dma_start3A_244 = arith.constant 0 : i32
        %dma_start3A_245 = tpu.memref_slice %arg15[%dma_start3A_244] : memref<640xf32, #tpu.memory_space<vmem>> -> memref<640xf32, #tpu.memory_space<vmem>>
        %dma_start3A_246 = tpu.memref_slice %arg10[%mul3A_239] : memref<10240xf32, #tpu.memory_space<vmem_shared>> -> memref<640xf32, #tpu.memory_space<vmem_shared>>
        tpu.enqueue_dma source(%dma_start3A_246 : memref<640xf32, #tpu.memory_space<vmem_shared>>) target(%dma_start3A_245 : memref<640xf32, #tpu.memory_space<vmem>>) target_semaphore(%run_scoped3A : memref<!tpu.dma_semaphore, #tpu.memory_space<semaphore_mem>>)
        %dma_wait3A = arith.constant 0 : i32
        %dma_wait3A_247 = tpu.memref_slice %arg15[%dma_wait3A] : memref<640xf32, #tpu.memory_space<vmem>> -> memref<640xf32, #tpu.memory_space<vmem>>
        %dma_wait3A_248 = tpu.memref_slice %arg10[%mul3A_239] : memref<10240xf32, #tpu.memory_space<vmem_shared>> -> memref<640xf32, #tpu.memory_space<vmem_shared>>
        %dma_wait3A_249 = arith.constant 0 : i32
        %dma_wait3A_250 = tpu.memref_slice %arg15[%dma_wait3A_249] : memref<640xf32, #tpu.memory_space<vmem>> -> memref<640xf32, #tpu.memory_space<vmem>>
        %dma_wait3A_251 = tpu.memref_slice %arg10[%mul3A_239] : memref<10240xf32, #tpu.memory_space<vmem_shared>> -> memref<640xf32, #tpu.memory_space<vmem_shared>>
        tpu.wait_dma2 semaphore(%run_scoped3A : memref<!tpu.dma_semaphore, #tpu.memory_space<semaphore_mem>>) src(%dma_wait3A_251 : memref<640xf32, #tpu.memory_space<vmem_shared>>) dst(%dma_wait3A_250 : memref<640xf32, #tpu.memory_space<vmem>>)
        tpu.yield
      }) : () -> ()
      %mul3A_240 = arith.constant 640 : i32
      %mul3A_241 = arith.muli %arg1, %mul3A_240 : i32
      "tpu.region"() ({
        %run_scoped3A = tpu.sem_alloc : memref<!tpu.dma_semaphore, #tpu.memory_space<semaphore_mem>>
        %dma_start3A = arith.constant 0 : i32
        %dma_start3A_242 = tpu.memref_slice %arg15[%dma_start3A] : memref<640xf32, #tpu.memory_space<vmem>> -> memref<640xf32, #tpu.memory_space<vmem>>
        %dma_start3A_243 = tpu.memref_slice %arg8[%mul3A_241] : memref<10240xf32, #tpu.memory_space<hbm>> -> memref<640xf32, #tpu.memory_space<hbm>>
        %dma_start3A_244 = tpu.memref_slice %arg8[%mul3A_241] : memref<10240xf32, #tpu.memory_space<hbm>> -> memref<640xf32, #tpu.memory_space<hbm>>
        %dma_start3A_245 = arith.constant 0 : i32
        %dma_start3A_246 = tpu.memref_slice %arg15[%dma_start3A_245] : memref<640xf32, #tpu.memory_space<vmem>> -> memref<640xf32, #tpu.memory_space<vmem>>
        tpu.enqueue_dma source(%dma_start3A_246 : memref<640xf32, #tpu.memory_space<vmem>>) target(%dma_start3A_244 : memref<640xf32, #tpu.memory_space<hbm>>) target_semaphore(%run_scoped3A : memref<!tpu.dma_semaphore, #tpu.memory_space<semaphore_mem>>)
        %dma_wait3A = arith.constant 0 : i32
        %dma_wait3A_247 = tpu.memref_slice %arg15[%dma_wait3A] : memref<640xf32, #tpu.memory_space<vmem>> -> memref<640xf32, #tpu.memory_space<vmem>>
        %dma_wait3A_248 = tpu.memref_slice %arg8[%mul3A_241] : memref<10240xf32, #tpu.memory_space<hbm>> -> memref<640xf32, #tpu.memory_space<hbm>>
        %dma_wait3A_249 = tpu.memref_slice %arg8[%mul3A_241] : memref<10240xf32, #tpu.memory_space<hbm>> -> memref<640xf32, #tpu.memory_space<hbm>>
        %dma_wait3A_250 = arith.constant 0 : i32
        %dma_wait3A_251 = tpu.memref_slice %arg15[%dma_wait3A_250] : memref<640xf32, #tpu.memory_space<vmem>> -> memref<640xf32, #tpu.memory_space<vmem>>
        tpu.wait_dma2 semaphore(%run_scoped3A : memref<!tpu.dma_semaphore, #tpu.memory_space<semaphore_mem>>) src(%dma_wait3A_251 : memref<640xf32, #tpu.memory_space<vmem>>) dst(%dma_wait3A_249 : memref<640xf32, #tpu.memory_space<hbm>>)
        tpu.yield
      }) : () -> ()
    } else {
    }
    return
  }
}

module attributes {stable_mosaic.version = 14 : i64} {
  func.func @_tc_body(%arg0: i32, %arg1: memref<1024x128xf32, #tpu.memory_space<vmem>>, %arg2: memref<1024x128xf32, #tpu.memory_space<vmem>>, %arg3: memref<8x128xf32, #tpu.memory_space<vmem>>, %arg4: memref<8x128xf32, #tpu.memory_space<vmem>>, %arg5: memref<256x256xf32, #tpu.memory_space<vmem>>, %arg6: memref<1x256xf32, #tpu.memory_space<vmem>>, %arg7: memref<1x256xf32, #tpu.memory_space<vmem>>, %arg8: memref<1x256xf32, #tpu.memory_space<vmem>>, %arg9: memref<1024x256xf32, #tpu.memory_space<vmem>>) attributes {dimension_semantics = [#tpu.dimension_semantics<arbitrary>], iteration_bounds = array<i64: 10>, scalar_prefetch = 0 : i64, scratch_operands = 0 : i64, tpu.core_type = #tpu.core_type<tc>, window_params = [{transform_indices = @transform_0, window_bounds = array<i64: 1024, 128>}, {transform_indices = @transform_1, window_bounds = array<i64: 1024, 128>}, {transform_indices = @transform_2, window_bounds = array<i64: 8, 128>}, {transform_indices = @transform_3, window_bounds = array<i64: 8, 128>}, {pipeline_mode = #tpu.pipeline_mode<synchronous>, transform_indices = @transform_4, window_bounds = array<i64: 256, 256>}, {pipeline_mode = #tpu.pipeline_mode<synchronous>, transform_indices = @transform_5, window_bounds = array<i64: 1, 256>}, {pipeline_mode = #tpu.pipeline_mode<synchronous>, transform_indices = @transform_6, window_bounds = array<i64: 1, 256>}, {pipeline_mode = #tpu.pipeline_mode<synchronous>, transform_indices = @transform_7, window_bounds = array<i64: 1, 256>}, {transform_indices = @transform_8, window_bounds = array<i64: 1024, 256>}]} {
    %get3A = arith.constant 0 : index
    %get3A_0 = arith.constant 0 : index
    %get3A_1 = vector.load %arg3[%get3A, %get3A_0] : memref<8x128xf32, #tpu.memory_space<vmem>>, vector<8x128xf32>
    %get3A_2 = arith.constant 0 : index
    %get3A_3 = arith.constant 0 : index
    %get3A_4 = vector.load %arg4[%get3A_2, %get3A_3] : memref<8x128xf32, #tpu.memory_space<vmem>>, vector<8x128xf32>
    %add3A = arith.addf %get3A_1, %get3A_4 : vector<8x128xf32>
    %max3A = arith.constant 1.000000e+00 : f32
    %max3A_5 = vector.broadcast %max3A : f32 to vector<8x128xf32>
    %max3A_6 = arith.maximumf %add3A, %max3A_5 : vector<8x128xf32>
    %div3A = arith.constant 1.000000e+00 : f32
    %div3A_7 = vector.broadcast %div3A : f32 to vector<8x128xf32>
    %div3A_8 = arith.divf %div3A_7, %max3A_6 : vector<8x128xf32>
    %transpose3A = tpu.transpose %div3A_8, [1, 0] : vector<8x128xf32> -> vector<128x8xf32>
    %slice3A = vector.extract_strided_slice %transpose3A {offsets = [0, 0], sizes = [128, 1], strides = [1, 1]} : vector<128x8xf32> to vector<128x1xf32>
    %get3A_9 = arith.constant 0 : index
    %get3A_10 = arith.constant 0 : index
    %get3A_11 = vector.load %arg1[%get3A_9, %get3A_10] : memref<1024x128xf32, #tpu.memory_space<vmem>>, vector<128x128xf32>
    %mul3A = vector.broadcast %slice3A : vector<128x1xf32> to vector<128x128xf32>
    %mul3A_12 = arith.mulf %get3A_11, %mul3A : vector<128x128xf32>
    %get3A_13 = arith.constant 0 : index
    %get3A_14 = arith.constant 0 : index
    %get3A_15 = vector.load %arg2[%get3A_13, %get3A_14] : memref<1024x128xf32, #tpu.memory_space<vmem>>, vector<128x128xf32>
    %mul3A_16 = vector.broadcast %slice3A : vector<128x1xf32> to vector<128x128xf32>
    %mul3A_17 = arith.mulf %get3A_15, %mul3A_16 : vector<128x128xf32>
    %get3A_18 = arith.constant 0 : index
    %get3A_19 = arith.constant 0 : index
    %get3A_20 = vector.load %arg5[%get3A_18, %get3A_19] : memref<256x256xf32, #tpu.memory_space<vmem>>, vector<128x256xf32>
    %dot_general3A = arith.constant dense<0.000000e+00> : vector<128x256xf32>
    %dot_general3A_21 = tpu.matmul %mul3A_12, %get3A_20, %dot_general3A {dimension_numbers = #tpu.dot_dimension_numbers<[1], [0], [0], [1], [0, 0, 1, 1], [], []>, transpose_lhs_hint = false} : vector<128x128xf32>, vector<128x256xf32>, vector<128x256xf32> -> vector<128x256xf32>
    %get3A_22 = arith.constant 128 : index
    %get3A_23 = arith.constant 0 : index
    %get3A_24 = vector.load %arg5[%get3A_22, %get3A_23] : memref<256x256xf32, #tpu.memory_space<vmem>>, vector<128x256xf32>
    %dot_general3A_25 = arith.constant dense<0.000000e+00> : vector<128x256xf32>
    %dot_general3A_26 = tpu.matmul %mul3A_17, %get3A_24, %dot_general3A_25 {dimension_numbers = #tpu.dot_dimension_numbers<[1], [0], [0], [1], [0, 0, 1, 1], [], []>, transpose_lhs_hint = false} : vector<128x128xf32>, vector<128x256xf32>, vector<128x256xf32> -> vector<128x256xf32>
    %add3A_27 = arith.addf %dot_general3A_21, %dot_general3A_26 : vector<128x256xf32>
    %get3A_28 = arith.constant 0 : index
    %get3A_29 = arith.constant 0 : index
    %get3A_30 = vector.load %arg6[%get3A_28, %get3A_29] : memref<1x256xf32, #tpu.memory_space<vmem>>, vector<1x256xf32>
    %add3A_31 = vector.broadcast %get3A_30 : vector<1x256xf32> to vector<128x256xf32>
    %add3A_32 = arith.addf %add3A_27, %add3A_31 : vector<128x256xf32>
    %reduce_sum3A = arith.constant dense<0.000000e+00> : vector<128xf32>
    %reduce_sum3A_33 = vector.multi_reduction <add>, %add3A_32, %reduce_sum3A [1] : vector<128x256xf32> to vector<128xf32>
    %broadcast_in_dim3A = vector.shape_cast %reduce_sum3A_33 : vector<128xf32> to vector<128x1xf32>
    %div3A_34 = arith.constant 2.560000e+02 : f32
    %div3A_35 = vector.broadcast %div3A_34 : f32 to vector<128x1xf32>
    %div3A_36 = arith.divf %broadcast_in_dim3A, %div3A_35 : vector<128x1xf32>
    %sub3A = vector.broadcast %div3A_36 : vector<128x1xf32> to vector<128x256xf32>
    %sub3A_37 = arith.subf %add3A_32, %sub3A : vector<128x256xf32>
    %sub3A_38 = vector.broadcast %div3A_36 : vector<128x1xf32> to vector<128x256xf32>
    %sub3A_39 = arith.subf %add3A_32, %sub3A_38 : vector<128x256xf32>
    %mul3A_40 = arith.mulf %sub3A_37, %sub3A_39 : vector<128x256xf32>
    %reduce_sum3A_41 = arith.constant dense<0.000000e+00> : vector<128xf32>
    %reduce_sum3A_42 = vector.multi_reduction <add>, %mul3A_40, %reduce_sum3A_41 [1] : vector<128x256xf32> to vector<128xf32>
    %broadcast_in_dim3A_43 = vector.shape_cast %reduce_sum3A_42 : vector<128xf32> to vector<128x1xf32>
    %div3A_44 = arith.constant 2.560000e+02 : f32
    %div3A_45 = vector.broadcast %div3A_44 : f32 to vector<128x1xf32>
    %div3A_46 = arith.divf %broadcast_in_dim3A_43, %div3A_45 : vector<128x1xf32>
    %sub3A_47 = vector.broadcast %div3A_36 : vector<128x1xf32> to vector<128x256xf32>
    %sub3A_48 = arith.subf %add3A_32, %sub3A_47 : vector<128x256xf32>
    %add3A_49 = arith.constant 9.99999974E-6 : f32
    %add3A_50 = vector.broadcast %add3A_49 : f32 to vector<128x1xf32>
    %add3A_51 = arith.addf %div3A_46, %add3A_50 : vector<128x1xf32>
    %rsqrt3A = math.rsqrt %add3A_51 : vector<128x1xf32>
    %mul3A_52 = vector.broadcast %rsqrt3A : vector<128x1xf32> to vector<128x256xf32>
    %mul3A_53 = arith.mulf %sub3A_48, %mul3A_52 : vector<128x256xf32>
    %get3A_54 = arith.constant 0 : index
    %get3A_55 = arith.constant 0 : index
    %get3A_56 = vector.load %arg7[%get3A_54, %get3A_55] : memref<1x256xf32, #tpu.memory_space<vmem>>, vector<1x256xf32>
    %mul3A_57 = vector.broadcast %get3A_56 : vector<1x256xf32> to vector<128x256xf32>
    %mul3A_58 = arith.mulf %mul3A_53, %mul3A_57 : vector<128x256xf32>
    %get3A_59 = arith.constant 0 : index
    %get3A_60 = arith.constant 0 : index
    %get3A_61 = vector.load %arg8[%get3A_59, %get3A_60] : memref<1x256xf32, #tpu.memory_space<vmem>>, vector<1x256xf32>
    %add3A_62 = vector.broadcast %get3A_61 : vector<1x256xf32> to vector<128x256xf32>
    %add3A_63 = arith.addf %mul3A_58, %add3A_62 : vector<128x256xf32>
    %max3A_64 = arith.constant 0.000000e+00 : f32
    %max3A_65 = vector.broadcast %max3A_64 : f32 to vector<128x256xf32>
    %max3A_66 = arith.maximumf %add3A_63, %max3A_65 : vector<128x256xf32>
    %swap3A = arith.constant 0 : index
    %swap3A_67 = arith.constant 0 : index
    %swap3A_68 = vector.load %arg9[%swap3A, %swap3A_67] : memref<1024x256xf32, #tpu.memory_space<vmem>>, vector<128x256xf32>
    tpu.vector_store %arg9[%swap3A, %swap3A_67], %max3A_66 {strides = array<i32>} : memref<1024x256xf32, #tpu.memory_space<vmem>>, vector<128x256xf32>,
    %slice3A_69 = vector.extract_strided_slice %transpose3A {offsets = [0, 1], sizes = [128, 1], strides = [1, 1]} : vector<128x8xf32> to vector<128x1xf32>
    %get3A_70 = arith.constant 128 : index
    %get3A_71 = arith.constant 0 : index
    %get3A_72 = vector.load %arg1[%get3A_70, %get3A_71] : memref<1024x128xf32, #tpu.memory_space<vmem>>, vector<128x128xf32>
    %mul3A_73 = vector.broadcast %slice3A_69 : vector<128x1xf32> to vector<128x128xf32>
    %mul3A_74 = arith.mulf %get3A_72, %mul3A_73 : vector<128x128xf32>
    %get3A_75 = arith.constant 128 : index
    %get3A_76 = arith.constant 0 : index
    %get3A_77 = vector.load %arg2[%get3A_75, %get3A_76] : memref<1024x128xf32, #tpu.memory_space<vmem>>, vector<128x128xf32>
    %mul3A_78 = vector.broadcast %slice3A_69 : vector<128x1xf32> to vector<128x128xf32>
    %mul3A_79 = arith.mulf %get3A_77, %mul3A_78 : vector<128x128xf32>
    %get3A_80 = arith.constant 0 : index
    %get3A_81 = arith.constant 0 : index
    %get3A_82 = vector.load %arg5[%get3A_80, %get3A_81] : memref<256x256xf32, #tpu.memory_space<vmem>>, vector<128x256xf32>
    %dot_general3A_83 = arith.constant dense<0.000000e+00> : vector<128x256xf32>
    %dot_general3A_84 = tpu.matmul %mul3A_74, %get3A_82, %dot_general3A_83 {dimension_numbers = #tpu.dot_dimension_numbers<[1], [0], [0], [1], [0, 0, 1, 1], [], []>, transpose_lhs_hint = false} : vector<128x128xf32>, vector<128x256xf32>, vector<128x256xf32> -> vector<128x256xf32>
    %get3A_85 = arith.constant 128 : index
    %get3A_86 = arith.constant 0 : index
    %get3A_87 = vector.load %arg5[%get3A_85, %get3A_86] : memref<256x256xf32, #tpu.memory_space<vmem>>, vector<128x256xf32>
    %dot_general3A_88 = arith.constant dense<0.000000e+00> : vector<128x256xf32>
    %dot_general3A_89 = tpu.matmul %mul3A_79, %get3A_87, %dot_general3A_88 {dimension_numbers = #tpu.dot_dimension_numbers<[1], [0], [0], [1], [0, 0, 1, 1], [], []>, transpose_lhs_hint = false} : vector<128x128xf32>, vector<128x256xf32>, vector<128x256xf32> -> vector<128x256xf32>
    %add3A_90 = arith.addf %dot_general3A_84, %dot_general3A_89 : vector<128x256xf32>
    %get3A_91 = arith.constant 0 : index
    %get3A_92 = arith.constant 0 : index
    %get3A_93 = vector.load %arg6[%get3A_91, %get3A_92] : memref<1x256xf32, #tpu.memory_space<vmem>>, vector<1x256xf32>
    %add3A_94 = vector.broadcast %get3A_93 : vector<1x256xf32> to vector<128x256xf32>
    %add3A_95 = arith.addf %add3A_90, %add3A_94 : vector<128x256xf32>
    %reduce_sum3A_96 = arith.constant dense<0.000000e+00> : vector<128xf32>
    %reduce_sum3A_97 = vector.multi_reduction <add>, %add3A_95, %reduce_sum3A_96 [1] : vector<128x256xf32> to vector<128xf32>
    %broadcast_in_dim3A_98 = vector.shape_cast %reduce_sum3A_97 : vector<128xf32> to vector<128x1xf32>
    %div3A_99 = arith.constant 2.560000e+02 : f32
    %div3A_100 = vector.broadcast %div3A_99 : f32 to vector<128x1xf32>
    %div3A_101 = arith.divf %broadcast_in_dim3A_98, %div3A_100 : vector<128x1xf32>
    %sub3A_102 = vector.broadcast %div3A_101 : vector<128x1xf32> to vector<128x256xf32>
    %sub3A_103 = arith.subf %add3A_95, %sub3A_102 : vector<128x256xf32>
    %sub3A_104 = vector.broadcast %div3A_101 : vector<128x1xf32> to vector<128x256xf32>
    %sub3A_105 = arith.subf %add3A_95, %sub3A_104 : vector<128x256xf32>
    %mul3A_106 = arith.mulf %sub3A_103, %sub3A_105 : vector<128x256xf32>
    %reduce_sum3A_107 = arith.constant dense<0.000000e+00> : vector<128xf32>
    %reduce_sum3A_108 = vector.multi_reduction <add>, %mul3A_106, %reduce_sum3A_107 [1] : vector<128x256xf32> to vector<128xf32>
    %broadcast_in_dim3A_109 = vector.shape_cast %reduce_sum3A_108 : vector<128xf32> to vector<128x1xf32>
    %div3A_110 = arith.constant 2.560000e+02 : f32
    %div3A_111 = vector.broadcast %div3A_110 : f32 to vector<128x1xf32>
    %div3A_112 = arith.divf %broadcast_in_dim3A_109, %div3A_111 : vector<128x1xf32>
    %sub3A_113 = vector.broadcast %div3A_101 : vector<128x1xf32> to vector<128x256xf32>
    %sub3A_114 = arith.subf %add3A_95, %sub3A_113 : vector<128x256xf32>
    %add3A_115 = arith.constant 9.99999974E-6 : f32
    %add3A_116 = vector.broadcast %add3A_115 : f32 to vector<128x1xf32>
    %add3A_117 = arith.addf %div3A_112, %add3A_116 : vector<128x1xf32>
    %rsqrt3A_118 = math.rsqrt %add3A_117 : vector<128x1xf32>
    %mul3A_119 = vector.broadcast %rsqrt3A_118 : vector<128x1xf32> to vector<128x256xf32>
    %mul3A_120 = arith.mulf %sub3A_114, %mul3A_119 : vector<128x256xf32>
    %get3A_121 = arith.constant 0 : index
    %get3A_122 = arith.constant 0 : index
    %get3A_123 = vector.load %arg7[%get3A_121, %get3A_122] : memref<1x256xf32, #tpu.memory_space<vmem>>, vector<1x256xf32>
    %mul3A_124 = vector.broadcast %get3A_123 : vector<1x256xf32> to vector<128x256xf32>
    %mul3A_125 = arith.mulf %mul3A_120, %mul3A_124 : vector<128x256xf32>
    %get3A_126 = arith.constant 0 : index
    %get3A_127 = arith.constant 0 : index
    %get3A_128 = vector.load %arg8[%get3A_126, %get3A_127] : memref<1x256xf32, #tpu.memory_space<vmem>>, vector<1x256xf32>
    %add3A_129 = vector.broadcast %get3A_128 : vector<1x256xf32> to vector<128x256xf32>
    %add3A_130 = arith.addf %mul3A_125, %add3A_129 : vector<128x256xf32>
    %max3A_131 = arith.constant 0.000000e+00 : f32
    %max3A_132 = vector.broadcast %max3A_131 : f32 to vector<128x256xf32>
    %max3A_133 = arith.maximumf %add3A_130, %max3A_132 : vector<128x256xf32>
    %swap3A_134 = arith.constant 128 : index
    %swap3A_135 = arith.constant 0 : index
    %swap3A_136 = vector.load %arg9[%swap3A_134, %swap3A_135] : memref<1024x256xf32, #tpu.memory_space<vmem>>, vector<128x256xf32>
    tpu.vector_store %arg9[%swap3A_134, %swap3A_135], %max3A_133 {strides = array<i32>} : memref<1024x256xf32, #tpu.memory_space<vmem>>, vector<128x256xf32>,
    %slice3A_137 = vector.extract_strided_slice %transpose3A {offsets = [0, 2], sizes = [128, 1], strides = [1, 1]} : vector<128x8xf32> to vector<128x1xf32>
    %get3A_138 = arith.constant 256 : index
    %get3A_139 = arith.constant 0 : index
    %get3A_140 = vector.load %arg1[%get3A_138, %get3A_139] : memref<1024x128xf32, #tpu.memory_space<vmem>>, vector<128x128xf32>
    %mul3A_141 = vector.broadcast %slice3A_137 : vector<128x1xf32> to vector<128x128xf32>
    %mul3A_142 = arith.mulf %get3A_140, %mul3A_141 : vector<128x128xf32>
    %get3A_143 = arith.constant 256 : index
    %get3A_144 = arith.constant 0 : index
    %get3A_145 = vector.load %arg2[%get3A_143, %get3A_144] : memref<1024x128xf32, #tpu.memory_space<vmem>>, vector<128x128xf32>
    %mul3A_146 = vector.broadcast %slice3A_137 : vector<128x1xf32> to vector<128x128xf32>
    %mul3A_147 = arith.mulf %get3A_145, %mul3A_146 : vector<128x128xf32>
    %get3A_148 = arith.constant 0 : index
    %get3A_149 = arith.constant 0 : index
    %get3A_150 = vector.load %arg5[%get3A_148, %get3A_149] : memref<256x256xf32, #tpu.memory_space<vmem>>, vector<128x256xf32>
    %dot_general3A_151 = arith.constant dense<0.000000e+00> : vector<128x256xf32>
    %dot_general3A_152 = tpu.matmul %mul3A_142, %get3A_150, %dot_general3A_151 {dimension_numbers = #tpu.dot_dimension_numbers<[1], [0], [0], [1], [0, 0, 1, 1], [], []>, transpose_lhs_hint = false} : vector<128x128xf32>, vector<128x256xf32>, vector<128x256xf32> -> vector<128x256xf32>
    %get3A_153 = arith.constant 128 : index
    %get3A_154 = arith.constant 0 : index
    %get3A_155 = vector.load %arg5[%get3A_153, %get3A_154] : memref<256x256xf32, #tpu.memory_space<vmem>>, vector<128x256xf32>
    %dot_general3A_156 = arith.constant dense<0.000000e+00> : vector<128x256xf32>
    %dot_general3A_157 = tpu.matmul %mul3A_147, %get3A_155, %dot_general3A_156 {dimension_numbers = #tpu.dot_dimension_numbers<[1], [0], [0], [1], [0, 0, 1, 1], [], []>, transpose_lhs_hint = false} : vector<128x128xf32>, vector<128x256xf32>, vector<128x256xf32> -> vector<128x256xf32>
    %add3A_158 = arith.addf %dot_general3A_152, %dot_general3A_157 : vector<128x256xf32>
    %get3A_159 = arith.constant 0 : index
    %get3A_160 = arith.constant 0 : index
    %get3A_161 = vector.load %arg6[%get3A_159, %get3A_160] : memref<1x256xf32, #tpu.memory_space<vmem>>, vector<1x256xf32>
    %add3A_162 = vector.broadcast %get3A_161 : vector<1x256xf32> to vector<128x256xf32>
    %add3A_163 = arith.addf %add3A_158, %add3A_162 : vector<128x256xf32>
    %reduce_sum3A_164 = arith.constant dense<0.000000e+00> : vector<128xf32>
    %reduce_sum3A_165 = vector.multi_reduction <add>, %add3A_163, %reduce_sum3A_164 [1] : vector<128x256xf32> to vector<128xf32>
    %broadcast_in_dim3A_166 = vector.shape_cast %reduce_sum3A_165 : vector<128xf32> to vector<128x1xf32>
    %div3A_167 = arith.constant 2.560000e+02 : f32
    %div3A_168 = vector.broadcast %div3A_167 : f32 to vector<128x1xf32>
    %div3A_169 = arith.divf %broadcast_in_dim3A_166, %div3A_168 : vector<128x1xf32>
    %sub3A_170 = vector.broadcast %div3A_169 : vector<128x1xf32> to vector<128x256xf32>
    %sub3A_171 = arith.subf %add3A_163, %sub3A_170 : vector<128x256xf32>
    %sub3A_172 = vector.broadcast %div3A_169 : vector<128x1xf32> to vector<128x256xf32>
    %sub3A_173 = arith.subf %add3A_163, %sub3A_172 : vector<128x256xf32>
    %mul3A_174 = arith.mulf %sub3A_171, %sub3A_173 : vector<128x256xf32>
    %reduce_sum3A_175 = arith.constant dense<0.000000e+00> : vector<128xf32>
    %reduce_sum3A_176 = vector.multi_reduction <add>, %mul3A_174, %reduce_sum3A_175 [1] : vector<128x256xf32> to vector<128xf32>
    %broadcast_in_dim3A_177 = vector.shape_cast %reduce_sum3A_176 : vector<128xf32> to vector<128x1xf32>
    %div3A_178 = arith.constant 2.560000e+02 : f32
    %div3A_179 = vector.broadcast %div3A_178 : f32 to vector<128x1xf32>
    %div3A_180 = arith.divf %broadcast_in_dim3A_177, %div3A_179 : vector<128x1xf32>
    %sub3A_181 = vector.broadcast %div3A_169 : vector<128x1xf32> to vector<128x256xf32>
    %sub3A_182 = arith.subf %add3A_163, %sub3A_181 : vector<128x256xf32>
    %add3A_183 = arith.constant 9.99999974E-6 : f32
    %add3A_184 = vector.broadcast %add3A_183 : f32 to vector<128x1xf32>
    %add3A_185 = arith.addf %div3A_180, %add3A_184 : vector<128x1xf32>
    %rsqrt3A_186 = math.rsqrt %add3A_185 : vector<128x1xf32>
    %mul3A_187 = vector.broadcast %rsqrt3A_186 : vector<128x1xf32> to vector<128x256xf32>
    %mul3A_188 = arith.mulf %sub3A_182, %mul3A_187 : vector<128x256xf32>
    %get3A_189 = arith.constant 0 : index
    %get3A_190 = arith.constant 0 : index
    %get3A_191 = vector.load %arg7[%get3A_189, %get3A_190] : memref<1x256xf32, #tpu.memory_space<vmem>>, vector<1x256xf32>
    %mul3A_192 = vector.broadcast %get3A_191 : vector<1x256xf32> to vector<128x256xf32>
    %mul3A_193 = arith.mulf %mul3A_188, %mul3A_192 : vector<128x256xf32>
    %get3A_194 = arith.constant 0 : index
    %get3A_195 = arith.constant 0 : index
    %get3A_196 = vector.load %arg8[%get3A_194, %get3A_195] : memref<1x256xf32, #tpu.memory_space<vmem>>, vector<1x256xf32>
    %add3A_197 = vector.broadcast %get3A_196 : vector<1x256xf32> to vector<128x256xf32>
    %add3A_198 = arith.addf %mul3A_193, %add3A_197 : vector<128x256xf32>
    %max3A_199 = arith.constant 0.000000e+00 : f32
    %max3A_200 = vector.broadcast %max3A_199 : f32 to vector<128x256xf32>
    %max3A_201 = arith.maximumf %add3A_198, %max3A_200 : vector<128x256xf32>
    %swap3A_202 = arith.constant 256 : index
    %swap3A_203 = arith.constant 0 : index
    %swap3A_204 = vector.load %arg9[%swap3A_202, %swap3A_203] : memref<1024x256xf32, #tpu.memory_space<vmem>>, vector<128x256xf32>
    tpu.vector_store %arg9[%swap3A_202, %swap3A_203], %max3A_201 {strides = array<i32>} : memref<1024x256xf32, #tpu.memory_space<vmem>>, vector<128x256xf32>,
    %slice3A_205 = vector.extract_strided_slice %transpose3A {offsets = [0, 3], sizes = [128, 1], strides = [1, 1]} : vector<128x8xf32> to vector<128x1xf32>
    %get3A_206 = arith.constant 384 : index
    %get3A_207 = arith.constant 0 : index
    %get3A_208 = vector.load %arg1[%get3A_206, %get3A_207] : memref<1024x128xf32, #tpu.memory_space<vmem>>, vector<128x128xf32>
    %mul3A_209 = vector.broadcast %slice3A_205 : vector<128x1xf32> to vector<128x128xf32>
    %mul3A_210 = arith.mulf %get3A_208, %mul3A_209 : vector<128x128xf32>
    %get3A_211 = arith.constant 384 : index
    %get3A_212 = arith.constant 0 : index
    %get3A_213 = vector.load %arg2[%get3A_211, %get3A_212] : memref<1024x128xf32, #tpu.memory_space<vmem>>, vector<128x128xf32>
    %mul3A_214 = vector.broadcast %slice3A_205 : vector<128x1xf32> to vector<128x128xf32>
    %mul3A_215 = arith.mulf %get3A_213, %mul3A_214 : vector<128x128xf32>
    %get3A_216 = arith.constant 0 : index
    %get3A_217 = arith.constant 0 : index
    %get3A_218 = vector.load %arg5[%get3A_216, %get3A_217] : memref<256x256xf32, #tpu.memory_space<vmem>>, vector<128x256xf32>
    %dot_general3A_219 = arith.constant dense<0.000000e+00> : vector<128x256xf32>
    %dot_general3A_220 = tpu.matmul %mul3A_210, %get3A_218, %dot_general3A_219 {dimension_numbers = #tpu.dot_dimension_numbers<[1], [0], [0], [1], [0, 0, 1, 1], [], []>, transpose_lhs_hint = false} : vector<128x128xf32>, vector<128x256xf32>, vector<128x256xf32> -> vector<128x256xf32>
    %get3A_221 = arith.constant 128 : index
    %get3A_222 = arith.constant 0 : index
    %get3A_223 = vector.load %arg5[%get3A_221, %get3A_222] : memref<256x256xf32, #tpu.memory_space<vmem>>, vector<128x256xf32>
    %dot_general3A_224 = arith.constant dense<0.000000e+00> : vector<128x256xf32>
    %dot_general3A_225 = tpu.matmul %mul3A_215, %get3A_223, %dot_general3A_224 {dimension_numbers = #tpu.dot_dimension_numbers<[1], [0], [0], [1], [0, 0, 1, 1], [], []>, transpose_lhs_hint = false} : vector<128x128xf32>, vector<128x256xf32>, vector<128x256xf32> -> vector<128x256xf32>
    %add3A_226 = arith.addf %dot_general3A_220, %dot_general3A_225 : vector<128x256xf32>
    %get3A_227 = arith.constant 0 : index
    %get3A_228 = arith.constant 0 : index
    %get3A_229 = vector.load %arg6[%get3A_227, %get3A_228] : memref<1x256xf32, #tpu.memory_space<vmem>>, vector<1x256xf32>
    %add3A_230 = vector.broadcast %get3A_229 : vector<1x256xf32> to vector<128x256xf32>
    %add3A_231 = arith.addf %add3A_226, %add3A_230 : vector<128x256xf32>
    %reduce_sum3A_232 = arith.constant dense<0.000000e+00> : vector<128xf32>
    %reduce_sum3A_233 = vector.multi_reduction <add>, %add3A_231, %reduce_sum3A_232 [1] : vector<128x256xf32> to vector<128xf32>
    %broadcast_in_dim3A_234 = vector.shape_cast %reduce_sum3A_233 : vector<128xf32> to vector<128x1xf32>
    %div3A_235 = arith.constant 2.560000e+02 : f32
    %div3A_236 = vector.broadcast %div3A_235 : f32 to vector<128x1xf32>
    %div3A_237 = arith.divf %broadcast_in_dim3A_234, %div3A_236 : vector<128x1xf32>
    %sub3A_238 = vector.broadcast %div3A_237 : vector<128x1xf32> to vector<128x256xf32>
    %sub3A_239 = arith.subf %add3A_231, %sub3A_238 : vector<128x256xf32>
    %sub3A_240 = vector.broadcast %div3A_237 : vector<128x1xf32> to vector<128x256xf32>
    %sub3A_241 = arith.subf %add3A_231, %sub3A_240 : vector<128x256xf32>
    %mul3A_242 = arith.mulf %sub3A_239, %sub3A_241 : vector<128x256xf32>
    %reduce_sum3A_243 = arith.constant dense<0.000000e+00> : vector<128xf32>
    %reduce_sum3A_244 = vector.multi_reduction <add>, %mul3A_242, %reduce_sum3A_243 [1] : vector<128x256xf32> to vector<128xf32>
    %broadcast_in_dim3A_245 = vector.shape_cast %reduce_sum3A_244 : vector<128xf32> to vector<128x1xf32>
    %div3A_246 = arith.constant 2.560000e+02 : f32
    %div3A_247 = vector.broadcast %div3A_246 : f32 to vector<128x1xf32>
    %div3A_248 = arith.divf %broadcast_in_dim3A_245, %div3A_247 : vector<128x1xf32>
    %sub3A_249 = vector.broadcast %div3A_237 : vector<128x1xf32> to vector<128x256xf32>
    %sub3A_250 = arith.subf %add3A_231, %sub3A_249 : vector<128x256xf32>
    %add3A_251 = arith.constant 9.99999974E-6 : f32
    %add3A_252 = vector.broadcast %add3A_251 : f32 to vector<128x1xf32>
    %add3A_253 = arith.addf %div3A_248, %add3A_252 : vector<128x1xf32>
    %rsqrt3A_254 = math.rsqrt %add3A_253 : vector<128x1xf32>
    %mul3A_255 = vector.broadcast %rsqrt3A_254 : vector<128x1xf32> to vector<128x256xf32>
    %mul3A_256 = arith.mulf %sub3A_250, %mul3A_255 : vector<128x256xf32>
    %get3A_257 = arith.constant 0 : index
    %get3A_258 = arith.constant 0 : index
    %get3A_259 = vector.load %arg7[%get3A_257, %get3A_258] : memref<1x256xf32, #tpu.memory_space<vmem>>, vector<1x256xf32>
    %mul3A_260 = vector.broadcast %get3A_259 : vector<1x256xf32> to vector<128x256xf32>
    %mul3A_261 = arith.mulf %mul3A_256, %mul3A_260 : vector<128x256xf32>
    %get3A_262 = arith.constant 0 : index
    %get3A_263 = arith.constant 0 : index
    %get3A_264 = vector.load %arg8[%get3A_262, %get3A_263] : memref<1x256xf32, #tpu.memory_space<vmem>>, vector<1x256xf32>
    %add3A_265 = vector.broadcast %get3A_264 : vector<1x256xf32> to vector<128x256xf32>
    %add3A_266 = arith.addf %mul3A_261, %add3A_265 : vector<128x256xf32>
    %max3A_267 = arith.constant 0.000000e+00 : f32
    %max3A_268 = vector.broadcast %max3A_267 : f32 to vector<128x256xf32>
    %max3A_269 = arith.maximumf %add3A_266, %max3A_268 : vector<128x256xf32>
    %swap3A_270 = arith.constant 384 : index
    %swap3A_271 = arith.constant 0 : index
    %swap3A_272 = vector.load %arg9[%swap3A_270, %swap3A_271] : memref<1024x256xf32, #tpu.memory_space<vmem>>, vector<128x256xf32>
    tpu.vector_store %arg9[%swap3A_270, %swap3A_271], %max3A_269 {strides = array<i32>} : memref<1024x256xf32, #tpu.memory_space<vmem>>, vector<128x256xf32>,
    %slice3A_273 = vector.extract_strided_slice %transpose3A {offsets = [0, 4], sizes = [128, 1], strides = [1, 1]} : vector<128x8xf32> to vector<128x1xf32>
    %get3A_274 = arith.constant 512 : index
    %get3A_275 = arith.constant 0 : index
    %get3A_276 = vector.load %arg1[%get3A_274, %get3A_275] : memref<1024x128xf32, #tpu.memory_space<vmem>>, vector<128x128xf32>
    %mul3A_277 = vector.broadcast %slice3A_273 : vector<128x1xf32> to vector<128x128xf32>
    %mul3A_278 = arith.mulf %get3A_276, %mul3A_277 : vector<128x128xf32>
    %get3A_279 = arith.constant 512 : index
    %get3A_280 = arith.constant 0 : index
    %get3A_281 = vector.load %arg2[%get3A_279, %get3A_280] : memref<1024x128xf32, #tpu.memory_space<vmem>>, vector<128x128xf32>
    %mul3A_282 = vector.broadcast %slice3A_273 : vector<128x1xf32> to vector<128x128xf32>
    %mul3A_283 = arith.mulf %get3A_281, %mul3A_282 : vector<128x128xf32>
    %get3A_284 = arith.constant 0 : index
    %get3A_285 = arith.constant 0 : index
    %get3A_286 = vector.load %arg5[%get3A_284, %get3A_285] : memref<256x256xf32, #tpu.memory_space<vmem>>, vector<128x256xf32>
    %dot_general3A_287 = arith.constant dense<0.000000e+00> : vector<128x256xf32>
    %dot_general3A_288 = tpu.matmul %mul3A_278, %get3A_286, %dot_general3A_287 {dimension_numbers = #tpu.dot_dimension_numbers<[1], [0], [0], [1], [0, 0, 1, 1], [], []>, transpose_lhs_hint = false} : vector<128x128xf32>, vector<128x256xf32>, vector<128x256xf32> -> vector<128x256xf32>
    %get3A_289 = arith.constant 128 : index
    %get3A_290 = arith.constant 0 : index
    %get3A_291 = vector.load %arg5[%get3A_289, %get3A_290] : memref<256x256xf32, #tpu.memory_space<vmem>>, vector<128x256xf32>
    %dot_general3A_292 = arith.constant dense<0.000000e+00> : vector<128x256xf32>
    %dot_general3A_293 = tpu.matmul %mul3A_283, %get3A_291, %dot_general3A_292 {dimension_numbers = #tpu.dot_dimension_numbers<[1], [0], [0], [1], [0, 0, 1, 1], [], []>, transpose_lhs_hint = false} : vector<128x128xf32>, vector<128x256xf32>, vector<128x256xf32> -> vector<128x256xf32>
    %add3A_294 = arith.addf %dot_general3A_288, %dot_general3A_293 : vector<128x256xf32>
    %get3A_295 = arith.constant 0 : index
    %get3A_296 = arith.constant 0 : index
    %get3A_297 = vector.load %arg6[%get3A_295, %get3A_296] : memref<1x256xf32, #tpu.memory_space<vmem>>, vector<1x256xf32>
    %add3A_298 = vector.broadcast %get3A_297 : vector<1x256xf32> to vector<128x256xf32>
    %add3A_299 = arith.addf %add3A_294, %add3A_298 : vector<128x256xf32>
    %reduce_sum3A_300 = arith.constant dense<0.000000e+00> : vector<128xf32>
    %reduce_sum3A_301 = vector.multi_reduction <add>, %add3A_299, %reduce_sum3A_300 [1] : vector<128x256xf32> to vector<128xf32>
    %broadcast_in_dim3A_302 = vector.shape_cast %reduce_sum3A_301 : vector<128xf32> to vector<128x1xf32>
    %div3A_303 = arith.constant 2.560000e+02 : f32
    %div3A_304 = vector.broadcast %div3A_303 : f32 to vector<128x1xf32>
    %div3A_305 = arith.divf %broadcast_in_dim3A_302, %div3A_304 : vector<128x1xf32>
    %sub3A_306 = vector.broadcast %div3A_305 : vector<128x1xf32> to vector<128x256xf32>
    %sub3A_307 = arith.subf %add3A_299, %sub3A_306 : vector<128x256xf32>
    %sub3A_308 = vector.broadcast %div3A_305 : vector<128x1xf32> to vector<128x256xf32>
    %sub3A_309 = arith.subf %add3A_299, %sub3A_308 : vector<128x256xf32>
    %mul3A_310 = arith.mulf %sub3A_307, %sub3A_309 : vector<128x256xf32>
    %reduce_sum3A_311 = arith.constant dense<0.000000e+00> : vector<128xf32>
    %reduce_sum3A_312 = vector.multi_reduction <add>, %mul3A_310, %reduce_sum3A_311 [1] : vector<128x256xf32> to vector<128xf32>
    %broadcast_in_dim3A_313 = vector.shape_cast %reduce_sum3A_312 : vector<128xf32> to vector<128x1xf32>
    %div3A_314 = arith.constant 2.560000e+02 : f32
    %div3A_315 = vector.broadcast %div3A_314 : f32 to vector<128x1xf32>
    %div3A_316 = arith.divf %broadcast_in_dim3A_313, %div3A_315 : vector<128x1xf32>
    %sub3A_317 = vector.broadcast %div3A_305 : vector<128x1xf32> to vector<128x256xf32>
    %sub3A_318 = arith.subf %add3A_299, %sub3A_317 : vector<128x256xf32>
    %add3A_319 = arith.constant 9.99999974E-6 : f32
    %add3A_320 = vector.broadcast %add3A_319 : f32 to vector<128x1xf32>
    %add3A_321 = arith.addf %div3A_316, %add3A_320 : vector<128x1xf32>
    %rsqrt3A_322 = math.rsqrt %add3A_321 : vector<128x1xf32>
    %mul3A_323 = vector.broadcast %rsqrt3A_322 : vector<128x1xf32> to vector<128x256xf32>
    %mul3A_324 = arith.mulf %sub3A_318, %mul3A_323 : vector<128x256xf32>
    %get3A_325 = arith.constant 0 : index
    %get3A_326 = arith.constant 0 : index
    %get3A_327 = vector.load %arg7[%get3A_325, %get3A_326] : memref<1x256xf32, #tpu.memory_space<vmem>>, vector<1x256xf32>
    %mul3A_328 = vector.broadcast %get3A_327 : vector<1x256xf32> to vector<128x256xf32>
    %mul3A_329 = arith.mulf %mul3A_324, %mul3A_328 : vector<128x256xf32>
    %get3A_330 = arith.constant 0 : index
    %get3A_331 = arith.constant 0 : index
    %get3A_332 = vector.load %arg8[%get3A_330, %get3A_331] : memref<1x256xf32, #tpu.memory_space<vmem>>, vector<1x256xf32>
    %add3A_333 = vector.broadcast %get3A_332 : vector<1x256xf32> to vector<128x256xf32>
    %add3A_334 = arith.addf %mul3A_329, %add3A_333 : vector<128x256xf32>
    %max3A_335 = arith.constant 0.000000e+00 : f32
    %max3A_336 = vector.broadcast %max3A_335 : f32 to vector<128x256xf32>
    %max3A_337 = arith.maximumf %add3A_334, %max3A_336 : vector<128x256xf32>
    %swap3A_338 = arith.constant 512 : index
    %swap3A_339 = arith.constant 0 : index
    %swap3A_340 = vector.load %arg9[%swap3A_338, %swap3A_339] : memref<1024x256xf32, #tpu.memory_space<vmem>>, vector<128x256xf32>
    tpu.vector_store %arg9[%swap3A_338, %swap3A_339], %max3A_337 {strides = array<i32>} : memref<1024x256xf32, #tpu.memory_space<vmem>>, vector<128x256xf32>,
    %slice3A_341 = vector.extract_strided_slice %transpose3A {offsets = [0, 5], sizes = [128, 1], strides = [1, 1]} : vector<128x8xf32> to vector<128x1xf32>
    %get3A_342 = arith.constant 640 : index
    %get3A_343 = arith.constant 0 : index
    %get3A_344 = vector.load %arg1[%get3A_342, %get3A_343] : memref<1024x128xf32, #tpu.memory_space<vmem>>, vector<128x128xf32>
    %mul3A_345 = vector.broadcast %slice3A_341 : vector<128x1xf32> to vector<128x128xf32>
    %mul3A_346 = arith.mulf %get3A_344, %mul3A_345 : vector<128x128xf32>
    %get3A_347 = arith.constant 640 : index
    %get3A_348 = arith.constant 0 : index
    %get3A_349 = vector.load %arg2[%get3A_347, %get3A_348] : memref<1024x128xf32, #tpu.memory_space<vmem>>, vector<128x128xf32>
    %mul3A_350 = vector.broadcast %slice3A_341 : vector<128x1xf32> to vector<128x128xf32>
    %mul3A_351 = arith.mulf %get3A_349, %mul3A_350 : vector<128x128xf32>
    %get3A_352 = arith.constant 0 : index
    %get3A_353 = arith.constant 0 : index
    %get3A_354 = vector.load %arg5[%get3A_352, %get3A_353] : memref<256x256xf32, #tpu.memory_space<vmem>>, vector<128x256xf32>
    %dot_general3A_355 = arith.constant dense<0.000000e+00> : vector<128x256xf32>
    %dot_general3A_356 = tpu.matmul %mul3A_346, %get3A_354, %dot_general3A_355 {dimension_numbers = #tpu.dot_dimension_numbers<[1], [0], [0], [1], [0, 0, 1, 1], [], []>, transpose_lhs_hint = false} : vector<128x128xf32>, vector<128x256xf32>, vector<128x256xf32> -> vector<128x256xf32>
    %get3A_357 = arith.constant 128 : index
    %get3A_358 = arith.constant 0 : index
    %get3A_359 = vector.load %arg5[%get3A_357, %get3A_358] : memref<256x256xf32, #tpu.memory_space<vmem>>, vector<128x256xf32>
    %dot_general3A_360 = arith.constant dense<0.000000e+00> : vector<128x256xf32>
    %dot_general3A_361 = tpu.matmul %mul3A_351, %get3A_359, %dot_general3A_360 {dimension_numbers = #tpu.dot_dimension_numbers<[1], [0], [0], [1], [0, 0, 1, 1], [], []>, transpose_lhs_hint = false} : vector<128x128xf32>, vector<128x256xf32>, vector<128x256xf32> -> vector<128x256xf32>
    %add3A_362 = arith.addf %dot_general3A_356, %dot_general3A_361 : vector<128x256xf32>
    %get3A_363 = arith.constant 0 : index
    %get3A_364 = arith.constant 0 : index
    %get3A_365 = vector.load %arg6[%get3A_363, %get3A_364] : memref<1x256xf32, #tpu.memory_space<vmem>>, vector<1x256xf32>
    %add3A_366 = vector.broadcast %get3A_365 : vector<1x256xf32> to vector<128x256xf32>
    %add3A_367 = arith.addf %add3A_362, %add3A_366 : vector<128x256xf32>
    %reduce_sum3A_368 = arith.constant dense<0.000000e+00> : vector<128xf32>
    %reduce_sum3A_369 = vector.multi_reduction <add>, %add3A_367, %reduce_sum3A_368 [1] : vector<128x256xf32> to vector<128xf32>
    %broadcast_in_dim3A_370 = vector.shape_cast %reduce_sum3A_369 : vector<128xf32> to vector<128x1xf32>
    %div3A_371 = arith.constant 2.560000e+02 : f32
    %div3A_372 = vector.broadcast %div3A_371 : f32 to vector<128x1xf32>
    %div3A_373 = arith.divf %broadcast_in_dim3A_370, %div3A_372 : vector<128x1xf32>
    %sub3A_374 = vector.broadcast %div3A_373 : vector<128x1xf32> to vector<128x256xf32>
    %sub3A_375 = arith.subf %add3A_367, %sub3A_374 : vector<128x256xf32>
    %sub3A_376 = vector.broadcast %div3A_373 : vector<128x1xf32> to vector<128x256xf32>
    %sub3A_377 = arith.subf %add3A_367, %sub3A_376 : vector<128x256xf32>
    %mul3A_378 = arith.mulf %sub3A_375, %sub3A_377 : vector<128x256xf32>
    %reduce_sum3A_379 = arith.constant dense<0.000000e+00> : vector<128xf32>
    %reduce_sum3A_380 = vector.multi_reduction <add>, %mul3A_378, %reduce_sum3A_379 [1] : vector<128x256xf32> to vector<128xf32>
    %broadcast_in_dim3A_381 = vector.shape_cast %reduce_sum3A_380 : vector<128xf32> to vector<128x1xf32>
    %div3A_382 = arith.constant 2.560000e+02 : f32
    %div3A_383 = vector.broadcast %div3A_382 : f32 to vector<128x1xf32>
    %div3A_384 = arith.divf %broadcast_in_dim3A_381, %div3A_383 : vector<128x1xf32>
    %sub3A_385 = vector.broadcast %div3A_373 : vector<128x1xf32> to vector<128x256xf32>
    %sub3A_386 = arith.subf %add3A_367, %sub3A_385 : vector<128x256xf32>
    %add3A_387 = arith.constant 9.99999974E-6 : f32
    %add3A_388 = vector.broadcast %add3A_387 : f32 to vector<128x1xf32>
    %add3A_389 = arith.addf %div3A_384, %add3A_388 : vector<128x1xf32>
    %rsqrt3A_390 = math.rsqrt %add3A_389 : vector<128x1xf32>
    %mul3A_391 = vector.broadcast %rsqrt3A_390 : vector<128x1xf32> to vector<128x256xf32>
    %mul3A_392 = arith.mulf %sub3A_386, %mul3A_391 : vector<128x256xf32>
    %get3A_393 = arith.constant 0 : index
    %get3A_394 = arith.constant 0 : index
    %get3A_395 = vector.load %arg7[%get3A_393, %get3A_394] : memref<1x256xf32, #tpu.memory_space<vmem>>, vector<1x256xf32>
    %mul3A_396 = vector.broadcast %get3A_395 : vector<1x256xf32> to vector<128x256xf32>
    %mul3A_397 = arith.mulf %mul3A_392, %mul3A_396 : vector<128x256xf32>
    %get3A_398 = arith.constant 0 : index
    %get3A_399 = arith.constant 0 : index
    %get3A_400 = vector.load %arg8[%get3A_398, %get3A_399] : memref<1x256xf32, #tpu.memory_space<vmem>>, vector<1x256xf32>
    %add3A_401 = vector.broadcast %get3A_400 : vector<1x256xf32> to vector<128x256xf32>
    %add3A_402 = arith.addf %mul3A_397, %add3A_401 : vector<128x256xf32>
    %max3A_403 = arith.constant 0.000000e+00 : f32
    %max3A_404 = vector.broadcast %max3A_403 : f32 to vector<128x256xf32>
    %max3A_405 = arith.maximumf %add3A_402, %max3A_404 : vector<128x256xf32>
    %swap3A_406 = arith.constant 640 : index
    %swap3A_407 = arith.constant 0 : index
    %swap3A_408 = vector.load %arg9[%swap3A_406, %swap3A_407] : memref<1024x256xf32, #tpu.memory_space<vmem>>, vector<128x256xf32>
    tpu.vector_store %arg9[%swap3A_406, %swap3A_407], %max3A_405 {strides = array<i32>} : memref<1024x256xf32, #tpu.memory_space<vmem>>, vector<128x256xf32>,
    %slice3A_409 = vector.extract_strided_slice %transpose3A {offsets = [0, 6], sizes = [128, 1], strides = [1, 1]} : vector<128x8xf32> to vector<128x1xf32>
    %get3A_410 = arith.constant 768 : index
    %get3A_411 = arith.constant 0 : index
    %get3A_412 = vector.load %arg1[%get3A_410, %get3A_411] : memref<1024x128xf32, #tpu.memory_space<vmem>>, vector<128x128xf32>
    %mul3A_413 = vector.broadcast %slice3A_409 : vector<128x1xf32> to vector<128x128xf32>
    %mul3A_414 = arith.mulf %get3A_412, %mul3A_413 : vector<128x128xf32>
    %get3A_415 = arith.constant 768 : index
    %get3A_416 = arith.constant 0 : index
    %get3A_417 = vector.load %arg2[%get3A_415, %get3A_416] : memref<1024x128xf32, #tpu.memory_space<vmem>>, vector<128x128xf32>
    %mul3A_418 = vector.broadcast %slice3A_409 : vector<128x1xf32> to vector<128x128xf32>
    %mul3A_419 = arith.mulf %get3A_417, %mul3A_418 : vector<128x128xf32>
    %get3A_420 = arith.constant 0 : index
    %get3A_421 = arith.constant 0 : index
    %get3A_422 = vector.load %arg5[%get3A_420, %get3A_421] : memref<256x256xf32, #tpu.memory_space<vmem>>, vector<128x256xf32>
    %dot_general3A_423 = arith.constant dense<0.000000e+00> : vector<128x256xf32>
    %dot_general3A_424 = tpu.matmul %mul3A_414, %get3A_422, %dot_general3A_423 {dimension_numbers = #tpu.dot_dimension_numbers<[1], [0], [0], [1], [0, 0, 1, 1], [], []>, transpose_lhs_hint = false} : vector<128x128xf32>, vector<128x256xf32>, vector<128x256xf32> -> vector<128x256xf32>
    %get3A_425 = arith.constant 128 : index
    %get3A_426 = arith.constant 0 : index
    %get3A_427 = vector.load %arg5[%get3A_425, %get3A_426] : memref<256x256xf32, #tpu.memory_space<vmem>>, vector<128x256xf32>
    %dot_general3A_428 = arith.constant dense<0.000000e+00> : vector<128x256xf32>
    %dot_general3A_429 = tpu.matmul %mul3A_419, %get3A_427, %dot_general3A_428 {dimension_numbers = #tpu.dot_dimension_numbers<[1], [0], [0], [1], [0, 0, 1, 1], [], []>, transpose_lhs_hint = false} : vector<128x128xf32>, vector<128x256xf32>, vector<128x256xf32> -> vector<128x256xf32>
    %add3A_430 = arith.addf %dot_general3A_424, %dot_general3A_429 : vector<128x256xf32>
    %get3A_431 = arith.constant 0 : index
    %get3A_432 = arith.constant 0 : index
    %get3A_433 = vector.load %arg6[%get3A_431, %get3A_432] : memref<1x256xf32, #tpu.memory_space<vmem>>, vector<1x256xf32>
    %add3A_434 = vector.broadcast %get3A_433 : vector<1x256xf32> to vector<128x256xf32>
    %add3A_435 = arith.addf %add3A_430, %add3A_434 : vector<128x256xf32>
    %reduce_sum3A_436 = arith.constant dense<0.000000e+00> : vector<128xf32>
    %reduce_sum3A_437 = vector.multi_reduction <add>, %add3A_435, %reduce_sum3A_436 [1] : vector<128x256xf32> to vector<128xf32>
    %broadcast_in_dim3A_438 = vector.shape_cast %reduce_sum3A_437 : vector<128xf32> to vector<128x1xf32>
    %div3A_439 = arith.constant 2.560000e+02 : f32
    %div3A_440 = vector.broadcast %div3A_439 : f32 to vector<128x1xf32>
    %div3A_441 = arith.divf %broadcast_in_dim3A_438, %div3A_440 : vector<128x1xf32>
    %sub3A_442 = vector.broadcast %div3A_441 : vector<128x1xf32> to vector<128x256xf32>
    %sub3A_443 = arith.subf %add3A_435, %sub3A_442 : vector<128x256xf32>
    %sub3A_444 = vector.broadcast %div3A_441 : vector<128x1xf32> to vector<128x256xf32>
    %sub3A_445 = arith.subf %add3A_435, %sub3A_444 : vector<128x256xf32>
    %mul3A_446 = arith.mulf %sub3A_443, %sub3A_445 : vector<128x256xf32>
    %reduce_sum3A_447 = arith.constant dense<0.000000e+00> : vector<128xf32>
    %reduce_sum3A_448 = vector.multi_reduction <add>, %mul3A_446, %reduce_sum3A_447 [1] : vector<128x256xf32> to vector<128xf32>
    %broadcast_in_dim3A_449 = vector.shape_cast %reduce_sum3A_448 : vector<128xf32> to vector<128x1xf32>
    %div3A_450 = arith.constant 2.560000e+02 : f32
    %div3A_451 = vector.broadcast %div3A_450 : f32 to vector<128x1xf32>
    %div3A_452 = arith.divf %broadcast_in_dim3A_449, %div3A_451 : vector<128x1xf32>
    %sub3A_453 = vector.broadcast %div3A_441 : vector<128x1xf32> to vector<128x256xf32>
    %sub3A_454 = arith.subf %add3A_435, %sub3A_453 : vector<128x256xf32>
    %add3A_455 = arith.constant 9.99999974E-6 : f32
    %add3A_456 = vector.broadcast %add3A_455 : f32 to vector<128x1xf32>
    %add3A_457 = arith.addf %div3A_452, %add3A_456 : vector<128x1xf32>
    %rsqrt3A_458 = math.rsqrt %add3A_457 : vector<128x1xf32>
    %mul3A_459 = vector.broadcast %rsqrt3A_458 : vector<128x1xf32> to vector<128x256xf32>
    %mul3A_460 = arith.mulf %sub3A_454, %mul3A_459 : vector<128x256xf32>
    %get3A_461 = arith.constant 0 : index
    %get3A_462 = arith.constant 0 : index
    %get3A_463 = vector.load %arg7[%get3A_461, %get3A_462] : memref<1x256xf32, #tpu.memory_space<vmem>>, vector<1x256xf32>
    %mul3A_464 = vector.broadcast %get3A_463 : vector<1x256xf32> to vector<128x256xf32>
    %mul3A_465 = arith.mulf %mul3A_460, %mul3A_464 : vector<128x256xf32>
    %get3A_466 = arith.constant 0 : index
    %get3A_467 = arith.constant 0 : index
    %get3A_468 = vector.load %arg8[%get3A_466, %get3A_467] : memref<1x256xf32, #tpu.memory_space<vmem>>, vector<1x256xf32>
    %add3A_469 = vector.broadcast %get3A_468 : vector<1x256xf32> to vector<128x256xf32>
    %add3A_470 = arith.addf %mul3A_465, %add3A_469 : vector<128x256xf32>
    %max3A_471 = arith.constant 0.000000e+00 : f32
    %max3A_472 = vector.broadcast %max3A_471 : f32 to vector<128x256xf32>
    %max3A_473 = arith.maximumf %add3A_470, %max3A_472 : vector<128x256xf32>
    %swap3A_474 = arith.constant 768 : index
    %swap3A_475 = arith.constant 0 : index
    %swap3A_476 = vector.load %arg9[%swap3A_474, %swap3A_475] : memref<1024x256xf32, #tpu.memory_space<vmem>>, vector<128x256xf32>
    tpu.vector_store %arg9[%swap3A_474, %swap3A_475], %max3A_473 {strides = array<i32>} : memref<1024x256xf32, #tpu.memory_space<vmem>>, vector<128x256xf32>,
    %slice3A_477 = vector.extract_strided_slice %transpose3A {offsets = [0, 7], sizes = [128, 1], strides = [1, 1]} : vector<128x8xf32> to vector<128x1xf32>
    %get3A_478 = arith.constant 896 : index
    %get3A_479 = arith.constant 0 : index
    %get3A_480 = vector.load %arg1[%get3A_478, %get3A_479] : memref<1024x128xf32, #tpu.memory_space<vmem>>, vector<128x128xf32>
    %mul3A_481 = vector.broadcast %slice3A_477 : vector<128x1xf32> to vector<128x128xf32>
    %mul3A_482 = arith.mulf %get3A_480, %mul3A_481 : vector<128x128xf32>
    %get3A_483 = arith.constant 896 : index
    %get3A_484 = arith.constant 0 : index
    %get3A_485 = vector.load %arg2[%get3A_483, %get3A_484] : memref<1024x128xf32, #tpu.memory_space<vmem>>, vector<128x128xf32>
    %mul3A_486 = vector.broadcast %slice3A_477 : vector<128x1xf32> to vector<128x128xf32>
    %mul3A_487 = arith.mulf %get3A_485, %mul3A_486 : vector<128x128xf32>
    %get3A_488 = arith.constant 0 : index
    %get3A_489 = arith.constant 0 : index
    %get3A_490 = vector.load %arg5[%get3A_488, %get3A_489] : memref<256x256xf32, #tpu.memory_space<vmem>>, vector<128x256xf32>
    %dot_general3A_491 = arith.constant dense<0.000000e+00> : vector<128x256xf32>
    %dot_general3A_492 = tpu.matmul %mul3A_482, %get3A_490, %dot_general3A_491 {dimension_numbers = #tpu.dot_dimension_numbers<[1], [0], [0], [1], [0, 0, 1, 1], [], []>, transpose_lhs_hint = false} : vector<128x128xf32>, vector<128x256xf32>, vector<128x256xf32> -> vector<128x256xf32>
    %get3A_493 = arith.constant 128 : index
    %get3A_494 = arith.constant 0 : index
    %get3A_495 = vector.load %arg5[%get3A_493, %get3A_494] : memref<256x256xf32, #tpu.memory_space<vmem>>, vector<128x256xf32>
    %dot_general3A_496 = arith.constant dense<0.000000e+00> : vector<128x256xf32>
    %dot_general3A_497 = tpu.matmul %mul3A_487, %get3A_495, %dot_general3A_496 {dimension_numbers = #tpu.dot_dimension_numbers<[1], [0], [0], [1], [0, 0, 1, 1], [], []>, transpose_lhs_hint = false} : vector<128x128xf32>, vector<128x256xf32>, vector<128x256xf32> -> vector<128x256xf32>
    %add3A_498 = arith.addf %dot_general3A_492, %dot_general3A_497 : vector<128x256xf32>
    %get3A_499 = arith.constant 0 : index
    %get3A_500 = arith.constant 0 : index
    %get3A_501 = vector.load %arg6[%get3A_499, %get3A_500] : memref<1x256xf32, #tpu.memory_space<vmem>>, vector<1x256xf32>
    %add3A_502 = vector.broadcast %get3A_501 : vector<1x256xf32> to vector<128x256xf32>
    %add3A_503 = arith.addf %add3A_498, %add3A_502 : vector<128x256xf32>
    %reduce_sum3A_504 = arith.constant dense<0.000000e+00> : vector<128xf32>
    %reduce_sum3A_505 = vector.multi_reduction <add>, %add3A_503, %reduce_sum3A_504 [1] : vector<128x256xf32> to vector<128xf32>
    %broadcast_in_dim3A_506 = vector.shape_cast %reduce_sum3A_505 : vector<128xf32> to vector<128x1xf32>
    %div3A_507 = arith.constant 2.560000e+02 : f32
    %div3A_508 = vector.broadcast %div3A_507 : f32 to vector<128x1xf32>
    %div3A_509 = arith.divf %broadcast_in_dim3A_506, %div3A_508 : vector<128x1xf32>
    %sub3A_510 = vector.broadcast %div3A_509 : vector<128x1xf32> to vector<128x256xf32>
    %sub3A_511 = arith.subf %add3A_503, %sub3A_510 : vector<128x256xf32>
    %sub3A_512 = vector.broadcast %div3A_509 : vector<128x1xf32> to vector<128x256xf32>
    %sub3A_513 = arith.subf %add3A_503, %sub3A_512 : vector<128x256xf32>
    %mul3A_514 = arith.mulf %sub3A_511, %sub3A_513 : vector<128x256xf32>
    %reduce_sum3A_515 = arith.constant dense<0.000000e+00> : vector<128xf32>
    %reduce_sum3A_516 = vector.multi_reduction <add>, %mul3A_514, %reduce_sum3A_515 [1] : vector<128x256xf32> to vector<128xf32>
    %broadcast_in_dim3A_517 = vector.shape_cast %reduce_sum3A_516 : vector<128xf32> to vector<128x1xf32>
    %div3A_518 = arith.constant 2.560000e+02 : f32
    %div3A_519 = vector.broadcast %div3A_518 : f32 to vector<128x1xf32>
    %div3A_520 = arith.divf %broadcast_in_dim3A_517, %div3A_519 : vector<128x1xf32>
    %sub3A_521 = vector.broadcast %div3A_509 : vector<128x1xf32> to vector<128x256xf32>
    %sub3A_522 = arith.subf %add3A_503, %sub3A_521 : vector<128x256xf32>
    %add3A_523 = arith.constant 9.99999974E-6 : f32
    %add3A_524 = vector.broadcast %add3A_523 : f32 to vector<128x1xf32>
    %add3A_525 = arith.addf %div3A_520, %add3A_524 : vector<128x1xf32>
    %rsqrt3A_526 = math.rsqrt %add3A_525 : vector<128x1xf32>
    %mul3A_527 = vector.broadcast %rsqrt3A_526 : vector<128x1xf32> to vector<128x256xf32>
    %mul3A_528 = arith.mulf %sub3A_522, %mul3A_527 : vector<128x256xf32>
    %get3A_529 = arith.constant 0 : index
    %get3A_530 = arith.constant 0 : index
    %get3A_531 = vector.load %arg7[%get3A_529, %get3A_530] : memref<1x256xf32, #tpu.memory_space<vmem>>, vector<1x256xf32>
    %mul3A_532 = vector.broadcast %get3A_531 : vector<1x256xf32> to vector<128x256xf32>
    %mul3A_533 = arith.mulf %mul3A_528, %mul3A_532 : vector<128x256xf32>
    %get3A_534 = arith.constant 0 : index
    %get3A_535 = arith.constant 0 : index
    %get3A_536 = vector.load %arg8[%get3A_534, %get3A_535] : memref<1x256xf32, #tpu.memory_space<vmem>>, vector<1x256xf32>
    %add3A_537 = vector.broadcast %get3A_536 : vector<1x256xf32> to vector<128x256xf32>
    %add3A_538 = arith.addf %mul3A_533, %add3A_537 : vector<128x256xf32>
    %max3A_539 = arith.constant 0.000000e+00 : f32
    %max3A_540 = vector.broadcast %max3A_539 : f32 to vector<128x256xf32>
    %max3A_541 = arith.maximumf %add3A_538, %max3A_540 : vector<128x256xf32>
    %swap3A_542 = arith.constant 896 : index
    %swap3A_543 = arith.constant 0 : index
    %swap3A_544 = vector.load %arg9[%swap3A_542, %swap3A_543] : memref<1024x256xf32, #tpu.memory_space<vmem>>, vector<128x256xf32>
    tpu.vector_store %arg9[%swap3A_542, %swap3A_543], %max3A_541 {strides = array<i32>} : memref<1024x256xf32, #tpu.memory_space<vmem>>, vector<128x256xf32>,
    return
  }
  func.func @transform_0(%arg0: i32) -> (i32, i32) {
    %c0_i32 = arith.constant 0 : i32
    %c0_i32_0 = arith.constant 0 : i32
    return %arg0, %c0_i32 : i32, i32
  }
  func.func @transform_1(%arg0: i32) -> (i32, i32) {
    %c0_i32 = arith.constant 0 : i32
    %c0_i32_0 = arith.constant 0 : i32
    return %arg0, %c0_i32 : i32, i32
  }
  func.func @transform_2(%arg0: i32) -> (i32, i32) {
    %c0_i32 = arith.constant 0 : i32
    %c0_i32_0 = arith.constant 0 : i32
    return %arg0, %c0_i32 : i32, i32
  }
  func.func @transform_3(%arg0: i32) -> (i32, i32) {
    %c0_i32 = arith.constant 0 : i32
    %c0_i32_0 = arith.constant 0 : i32
    return %arg0, %c0_i32 : i32, i32
  }
  func.func @transform_4(%arg0: i32) -> (i32, i32) {
    %c0_i32 = arith.constant 0 : i32
    %c0_i32_0 = arith.constant 0 : i32
    %c0_i32_1 = arith.constant 0 : i32
    return %c0_i32, %c0_i32_0 : i32, i32
  }
  func.func @transform_5(%arg0: i32) -> (i32, i32) {
    %c0_i32 = arith.constant 0 : i32
    %c0_i32_0 = arith.constant 0 : i32
    %c0_i32_1 = arith.constant 0 : i32
    return %c0_i32, %c0_i32_0 : i32, i32
  }
  func.func @transform_6(%arg0: i32) -> (i32, i32) {
    %c0_i32 = arith.constant 0 : i32
    %c0_i32_0 = arith.constant 0 : i32
    %c0_i32_1 = arith.constant 0 : i32
    return %c0_i32, %c0_i32_0 : i32, i32
  }
  func.func @transform_7(%arg0: i32) -> (i32, i32) {
    %c0_i32 = arith.constant 0 : i32
    %c0_i32_0 = arith.constant 0 : i32
    %c0_i32_1 = arith.constant 0 : i32
    return %c0_i32, %c0_i32_0 : i32, i32
  }
  func.func @transform_8(%arg0: i32) -> (i32, i32) {
    %c0_i32 = arith.constant 0 : i32
    %c0_i32_0 = arith.constant 0 : i32
    return %arg0, %c0_i32 : i32, i32
  }
}

</mosaic_0001>

<sc_bundles>
// kernel: kernel.4.cloned.1.call-start
scs
__scs_entry_jumppad:
0x0: {  	(pc) =	sbr.rel $0x88, $3  }
0x1: {  	(tag) =	ssettag $0x0;
	lr =	simm.s32 $0x1  }
0x2: {  	[smem:$0x3F9B] =	sst lr;
	_ =	strace $0xD0000000  }
0x3: {  	_ = 	snop  }
0x4: {  	_ = 	snop  }
0x5: {  	_ = 	snop  }
0x6: {  	_ = 	snop  }
0x7: {  	_ = 	snop  }
__scs_overlays_trampoline_lowered:
0x8: {  	[smem:$0x3FAA] =	sst s0  }
0x9: {  	[smem:$0x3FAB] =	sst s1  }
0xa: {  	[smem:$0x3FAC] =	sst s2  }
0xb: {  	[smem:$0x3FAD] =	sst s3  }
0xc: {  	[smem:$0x3FAE] =	sst s4  }
0xd: {  	[smem:$0x3FAF] =	sst s5  }
0xe: {  	[smem:$0x3FB0] =	sst s6  }
0xf: {  	[smem:$0x3FB1] =	sst s7  }
0x10: {  	[smem:$0x3FB2] =	sst s8  }
0x11: {  	[smem:$0x3FB3] =	sst s9;
	s0 =	simm.s32 @!p0 $0x0  }
0x12: {  	s1 =	sld [smem:$0x3F99];
	s0 =	simm.s32 @p0 $0x1  }
0x13: {  	[smem:$0x3FB4] =	sst s0;
	s0 =	simm.s32 @!p1 $0x0  }
0x14: {  	s2 =	sld [smem:$0x3F98];
	s0 =	simm.s32 @p1 $0x1  }
0x15: {  	[smem:$0x3FB5] =	sst s0;
	s0 =	simm.s32 @!p2 $0x0  }
0x16: {  	s3 =	sld [smem:$0x3FDB];
	s0 =	simm.s32 @p2 $0x1  }
0x17: {  	s4 =	simm.s32 $0x1BF5;
	[smem:$0x3FB7] =	sst s0  }
0x18: {  	s0 =	sld [smem:$0x3F9A];
	_ =	swait.ge [sflag:s4], $0x0  }
0x19: {  	s7 =	sld [smem:$0x3F9B]  }
0x1a: {  	s8 =	sadd.s32 $0xFFFFE003, lr  }
0x1b: {  	s9 =	sadd.s32 $0xFFFFFEF7, lr;
	s5 =	simm.s32 $0xFFFFFFFF;
	p2 =	slt.u32 s8, $0xFFFFF086  }
0x1c: {  	p1 =	slt.u32 s9, $0xF7A;
	s5 =	simm.s32 @!p2 $0x0  }
0x1d: {  	s5 =	simm.s32 @p1 $0x1;
	p0 =	seq.s32 s7, s2  }
0x1e: {  	s7 =	smul.u32 @!p0 $0xF7A, s2;
	p2 =	seq.s32 @!p0 s5, $0x0  }
0x1f: {  	s9 =	smul.u32 $0xF7A, s1;
	s8 =	simm.s32 @!p0 $0x1BF5;
	p2 =	por !p2, p0  }
0x20: {  	[sflag:s8] =	ssyncset.s32 @!p0 $0xFFFFF086;
	s6 =	sadd.s32 @!p0 s3, s7;
	s7 =	simm.s32 @!p0 $0x108  }
0x21: {  	s3 =	sadd.s32 s3, s9;
	s6 =	sadd.s32 @!p0 $0x88, s6;
	s7 =	simm.s32 @p2 $0x1082  }
0x22: {  	[simem:s7], [sflag:s8] =	dma.local @!p0 [hbm:s6], $0xF7A  }
0x23: {  	s9 =	sor.u32 $0xD0000000, s2;
	s6 =	simm.s32 $0x108;
	_ =	swait.ge @!p0 [sflag:s8], $0x0  }
0x24: {  	s3 =	sadd.s32 $0x88, s3;
	s6 =	simm.s32 @!p1 $0x1082;
	[sflag:s4] =	ssyncset.s32 $0xFFFFF086  }
0x25: {  	[simem:s6], [sflag:s4] =	dma.local [hbm:s3], $0xF7A  }
0x26: {  	[smem:$0x3F9B] =	sst s1;
	(tag) =	ssettag s2;
	_ =	strace s9  }
0x27: {  	s1 =	sld [smem:$0x3FAB]  }
0x28: {  	s2 =	sld [smem:$0x3FAC]  }
0x29: {  	s4 =	sld [smem:$0x3FAE]  }
0x2a: {  	p0 =	seq.s32 s5, $0x0;
	s5 =	sld [smem:$0x3FAF]  }
0x2b: {  	s6 =	sld [smem:$0x3FB0]  }
0x2c: {  	s7 =	sld [smem:$0x3FB1]  }
0x2d: {  	s3 =	simm.s32 $0x108;
	s8 =	sld [smem:$0x3FB2]  }
0x2e: {  	s3 =	simm.s32 @!p0 $0x1082;
	s9 =	sld [smem:$0x3FB3]  }
0x2f: {  	lr =	sadd.s32 s0, s3;
	s0 =	sld [smem:$0x3FAA]  }
0x30: {  	s3 =	sld [smem:$0x3FAD]  }
0x31: {  	[smem:$0x3FB6] =	sst s10  }
0x32: {  	s10 =	sld [smem:$0x3FB4];
	_ =	sdelay $0x3  }
0x33: {  	p0 =	seq.s32 s10, $0x1;
	s10 =	sld [smem:$0x3FB6];
	_ =	sdelay $0x3  }
0x34: {  	[smem:$0x3FB6] =	sst s10  }
0x35: {  	s10 =	sld [smem:$0x3FB5];
	_ =	sdelay $0x3  }
0x36: {  	p1 =	seq.s32 s10, $0x1;
	s10 =	sld [smem:$0x3FB6];
	_ =	sdelay $0x3  }
0x37: {  	[smem:$0x3FB6] =	sst s10  }
0x38: {  	s10 =	sld [smem:$0x3FB7]  }
0x39: {  	_ = 	snop;
	(pc) =	sbr.ind lr, $3  }
0x3a: {  	_ = 	snop  }
0x3b: {  	_ = 	snop  }
0x3c: {  	p2 =	seq.s32 s10, $0x1;
	s10 =	sld [smem:$0x3FB6]  }
0x3d: {  	_ =	shalt  }
0x3e: {  	_ =	shalt  }
0x3f: {  	_ =	shalt  }
0x40: {  	_ =	shalt  }
0x41: {  	_ =	shalt  }
0x42: {  	_ =	shalt  }
0x43: {  	_ =	shalt  }
0x44: {  	_ =	shalt  }
0x45: {  	_ =	shalt  }
0x46: {  	_ =	shalt  }
0x47: {  	_ =	shalt  }
0x48: {  	_ =	shalt  }
0x49: {  	_ =	shalt  }
0x4a: {  	_ =	shalt  }
0x4b: {  	_ =	shalt  }
0x4c: {  	_ =	shalt  }
0x4d: {  	_ =	shalt  }
0x4e: {  	_ =	shalt  }
0x4f: {  	_ =	shalt  }
0x50: {  	_ =	shalt  }
0x51: {  	_ =	shalt  }
0x52: {  	_ =	shalt  }
0x53: {  	_ =	shalt  }
0x54: {  	_ =	shalt  }
0x55: {  	_ =	shalt  }
0x56: {  	_ =	shalt  }
0x57: {  	_ =	shalt  }
0x58: {  	_ =	shalt  }
0x59: {  	_ =	shalt  }
0x5a: {  	_ =	shalt  }
0x5b: {  	_ =	shalt  }
0x5c: {  	_ =	shalt  }
0x5d: {  	_ =	shalt  }
0x5e: {  	_ =	shalt  }
0x5f: {  	_ =	shalt  }
0x60: {  	_ =	shalt  }
0x61: {  	_ =	shalt  }
0x62: {  	_ =	shalt  }
0x63: {  	_ =	shalt  }
0x64: {  	_ =	shalt  }
0x65: {  	_ =	shalt  }
0x66: {  	_ =	shalt  }
0x67: {  	_ =	shalt  }
0x68: {  	_ =	shalt  }
0x69: {  	_ =	shalt  }
0x6a: {  	_ =	shalt  }
0x6b: {  	_ =	shalt  }
0x6c: {  	_ =	shalt  }
0x6d: {  	_ =	shalt  }
0x6e: {  	_ =	shalt  }
0x6f: {  	_ =	shalt  }
0x70: {  	_ =	shalt  }
0x71: {  	_ =	shalt  }
0x72: {  	_ =	shalt  }
0x73: {  	_ =	shalt  }
0x74: {  	_ =	shalt  }
0x75: {  	_ =	shalt  }
0x76: {  	_ =	shalt  }
0x77: {  	_ =	shalt  }
0x78: {  	_ =	shalt  }
0x79: {  	_ =	shalt  }
0x7a: {  	_ =	shalt  }
0x7b: {  	_ =	shalt  }
0x7c: {  	_ =	shalt  }
0x7d: {  	_ =	shalt  }
0x7e: {  	_ =	shalt  }
0x7f: {  	_ =	shalt  }
0x80: {  	_ =	shalt  }
0x81: {  	_ =	shalt  }
0x82: {  	_ =	shalt  }
0x83: {  	_ =	shalt  }
0x84: {  	_ =	shalt  }
0x85: {  	_ =	shalt  }
0x86: {  	_ =	shalt  }
0x87: {  	_ =	shalt  }
.Lfunc_end0:
.L_simem_size_0:
called_computation_lowered:
.L_overlay_start_0:
0x88: {  	s2 =	sld [smem:$0x3FD9]  }
0x89: {  	s3 =	sld [smem:$0x3FFE];
	_ =	sdelay $0x1  }
0x8a: {  	s1 =	srdreg.scid  }
0x8b: {  	s0 =	sand.u32 $0x1, s1  }
0x8c: {  	s17 =	sshll.u32 s0, $0xA;
	s2 =	sadd.s32 s3, s2  }
0x8d: {  	s2 =	sadd.s32 s2, s17  }
0x8e: {  	[smem:$0x3FC2] =	sst s2  }
0x8f: {  	_ = 	snop  }
0x90: {  	s2 =	sld [smem:$0x3FD0];
	(tm) =	ssettm $0x1  }
0x91: {  	s18 =	sld [smem:$0x3FFB];
	_ =	sdelay $0x3  }
0x92: {  	_ =	strace s18  }
0x93: {  	s3 =	sld [smem:$0x3FFC];
	_ =	sdelay $0x3  }
0x94: {  	_ =	strace s3  }
0x95: {  	s3 =	sld [smem:$0x3FFD];
	_ =	sdelay $0x3  }
0x96: {  	_ =	strace s3  }
0x97: {  	_ =	strace $0x8FFFFFFF  }
0x98: {  	s19 =	sld [smem:$0x3FDB];
	_ =	sdelay $0x1  }
0x99: {  	s4 =	simm.s32 $_scs_section_size  }
0x9a: {  	s5 =	simm.s32 $_size__tile_overlayer_lowered;
	s6 =	simm.s32 $_tile_overlayer_lowered  }
0x9b: {  	s22 =	simm.s32 $0x1BFF;
	s21 =	sshll.u32 s6, $0x1;
	s3 =	sadd.s32 s4, s19  }
0x9c: {  	s7 =	simm.s32 $0x0;
	s20 =	sshll.u32 s5, $0x1;
	s5 =	sadd.s32 s21, s3  }
0x9d: {  	[timem:s7], [sflag:s22] =	dma.local [hbm:s5], s20  }
0x9e: {  	_ =	swait.ge [sflag:s22], s20  }
0x9f: {  	s4 =	ssub.s32 $0x0, s20;
	[sflag:s22] =	ssyncset.done $0x0  }
0xa0: {  	[sflag:s22] =	ssyncadd.s32 s4;
	_ =	sdelay $0x1  }
0xa1: {  	s23 =	simm.s32 $0x1B8B  }
0xa2: {  	_ =	swait.ge [sflag:s23], $0x1  }
0xa3: {  	[sflag:s23] =	ssyncset.done $0x0  }
0xa4: {  	s25 =	simm.s32 $0x1B8E;
	s24 =	sld [smem:$0x3FFE];
	[sflag:s23] =	ssyncadd.s32 $0xFFFFFFFF  }
0xa5: {  	s26 =	simm.s32 $execute0_lowered;
	[smem:$0x3FD2] =	sst s25  }
0xa6: {  	s5 =	sshll.u32 s26, $0x1;
	_ =	strace $0x80000046;
	[dreg:$0x1] =	wrdreg $0xFFFFFFFF  }
0xa7: {  	s28 =	simm.s32 $_size_execute0_lowered;
	s3 =	sadd.s32 s3, s5;
	[dreg:$0x0] =	wrdreg $0x0  }
0xa8: {  	s5 =	sshll.u32 s28, $0x1;
	[dreg:$0x2] =	wrdreg s3  }
0xa9: {  	[dreg:$0x3] =	wrdreg s5  }
0xaa: {  	[dreg:$0x4] =	wrdreg $0xC0  }
0xab: {  	_ =	task [dreg:s7], $0x5FFFF  }
0xac: {  	[dreg:$0x1] =	wrdreg $0xFFFFFFFF  }
0xad: {  	[dreg:$0x0] =	wrdreg $0x60  }
0xae: {  	[dreg:$0x2] =	wrdreg s24  }
0xaf: {  	[dreg:$0x3] =	wrdreg s2  }
0xb0: {  	[dreg:$0x4] =	wrdreg $0x0  }
0xb1: {  	[dreg:$0x5] =	wrdreg $0x140000  }
0xb2: {  	[dreg:$0x6] =	wrdreg $0x9  }
0xb3: {  	_ =	task.clear_ibuf [dreg:s7], $0x7FFFF;
	_ =	strace $0x90000046  }
0xb4: {  	s29 =	simm.s32 $0x9;
	_ =	strace $0x80000048  }
0xb5: {  	_ =	swait.ge [sflag:s29], $0x1  }
0xb6: {  	[sflag:s29] =	ssyncadd.s32 $0xFFFFFFFF  }
0xb7: {  	_ =	strace $0x90000048  }
0xb8: {  	_ =	sfence  }
0xb9: {  	s30 =	sld [smem:$0x0];
	_ =	sdelay $0x2  }
0xba: {  	s31 =	sshll.u32 s1, $0xD;
	s1 =	sshrl.u32 s1, $0x2  }
0xbb: {  	s3 =	sand.u32 $0x4000, s31;
	s1 =	sadd.s32 s1, s30  }
0xbc: {  	s0 =	sor.u32 s3, s0;
	s1 =	sshll.u32 s1, $0x11  }
0xbd: {  	s0 =	sor.u32 s1, s0  }
0xbe: {  	s0 =	sadd.s32 $0x8F2B, s0  }
0xbf: {  	[sflag:s0] =	ssyncadd.remote.s32 $0x1  }
0xc0: {  	_ =	sfence.sel $0xFFFF  }
0xc1: {  	[dreg:$0x0] =	wrdreg $0xFFFFFFFF;
	(pc) =	sbr.abs _section_cstart, $3  }
0xc2: {  	[dreg:$0x1] =	wrdreg $0xFFFFFFFF  }
0xc3: {  	_ =	task.clear_ibuf [dreg:s7], $0x2FFFF;
	_ =	strace $0x9FFFFFFF  }
0xc4: {  	(tm) =	ssettm $0x7FFFFFFF  }
0xc5: {  	_ =	shalt  }
tec
execute0_lowered:
.L_overlay_start_1:
0x0: {  	(tag) =	ssettag $0x1  }
0x1: {  	s0 =	rddreg [dreg:$0x0]  }
0x2: {  	s2 =	rddreg [dreg:$0x2]  }
0x3: {  	s4 =	rddreg [dreg:$0x3];
	s1 =	simm.s32 $0x0;
	s9 =	stileid.u32  }
0x4: {  	s3 =	srdreg.scid;
	s17 =	simm.s32 $0x28000;
	s28 =	simm.s32 $0x80  }
0x5: {  	s30 =	simm.s32 $0x18A80;
	s31 =	simm.s32 $0x1;
	s11 =	simm.s32 $0x14980  }
0x6: {  	s12 =	simm.s32 $0x0;
	[smem:$0x7FF] =	sst s1;
	s18 =	smul.u32 $0x500, s9  }
0x7: {  	s6 =	sadd.s32 $0x32C00, s0;
	s7 =	sadd.s32 $0xBA00, s0;
	s5 =	smul.u32 $0x50000, s9  }
0x8: {  	s8 =	sadd.s32 $0x59E00, s0;
	s3 =	sand.u32 $0x1, s3;
	s19 =	sadd.s32 $0x81E00, s0  }
0x9: {  	s22 =	smul.u32 $0x280, s9;
	_ =	strace $0x80000047;
	[dreg:$0x5] =	wrdreg s8  }
0xa: {  	s29 =	smul.u32 $0x2800, s9;
	s9 =	simm.s32 $0x2;
	[dreg:$0x6] =	wrdreg s19  }
0xb: {  	s20 =	ssub.s32 $0x2, s3;
	p0 =	sne.s32 s3, $0x0;
	s19 =	simm.s32 $0x14300  }
0xc: {  	s3 =	simm.s32 $0x4;
	s1 =	sadd.s32 s18, s0;
	s5 =	sshrl.u32 s5, $0x2  }
0xd: {  	s0 =	sadd.s32 $0x82400, s0;
	s21 =	sshrl.u32 s20, $0x1;
	[dreg:$0xe] =	wrdreg s29  }
0xe: {  	s14 =	sadd.s32 s22, s4;
	[dreg:$0x7] =	wrdreg s0;
	s10 =	sadd.s32 s5, s2  }
0xf: {  	s0 =	ssub.s32 s20, s21;
	s5 =	sshrl.u32 s22, $0x3;
	[dreg:$0xd] =	wrdreg s14  }
0x10: {  	s20 =	sadd.s32 $0x1A00, s1;
	s21 =	simm.s32 $0x14A80;
	[dreg:$0x8] =	wrdreg s10  }
0x11: {  	s22 =	simm.s32 $0x6;
	s23 =	sadd.s32 $0x4000, s10;
	[dreg:$0xf] =	wrdreg s5  }
0x12: {  	s1 =	simm.s32 $0x1CA80;
	s24 =	sadd.s32 $0x8000, s10;
	[dreg:$0x9] =	wrdreg s23  }
.Ltmp0:
0x13: {  	s25 =	sadd.s32 $0xC000, s10;
	[dreg:$0xa] =	wrdreg s24;
	(pc) =	sbr.rel .LBB2_1-.Ltmp0, $4  }
0x14: {  	s26 =	sadd.s32 $0x10000, s10;
	s0 =	smax.u32 s0, $0x1;
	[dreg:$0xb] =	wrdreg s25  }
0x15: {  	s5 =	simm.s32 $0x3;
	s10 =	simm.s32 $0x14700;
	[dreg:$0xc] =	wrdreg s26  }
0x16: {  	[dreg:$0x10] =	wrdreg s0;
	s26 =	simm.s32 $0x14280;
	s0 =	simm.s32 $0x14680  }
0x17: {  	v0 =	vimm.f32 $0.0e+00;
	v1 =	vimm.f32 $1.000000000e+00;
	s23 =	simm.s32 $0x14900;
	s24 =	simm.s32 $0x14A00;
	s25 =	simm.s32 $0x5  }
.LBB2_9:
0x18: {  	s8 =	sadd.s32 s29, s20;
	[sflag:s25] =	ssyncadd.s32 $0xFFFFFF80  }
0x19: {  	[tilespmem:s26], [sflag:$0x6] =	stream.strided.gather [hbm4b:s8+s14], $0x800, s17, s14, $0x38;
	[tilespmem:$0x1CD80] =	vst v63  }
0x1a: {  	_ =	swait.ge [sflag:s22], $0x800  }
0x1b: {  	[sflag:s22] =	ssyncset.done $0x0  }
0x1c: {  	[sflag:s22] =	ssyncadd.s32 $0xFFFFF800  }
0x1d: {  	[tilespmem:s21], [sflag:$0x1] =	stream.indirect.gather [hbm4b:s7+s28], $0x80, s26, s28, $0xb8;
	[tilespmem:$0x1CD80] =	vst v63  }
0x1e: {  	_ = 	snop  }
0x1f: {  	[tilespmem:s30], [sflag:$0x2] =	stream.indirect.gather [hbm4b:s7+s28], $0x80, s19, s28, $0xb8;
	[tilespmem:$0x1CD80] =	vst v63  }
0x20: {  	_ =	swait.ge [sflag:s31], $0x4000  }
0x21: {  	[sflag:s31] =	ssyncset.done $0x0  }
0x22: {  	[sflag:s31] =	ssyncadd.s32 $0xFFFFC000  }
0x23: {  	[spmem:s2] =	stream.indirect.scatter.add.f32 [tilespmem:s21], [sflag:$0x3], $0x80, s10, s28, $0xb8;
	[tilespmem:$0x1CD80] =	vst v63  }
0x24: {  	_ =	swait.ge [sflag:s5], $0x4000  }
0x25: {  	[sflag:s5] =	ssyncset.done $0x0  }
0x26: {  	[sflag:s5] =	ssyncadd.s32 $0xFFFFC000  }
0x27: {  	[tilespmem:s21], [sflag:$0x1] =	stream.indirect.gather [hbm4b:s7+s28], $0x80, s16, s28, $0xb8;
	[tilespmem:$0x1CD80] =	vst v63  }
0x28: {  	_ =	swait.ge [sflag:s9], $0x4000  }
0x29: {  	[sflag:s9] =	ssyncset.done $0x0  }
0x2a: {  	[sflag:s9] =	ssyncadd.s32 $0xFFFFC000  }
0x2b: {  	[spmem:s2] =	stream.indirect.scatter.add.f32 [tilespmem:s30], [sflag:$0x4], $0x80, s13, s28, $0xb8;
	[tilespmem:$0x1CD80] =	vst v63  }
0x2c: {  	_ = 	snop  }
0x2d: {  	[spmem:s4] =	stream.indirect.scatter.add.f32 [tilespmem:s1], [sflag:$0x5], $0x1, s13, s28, $0xb8;
	[tilespmem:$0x1CD80] =	vst v63  }
0x2e: {  	_ =	swait.ge [sflag:s3], $0x4000  }
0x2f: {  	[sflag:s3] =	ssyncset.done $0x0  }
0x30: {  	[sflag:s3] =	ssyncadd.s32 $0xFFFFC000  }
0x31: {  	[tilespmem:s30], [sflag:$0x2] =	stream.indirect.gather [hbm4b:s7+s28], $0x80, s15, s28, $0xb8;
	[tilespmem:$0x1CD80] =	vst v63  }
0x32: {  	_ =	swait.ge [sflag:s31], $0x4000  }
0x33: {  	[sflag:s31] =	ssyncset.done $0x0  }
0x34: {  	s14 =	simm.s32 $0x14780;
	[sflag:s31] =	ssyncadd.s32 $0xFFFFC000  }
0x35: {  	[spmem:s2] =	stream.indirect.scatter.add.f32 [tilespmem:s21], [sflag:$0x3], $0x80, s14, s28, $0xb8;
	[tilespmem:$0x1CD80] =	vst v63  }
0x36: {  	_ =	swait.ge [sflag:s5], $0x4000  }
0x37: {  	[sflag:s5] =	ssyncset.done $0x0  }
0x38: {  	[sflag:s5] =	ssyncadd.s32 $0xFFFFC000  }
0x39: {  	[tilespmem:s21], [sflag:$0x1] =	stream.indirect.gather [hbm4b:s7+s28], $0x80, s18, s28, $0xb8;
	[tilespmem:$0x1CD80] =	vst v63  }
0x3a: {  	_ =	swait.ge [sflag:s9], $0x4000  }
0x3b: {  	[sflag:s9] =	ssyncset.done $0x0  }
0x3c: {  	[sflag:s9] =	ssyncadd.s32 $0xFFFFC000  }
0x3d: {  	[spmem:s2] =	stream.indirect.scatter.add.f32 [tilespmem:s30], [sflag:$0x4], $0x80, s0, s28, $0xb8;
	[tilespmem:$0x1CD80] =	vst v63  }
0x3e: {  	_ = 	snop  }
0x3f: {  	[spmem:s4] =	stream.indirect.scatter.add.f32 [tilespmem:s1], [sflag:$0x5], $0x1, s0, s28, $0xb8;
	[tilespmem:$0x1CD80] =	vst v63  }
0x40: {  	_ =	swait.ge [sflag:s3], $0x4000  }
0x41: {  	[sflag:s3] =	ssyncset.done $0x0  }
0x42: {  	s15 =	simm.s32 $0x14500;
	[sflag:s3] =	ssyncadd.s32 $0xFFFFC000  }
0x43: {  	[tilespmem:s30], [sflag:$0x2] =	stream.indirect.gather [hbm4b:s7+s28], $0x80, s15, s28, $0xb8;
	[tilespmem:$0x1CD80] =	vst v63  }
0x44: {  	_ =	swait.ge [sflag:s31], $0x4000  }
0x45: {  	[sflag:s31] =	ssyncset.done $0x0  }
0x46: {  	s16 =	simm.s32 $0x14880;
	[sflag:s31] =	ssyncadd.s32 $0xFFFFC000  }
0x47: {  	[spmem:s2] =	stream.indirect.scatter.add.f32 [tilespmem:s21], [sflag:$0x3], $0x80, s16, s28, $0xb8;
	[tilespmem:$0x1CD80] =	vst v63  }
0x48: {  	_ =	swait.ge [sflag:s5], $0x4000  }
0x49: {  	[sflag:s5] =	ssyncset.done $0x0  }
0x4a: {  	s18 =	simm.s32 $0x14580;
	[sflag:s5] =	ssyncadd.s32 $0xFFFFC000  }
0x4b: {  	[tilespmem:s21], [sflag:$0x1] =	stream.indirect.gather [hbm4b:s7+s28], $0x80, s18, s28, $0xb8;
	[tilespmem:$0x1CD80] =	vst v63  }
0x4c: {  	_ =	swait.ge [sflag:s9], $0x4000  }
0x4d: {  	[sflag:s9] =	ssyncset.done $0x0  }
0x4e: {  	[sflag:s9] =	ssyncadd.s32 $0xFFFFC000  }
0x4f: {  	[spmem:s2] =	stream.indirect.scatter.add.f32 [tilespmem:s30], [sflag:$0x4], $0x80, s23, s28, $0xb8;
	[tilespmem:$0x1CD80] =	vst v63  }
0x50: {  	_ = 	snop  }
0x51: {  	[spmem:s4] =	stream.indirect.scatter.add.f32 [tilespmem:s1], [sflag:$0x5], $0x1, s23, s28, $0xb8;
	[tilespmem:$0x1CD80] =	vst v63  }
0x52: {  	_ =	swait.ge [sflag:s3], $0x4000  }
0x53: {  	[sflag:s3] =	ssyncset.done $0x0  }
0x54: {  	s29 =	simm.s32 $0x14600;
	[sflag:s3] =	ssyncadd.s32 $0xFFFFC000  }
0x55: {  	[tilespmem:s30], [sflag:$0x2] =	stream.indirect.gather [hbm4b:s7+s28], $0x80, s29, s28, $0xb8;
	[tilespmem:$0x1CD80] =	vst v63  }
0x56: {  	_ =	swait.ge [sflag:s31], $0x4000  }
0x57: {  	[sflag:s31] =	ssyncset.done $0x0  }
0x58: {  	[sflag:s31] =	ssyncadd.s32 $0xFFFFC000  }
0x59: {  	[spmem:s2] =	stream.indirect.scatter.add.f32 [tilespmem:s21], [sflag:$0x3], $0x80, s11, s28, $0xb8;
	[tilespmem:$0x1CD80] =	vst v63  }
0x5a: {  	_ =	swait.ge [sflag:s9], $0x4000  }
0x5b: {  	[sflag:s9] =	ssyncset.done $0x0  }
0x5c: {  	[sflag:s9] =	ssyncadd.s32 $0xFFFFC000  }
0x5d: {  	[spmem:s2] =	stream.indirect.scatter.add.f32 [tilespmem:s30], [sflag:$0x4], $0x80, s24, s28, $0xb8;
	[tilespmem:$0x1CD80] =	vst v63  }
0x5e: {  	_ = 	snop  }
0x5f: {  	[spmem:s4] =	stream.indirect.scatter.add.f32 [tilespmem:s1], [sflag:$0x5], $0x1, s24, s28, $0xb8;
	[tilespmem:$0x1CD80] =	vst v63  }
0x60: {  	_ =	swait.ge [sflag:s5], $0x4000  }
0x61: {  	[sflag:s5] =	ssyncset.done $0x0  }
0x62: {  	[sflag:s5] =	ssyncadd.s32 $0xFFFFC000  }
0x63: {  	_ =	swait.ge [sflag:s3], $0x4000  }
0x64: {  	[sflag:s3] =	ssyncset.done $0x0  }
0x65: {  	[sflag:s3] =	ssyncadd.s32 $0xFFFFC000  }
0x66: {  	_ =	swait.ge [sflag:s25], $0x80  }
0x67: {  	[sflag:s25] =	ssyncset.done $0x0  }
0x68: {  	[sflag:s25] =	ssyncadd.s32 $0xFFFFFF80  }
0x69: {  	_ =	swait.ge [sflag:s25], $0x80  }
0x6a: {  	[sflag:s25] =	ssyncset.done $0x0  }
0x6b: {  	[sflag:s25] =	ssyncadd.s32 $0xFFFFFF80  }
0x6c: {  	_ =	swait.ge [sflag:s25], $0x80  }
0x6d: {  	[sflag:s25] =	ssyncset.done $0x0  }
0x6e: {  	[sflag:s25] =	ssyncadd.s32 $0xFFFFFF80  }
0x6f: {  	_ =	swait.ge [sflag:s25], $0x80  }
0x70: {  	s12 =	rddreg [dreg:$0x5]  }
0x71: {  	[sflag:s25] =	ssyncset.done $0x0;
	s8 =	rddreg [dreg:$0x7]  }
0x72: {  	s10 =	simm.s32 $0x14700;
	s13 =	rddreg [dreg:$0x11];
	[sflag:s25] =	ssyncadd.s32 $0xFFFFFF80  }
.LBB2_10:
0x73: {  	s14 =	rddreg [dreg:$0xe];
	s0 =	stileid.u32;
	[bflag:$0x0] =	sbarrier.arrive $0xFFFF  }
0x74: {  	s12 =	sadd.s32 s12, s14;
	s14 =	sshll.u32 s0, $0x6;
	s29 =	rddreg [dreg:$0x8]  }
0x75: {  	s14 =	sor.u32 $0x1C06, s14;
	s29 =	sshrl.u32 s29, $0x3  }
0x76: {  	[hbm:s12], [sflag:s14] =	dma.local [spmem:s29], $0x2800  }
0x77: {  	_ =	swait.ge [sflag:s22], $0x2800  }
0x78: {  	[sflag:s22] =	ssyncset.done $0x0  }
0x79: {  	s15 =	simm.s32 $0x1CB00;
	s14 =	rddreg [dreg:$0xd];
	[sflag:s22] =	ssyncadd.s32 $0xFFFFD800  }
0x7a: {  	[tilespmem:s15], [sflag:$0x6] =	stream.linear.gather [spmem:s14], $0x280, $0x38;
	[tilespmem:$0x1CD80] =	vst v63  }
0x7b: {  	_ =	swait.ge [sflag:s22], $0x280  }
0x7c: {  	[sflag:s22] =	ssyncset.done $0x0;
	s16 =	rddreg [dreg:$0xf]  }
0x7d: {  	s18 =	simm.s32 $0x0;
	s8 =	sadd.s32 s8, s16;
	[sflag:s22] =	ssyncadd.s32 $0xFFFFFD80  }
0x7e: {  	[hbm4b:s8+s18] =	stream.linear.scatter [tilespmem:s15], [sflag:$0x6], $0x280, $0x38;
	[tilespmem:$0x1CD80] =	vst v63  }
0x7f: {  	_ =	swait.ge [sflag:s22], $0x280  }
0x80: {  	s12 =	sadd.s32 $0x1, s13;
	s29 =	rddreg [dreg:$0x10]  }
0x81: {  	p1 =	sne.s32 s12, s29  }
.Ltmp1:
0x82: {  	_ = 	snop;
	(pc) =	sbr.rel @!p1 .LBB2_11-.Ltmp1, $3  }
0x83: {  	_ =	sdelay $0x1  }
0x84: {  	[sflag:s22] =	ssyncset.done $0x0  }
0x85: {  	s0 =	simm.s32 $0x14680;
	[sflag:s22] =	ssyncadd.s32 $0xFFFFFD80  }
.LBB2_1:
0x86: {  	s8 =	simm.s32 $0x0;
	s29 =	simm.s32 $0x200  }
.LBB2_2:
0x87: {  	p1 =	sne.s32 s29, $0xFE00;
	[tilespmem:s8+$0x14AF0] =	vst v0  }
0x88: {  	[tilespmem:s8+$0x14A80] =	vst v0  }
0x89: {  	[tilespmem:s8+$0x14A90] =	vst v0  }
.Ltmp2:
0x8a: {  	[tilespmem:s8+$0x14AA0] =	vst v0;
	(pc) =	sbr.rel @p1 .LBB2_2-.Ltmp2, $4  }
0x8b: {  	[tilespmem:s8+$0x14AB0] =	vst v0  }
0x8c: {  	[tilespmem:s8+$0x14AC0] =	vst v0  }
0x8d: {  	[tilespmem:s8+$0x14AD0] =	vst v0  }
0x8e: {  	[tilespmem:s8+$0x14AE0] =	vst v0;
	s8 =	sshra.s32 s29, $0x2;
	s29 =	sadd.s32 $0x200, s29  }
0x8f: {  	[tilespmem:s8+$0x14AF0] =	vst v0  }
0x90: {  	[tilespmem:s8+$0x14A80] =	vst v0  }
0x91: {  	[tilespmem:s8+$0x14A90] =	vst v0  }
0x92: {  	[tilespmem:s8+$0x14AA0] =	vst v0  }
0x93: {  	[tilespmem:s8+$0x14AB0] =	vst v0  }
0x94: {  	[tilespmem:s8+$0x14AC0] =	vst v0  }
0x95: {  	[tilespmem:s8+$0x14AD0] =	vst v0  }
0x96: {  	[tilespmem:s8+$0x14AE0] =	vst v0  }
0x97: {  	[tilespmem:$0x1CB00] =	vst v0  }
0x98: {  	[tilespmem:$0x1CB10] =	vst v0  }
0x99: {  	[tilespmem:$0x1CB20] =	vst v0  }
0x9a: {  	[tilespmem:$0x1CB30] =	vst v0  }
0x9b: {  	[tilespmem:$0x1CB40] =	vst v0  }
0x9c: {  	[tilespmem:$0x1CB50] =	vst v0  }
0x9d: {  	[tilespmem:$0x1CB60] =	vst v0  }
0x9e: {  	[tilespmem:$0x1CB70] =	vst v0  }
0x9f: {  	[tilespmem:$0x1CB80] =	vst v0  }
0xa0: {  	[tilespmem:$0x1CB90] =	vst v0  }
0xa1: {  	[tilespmem:$0x1CBA0] =	vst v0  }
0xa2: {  	[tilespmem:$0x1CBB0] =	vst v0  }
0xa3: {  	[tilespmem:$0x1CBC0] =	vst v0  }
0xa4: {  	[tilespmem:$0x1CBD0] =	vst v0  }
0xa5: {  	[tilespmem:$0x1CBE0] =	vst v0  }
0xa6: {  	[tilespmem:$0x1CBF0] =	vst v0  }
0xa7: {  	[tilespmem:$0x1CC00] =	vst v0  }
0xa8: {  	[tilespmem:$0x1CC10] =	vst v0  }
0xa9: {  	[tilespmem:$0x1CC20] =	vst v0  }
0xaa: {  	[tilespmem:$0x1CC30] =	vst v0  }
0xab: {  	[tilespmem:$0x1CC40] =	vst v0  }
0xac: {  	[tilespmem:$0x1CC50] =	vst v0  }
0xad: {  	[tilespmem:$0x1CC60] =	vst v0  }
0xae: {  	[tilespmem:$0x1CC70] =	vst v0  }
0xaf: {  	[tilespmem:$0x1CC80] =	vst v0  }
0xb0: {  	[tilespmem:$0x1CC90] =	vst v0  }
0xb1: {  	[tilespmem:$0x1CCA0] =	vst v0  }
0xb2: {  	[tilespmem:$0x1CCB0] =	vst v0  }
0xb3: {  	[tilespmem:$0x1CCC0] =	vst v0  }
0xb4: {  	[tilespmem:$0x1CCD0] =	vst v0  }
0xb5: {  	[tilespmem:$0x1CCE0] =	vst v0  }
0xb6: {  	[tilespmem:$0x1CCF0] =	vst v0  }
0xb7: {  	[tilespmem:$0x1CD00] =	vst v0  }
0xb8: {  	[tilespmem:$0x1CD10] =	vst v0  }
0xb9: {  	[tilespmem:$0x1CD20] =	vst v0  }
0xba: {  	[tilespmem:$0x1CD30] =	vst v0  }
0xbb: {  	[tilespmem:$0x1CD40] =	vst v0  }
0xbc: {  	[tilespmem:$0x1CD50] =	vst v0  }
0xbd: {  	[tilespmem:$0x1CD60] =	vst v0  }
0xbe: {  	[tilespmem:$0x1CD70] =	vst v0  }
0xbf: {  	[tilespmem:$0x1CA80] =	vst v1  }
0xc0: {  	[tilespmem:$0x1CA90] =	vst v1  }
0xc1: {  	[tilespmem:$0x1CAA0] =	vst v1  }
0xc2: {  	[tilespmem:$0x1CAB0] =	vst v1  }
0xc3: {  	[tilespmem:$0x1CAC0] =	vst v1  }
0xc4: {  	[tilespmem:$0x1CAD0] =	vst v1  }
0xc5: {  	[dreg:$0x11] =	wrdreg s12;
	[tilespmem:$0x1CAE0] =	vst v1  }
0xc6: {  	s12 =	rddreg [dreg:$0x8];
	[tilespmem:$0x1CAF0] =	vst v1  }
0xc7: {  	[spmem:s12] =	stream.linear.scatter [tilespmem:s21], [sflag:$0x6], $0x4000, $0x38;
	[tilespmem:$0x1CD80] =	vst v63  }
0xc8: {  	_ =	swait.ge [sflag:s22], $0x4000  }
0xc9: {  	[sflag:s22] =	ssyncset.done $0x0  }
0xca: {  	s13 =	rddreg [dreg:$0x9];
	[sflag:s22] =	ssyncadd.s32 $0xFFFFC000  }
0xcb: {  	[spmem:s13] =	stream.linear.scatter [tilespmem:s21], [sflag:$0x6], $0x4000, $0x38;
	[tilespmem:$0x1CD80] =	vst v63  }
0xcc: {  	_ =	swait.ge [sflag:s22], $0x4000  }
0xcd: {  	[sflag:s22] =	ssyncset.done $0x0  }
0xce: {  	s15 =	rddreg [dreg:$0xa];
	[sflag:s22] =	ssyncadd.s32 $0xFFFFC000  }
0xcf: {  	[spmem:s15] =	stream.linear.scatter [tilespmem:s21], [sflag:$0x6], $0x4000, $0x38;
	[tilespmem:$0x1CD80] =	vst v63  }
0xd0: {  	_ =	swait.ge [sflag:s22], $0x4000  }
0xd1: {  	[sflag:s22] =	ssyncset.done $0x0  }
0xd2: {  	s16 =	rddreg [dreg:$0xb];
	[sflag:s22] =	ssyncadd.s32 $0xFFFFC000  }
0xd3: {  	[spmem:s16] =	stream.linear.scatter [tilespmem:s21], [sflag:$0x6], $0x4000, $0x38;
	[tilespmem:$0x1CD80] =	vst v63  }
0xd4: {  	_ =	swait.ge [sflag:s22], $0x4000  }
0xd5: {  	[sflag:s22] =	ssyncset.done $0x0  }
0xd6: {  	s18 =	rddreg [dreg:$0xc];
	[sflag:s22] =	ssyncadd.s32 $0xFFFFC000  }
0xd7: {  	[spmem:s18] =	stream.linear.scatter [tilespmem:s21], [sflag:$0x6], $0x4000, $0x38;
	[tilespmem:$0x1CD80] =	vst v63  }
0xd8: {  	_ =	swait.ge [sflag:s22], $0x4000  }
0xd9: {  	[sflag:s22] =	ssyncset.done $0x0  }
0xda: {  	s29 =	simm.s32 $0x1CB00;
	[sflag:s22] =	ssyncadd.s32 $0xFFFFC000  }
0xdb: {  	[spmem:s14] =	stream.linear.scatter [tilespmem:s29], [sflag:$0x6], $0x280, $0x38;
	[tilespmem:$0x1CD80] =	vst v63  }
.Ltmp3:
0xdc: {  	_ =	swait.ge [sflag:s22], $0x280;
	(pc) =	sbr.rel @p0 .LBB2_7-.Ltmp3, $4  }
0xdd: {  	[sflag:s22] =	ssyncset.done $0x0  }
0xde: {  	[sflag:s22] =	ssyncadd.s32 $0xFFFFFD80  }
0xdf: {  	[bflag:$0x0] =	sbarrier.arrive $0xFFFF  }
0xe0: {  	s8 =	sadd.s32 $0x0, s20;
	s12 =	simm.s32 $0x400  }
0xe1: {  	[tilespmem:s26], [sflag:$0x6] =	stream.strided.gather [hbm4b:s8+s12], $0x800, s17, s12, $0x38;
	[tilespmem:$0x1CD80] =	vst v63  }
0xe2: {  	_ =	swait.ge [sflag:s22], $0x800  }
0xe3: {  	[sflag:s22] =	ssyncset.done $0x0  }
0xe4: {  	[sflag:s22] =	ssyncadd.s32 $0xFFFFF800  }
0xe5: {  	[tilespmem:s21], [sflag:$0x1] =	stream.indirect.gather [hbm4b:s6+s28], $0x80, s26, s28, $0xb8;
	[tilespmem:$0x1CD80] =	vst v63  }
0xe6: {  	_ = 	snop  }
0xe7: {  	[tilespmem:s30], [sflag:$0x2] =	stream.indirect.gather [hbm4b:s6+s28], $0x80, s19, s28, $0xb8;
	[tilespmem:$0x1CD80] =	vst v63  }
0xe8: {  	_ =	swait.ge [sflag:s31], $0x4000  }
0xe9: {  	[sflag:s31] =	ssyncset.done $0x0  }
0xea: {  	[sflag:s31] =	ssyncadd.s32 $0xFFFFC000  }
0xeb: {  	[spmem:s2] =	stream.indirect.scatter.add.f32 [tilespmem:s21], [sflag:$0x3], $0x80, s0, s28, $0xb8;
	[tilespmem:$0x1CD80] =	vst v63  }
0xec: {  	_ = 	snop  }
0xed: {  	[spmem:s4] =	stream.indirect.scatter.add.f32 [tilespmem:s1], [sflag:$0x5], $0x1, s0, s28, $0xb8;
	[tilespmem:$0x1CD80] =	vst v63  }
0xee: {  	_ =	swait.ge [sflag:s5], $0x4000  }
0xef: {  	[sflag:s5] =	ssyncset.done $0x0  }
0xf0: {  	s19 =	simm.s32 $0x14380;
	[sflag:s5] =	ssyncadd.s32 $0xFFFFC000  }
0xf1: {  	[tilespmem:s21], [sflag:$0x1] =	stream.indirect.gather [hbm4b:s6+s28], $0x80, s19, s28, $0xb8;
	[tilespmem:$0x1CD80] =	vst v63  }
0xf2: {  	_ =	swait.ge [sflag:s9], $0x4000  }
0xf3: {  	[sflag:s9] =	ssyncset.done $0x0  }
0xf4: {  	[sflag:s9] =	ssyncadd.s32 $0xFFFFC000  }
0xf5: {  	[spmem:s2] =	stream.indirect.scatter.add.f32 [tilespmem:s30], [sflag:$0x4], $0x80, s10, s28, $0xb8;
	[tilespmem:$0x1CD80] =	vst v63  }
0xf6: {  	_ =	swait.ge [sflag:s3], $0x4000  }
0xf7: {  	[sflag:s3] =	ssyncset.done $0x0  }
0xf8: {  	s8 =	simm.s32 $0x14400;
	[sflag:s3] =	ssyncadd.s32 $0xFFFFC000  }
0xf9: {  	[tilespmem:s30], [sflag:$0x2] =	stream.indirect.gather [hbm4b:s6+s28], $0x80, s8, s28, $0xb8;
	[tilespmem:$0x1CD80] =	vst v63  }
0xfa: {  	_ =	swait.ge [sflag:s31], $0x4000  }
0xfb: {  	[sflag:s31] =	ssyncset.done $0x0  }
0xfc: {  	s15 =	simm.s32 $0x14780;
	[sflag:s31] =	ssyncadd.s32 $0xFFFFC000  }
0xfd: {  	[spmem:s2] =	stream.indirect.scatter.add.f32 [tilespmem:s21], [sflag:$0x3], $0x80, s15, s28, $0xb8;
	[tilespmem:$0x1CD80] =	vst v63  }
0xfe: {  	_ = 	snop  }
0xff: {  	[spmem:s4] =	stream.indirect.scatter.add.f32 [tilespmem:s1], [sflag:$0x5], $0x1, s15, s28, $0xb8;
	[tilespmem:$0x1CD80] =	vst v63  }
0x100: {  	_ =	swait.ge [sflag:s5], $0x4000  }
0x101: {  	[sflag:s5] =	ssyncset.done $0x0  }
0x102: {  	s18 =	simm.s32 $0x14480;
	[sflag:s5] =	ssyncadd.s32 $0xFFFFC000  }
0x103: {  	[tilespmem:s21], [sflag:$0x1] =	stream.indirect.gather [hbm4b:s6+s28], $0x80, s18, s28, $0xb8;
	[tilespmem:$0x1CD80] =	vst v63  }
0x104: {  	_ =	swait.ge [sflag:s9], $0x4000  }
0x105: {  	[sflag:s9] =	ssyncset.done $0x0  }
0x106: {  	s12 =	simm.s32 $0x14800;
	[sflag:s9] =	ssyncadd.s32 $0xFFFFC000  }
0x107: {  	[spmem:s2] =	stream.indirect.scatter.add.f32 [tilespmem:s30], [sflag:$0x4], $0x80, s12, s28, $0xb8;
	[tilespmem:$0x1CD80] =	vst v63  }
0x108: {  	_ =	swait.ge [sflag:s3], $0x4000  }
0x109: {  	[sflag:s3] =	ssyncset.done $0x0  }
0x10a: {  	s14 =	simm.s32 $0x14500;
	[sflag:s3] =	ssyncadd.s32 $0xFFFFC000  }
0x10b: {  	[tilespmem:s30], [sflag:$0x2] =	stream.indirect.gather [hbm4b:s6+s28], $0x80, s14, s28, $0xb8;
	[tilespmem:$0x1CD80] =	vst v63  }
0x10c: {  	_ =	swait.ge [sflag:s31], $0x4000  }
0x10d: {  	[sflag:s31] =	ssyncset.done $0x0  }
0x10e: {  	s0 =	simm.s32 $0x14880;
	[sflag:s31] =	ssyncadd.s32 $0xFFFFC000  }
0x10f: {  	[spmem:s2] =	stream.indirect.scatter.add.f32 [tilespmem:s21], [sflag:$0x3], $0x80, s0, s28, $0xb8;
	[tilespmem:$0x1CD80] =	vst v63  }
0x110: {  	_ = 	snop  }
0x111: {  	[spmem:s4] =	stream.indirect.scatter.add.f32 [tilespmem:s1], [sflag:$0x5], $0x1, s0, s28, $0xb8;
	[tilespmem:$0x1CD80] =	vst v63  }
0x112: {  	_ =	swait.ge [sflag:s5], $0x4000  }
0x113: {  	[sflag:s5] =	ssyncset.done $0x0  }
0x114: {  	s17 =	simm.s32 $0x14580;
	[sflag:s5] =	ssyncadd.s32 $0xFFFFC000  }
0x115: {  	[tilespmem:s21], [sflag:$0x1] =	stream.indirect.gather [hbm4b:s6+s28], $0x80, s17, s28, $0xb8;
	[tilespmem:$0x1CD80] =	vst v63  }
0x116: {  	_ =	swait.ge [sflag:s9], $0x4000  }
0x117: {  	[sflag:s9] =	ssyncset.done $0x0  }
0x118: {  	[sflag:s9] =	ssyncadd.s32 $0xFFFFC000  }
0x119: {  	[spmem:s2] =	stream.indirect.scatter.add.f32 [tilespmem:s30], [sflag:$0x4], $0x80, s23, s28, $0xb8;
	[tilespmem:$0x1CD80] =	vst v63  }
0x11a: {  	_ =	swait.ge [sflag:s3], $0x4000  }
0x11b: {  	[sflag:s3] =	ssyncset.done $0x0  }
0x11c: {  	s19 =	simm.s32 $0x14600;
	[sflag:s3] =	ssyncadd.s32 $0xFFFFC000  }
0x11d: {  	[tilespmem:s30], [sflag:$0x2] =	stream.indirect.gather [hbm4b:s6+s28], $0x80, s19, s28, $0xb8;
	[tilespmem:$0x1CD80] =	vst v63  }
0x11e: {  	_ =	swait.ge [sflag:s31], $0x4000  }
0x11f: {  	[sflag:s31] =	ssyncset.done $0x0  }
0x120: {  	[sflag:s31] =	ssyncadd.s32 $0xFFFFC000  }
0x121: {  	[spmem:s2] =	stream.indirect.scatter.add.f32 [tilespmem:s21], [sflag:$0x3], $0x80, s11, s28, $0xb8;
	[tilespmem:$0x1CD80] =	vst v63  }
0x122: {  	_ = 	snop  }
0x123: {  	[spmem:s4] =	stream.indirect.scatter.add.f32 [tilespmem:s1], [sflag:$0x5], $0x1, s11, s28, $0xb8;
	[tilespmem:$0x1CD80] =	vst v63  }
0x124: {  	_ =	swait.ge [sflag:s9], $0x4000  }
0x125: {  	[sflag:s9] =	ssyncset.done $0x0  }
0x126: {  	[sflag:s9] =	ssyncadd.s32 $0xFFFFC000  }
0x127: {  	[spmem:s2] =	stream.indirect.scatter.add.f32 [tilespmem:s30], [sflag:$0x4], $0x80, s24, s28, $0xb8;
	[tilespmem:$0x1CD80] =	vst v63  }
0x128: {  	_ =	swait.ge [sflag:s5], $0x4000  }
0x129: {  	[sflag:s5] =	ssyncset.done $0x0  }
0x12a: {  	[sflag:s5] =	ssyncadd.s32 $0xFFFFC000  }
0x12b: {  	_ =	swait.ge [sflag:s3], $0x4000  }
0x12c: {  	[sflag:s3] =	ssyncset.done $0x0  }
0x12d: {  	[sflag:s3] =	ssyncadd.s32 $0xFFFFC000  }
0x12e: {  	_ =	swait.ge [sflag:s25], $0x80  }
0x12f: {  	[sflag:s25] =	ssyncset.done $0x0  }
0x130: {  	[sflag:s25] =	ssyncadd.s32 $0xFFFFFF80  }
0x131: {  	_ =	swait.ge [sflag:s25], $0x80  }
0x132: {  	[sflag:s25] =	ssyncset.done $0x0  }
0x133: {  	[sflag:s25] =	ssyncadd.s32 $0xFFFFFF80  }
0x134: {  	_ =	swait.ge [sflag:s25], $0x80  }
0x135: {  	[sflag:s25] =	ssyncset.done $0x0  }
0x136: {  	s13 =	simm.s32 $0x14700;
	[sflag:s25] =	ssyncadd.s32 $0xFFFFFF80  }
0x137: {  	s16 =	simm.s32 $0x14400;
	s29 =	simm.s32 $0x80;
	_ =	swait.ge [sflag:s25], $0x80  }
0x138: {  	s10 =	simm.s32 $0x14680;
	s8 =	simm.s32 $0x100;
	[sflag:s25] =	ssyncset.done $0x0  }
.LBB2_5:
0x139: {  	s19 =	simm.s32 $0x28000;
	s17 =	simm.s32 $0x400;
	s14 =	sadd.s32 s29, s20  }
0x13a: {  	[sflag:s25] =	ssyncadd.s32 $0xFFFFFF80;
	s29 =	smov.u32 s8;
	s12 =	sadd.s32 $0x80, s8  }
0x13b: {  	[tilespmem:s26], [sflag:$0x6] =	stream.strided.gather [hbm4b:s14+s17], $0x800, s19, s17, $0x38;
	[tilespmem:$0x1CD80] =	vst v63  }
0x13c: {  	s19 =	simm.s32 $0x14300;
	s17 =	simm.s32 $0x28000;
	s14 =	simm.s32 $0x400  }
0x13d: {  	p1 =	seq.s32 s8, $0x480;
	_ =	swait.ge [sflag:s22], $0x800  }
0x13e: {  	[sflag:s22] =	ssyncset.done $0x0  }
0x13f: {  	[sflag:s22] =	ssyncadd.s32 $0xFFFFF800  }
0x140: {  	[tilespmem:s21], [sflag:$0x1] =	stream.indirect.gather [hbm4b:s6+s28], $0x80, s26, s28, $0xb8;
	[tilespmem:$0x1CD80] =	vst v63  }
0x141: {  	_ = 	snop  }
0x142: {  	[tilespmem:s30], [sflag:$0x2] =	stream.indirect.gather [hbm4b:s6+s28], $0x80, s19, s28, $0xb8;
	[tilespmem:$0x1CD80] =	vst v63  }
0x143: {  	_ =	swait.ge [sflag:s31], $0x4000  }
0x144: {  	[sflag:s31] =	ssyncset.done $0x0  }
0x145: {  	[sflag:s31] =	ssyncadd.s32 $0xFFFFC000  }
0x146: {  	[spmem:s2] =	stream.indirect.scatter.add.f32 [tilespmem:s21], [sflag:$0x3], $0x80, s10, s28, $0xb8;
	[tilespmem:$0x1CD80] =	vst v63  }
0x147: {  	_ = 	snop  }
0x148: {  	[spmem:s4] =	stream.indirect.scatter.add.f32 [tilespmem:s1], [sflag:$0x5], $0x1, s10, s28, $0xb8;
	[tilespmem:$0x1CD80] =	vst v63  }
0x149: {  	_ =	swait.ge [sflag:s5], $0x4000  }
0x14a: {  	[sflag:s5] =	ssyncset.done $0x0  }
0x14b: {  	s8 =	simm.s32 $0x14380;
	[sflag:s5] =	ssyncadd.s32 $0xFFFFC000  }
0x14c: {  	[tilespmem:s21], [sflag:$0x1] =	stream.indirect.gather [hbm4b:s6+s28], $0x80, s8, s28, $0xb8;
	[tilespmem:$0x1CD80] =	vst v63  }
0x14d: {  	_ =	swait.ge [sflag:s9], $0x4000  }
0x14e: {  	[sflag:s9] =	ssyncset.done $0x0  }
0x14f: {  	[sflag:s9] =	ssyncadd.s32 $0xFFFFC000  }
0x150: {  	[spmem:s2] =	stream.indirect.scatter.add.f32 [tilespmem:s30], [sflag:$0x4], $0x80, s13, s28, $0xb8;
	[tilespmem:$0x1CD80] =	vst v63  }
0x151: {  	_ =	swait.ge [sflag:s3], $0x4000  }
0x152: {  	[sflag:s3] =	ssyncset.done $0x0  }
0x153: {  	[sflag:s3] =	ssyncadd.s32 $0xFFFFC000  }
0x154: {  	[tilespmem:s30], [sflag:$0x2] =	stream.indirect.gather [hbm4b:s6+s28], $0x80, s16, s28, $0xb8;
	[tilespmem:$0x1CD80] =	vst v63  }
0x155: {  	_ =	swait.ge [sflag:s31], $0x4000  }
0x156: {  	[sflag:s31] =	ssyncset.done $0x0  }
0x157: {  	[sflag:s31] =	ssyncadd.s32 $0xFFFFC000  }
0x158: {  	[spmem:s2] =	stream.indirect.scatter.add.f32 [tilespmem:s21], [sflag:$0x3], $0x80, s15, s28, $0xb8;
	[tilespmem:$0x1CD80] =	vst v63  }
0x159: {  	_ = 	snop  }
0x15a: {  	[spmem:s4] =	stream.indirect.scatter.add.f32 [tilespmem:s1], [sflag:$0x5], $0x1, s15, s28, $0xb8;
	[tilespmem:$0x1CD80] =	vst v63  }
0x15b: {  	_ =	swait.ge [sflag:s5], $0x4000  }
0x15c: {  	[sflag:s5] =	ssyncset.done $0x0  }
0x15d: {  	[sflag:s5] =	ssyncadd.s32 $0xFFFFC000  }
0x15e: {  	[tilespmem:s21], [sflag:$0x1] =	stream.indirect.gather [hbm4b:s6+s28], $0x80, s18, s28, $0xb8;
	[tilespmem:$0x1CD80] =	vst v63  }
0x15f: {  	_ =	swait.ge [sflag:s9], $0x4000  }
0x160: {  	[sflag:s9] =	ssyncset.done $0x0  }
0x161: {  	s8 =	simm.s32 $0x14800;
	[sflag:s9] =	ssyncadd.s32 $0xFFFFC000  }
0x162: {  	[spmem:s2] =	stream.indirect.scatter.add.f32 [tilespmem:s30], [sflag:$0x4], $0x80, s8, s28, $0xb8;
	[tilespmem:$0x1CD80] =	vst v63  }
0x163: {  	_ =	swait.ge [sflag:s3], $0x4000  }
0x164: {  	[sflag:s3] =	ssyncset.done $0x0  }
0x165: {  	s8 =	simm.s32 $0x14500;
	[sflag:s3] =	ssyncadd.s32 $0xFFFFC000  }
0x166: {  	[tilespmem:s30], [sflag:$0x2] =	stream.indirect.gather [hbm4b:s6+s28], $0x80, s8, s28, $0xb8;
	[tilespmem:$0x1CD80] =	vst v63  }
0x167: {  	_ =	swait.ge [sflag:s31], $0x4000  }
0x168: {  	[sflag:s31] =	ssyncset.done $0x0  }
0x169: {  	[sflag:s31] =	ssyncadd.s32 $0xFFFFC000  }
0x16a: {  	[spmem:s2] =	stream.indirect.scatter.add.f32 [tilespmem:s21], [sflag:$0x3], $0x80, s0, s28, $0xb8;
	[tilespmem:$0x1CD80] =	vst v63  }
0x16b: {  	_ = 	snop  }
0x16c: {  	[spmem:s4] =	stream.indirect.scatter.add.f32 [tilespmem:s1], [sflag:$0x5], $0x1, s0, s28, $0xb8;
	[tilespmem:$0x1CD80] =	vst v63  }
0x16d: {  	_ =	swait.ge [sflag:s5], $0x4000  }
0x16e: {  	[sflag:s5] =	ssyncset.done $0x0  }
0x16f: {  	s8 =	simm.s32 $0x14580;
	[sflag:s5] =	ssyncadd.s32 $0xFFFFC000  }
0x170: {  	[tilespmem:s21], [sflag:$0x1] =	stream.indirect.gather [hbm4b:s6+s28], $0x80, s8, s28, $0xb8;
	[tilespmem:$0x1CD80] =	vst v63  }
0x171: {  	_ =	swait.ge [sflag:s9], $0x4000  }
0x172: {  	[sflag:s9] =	ssyncset.done $0x0  }
0x173: {  	[sflag:s9] =	ssyncadd.s32 $0xFFFFC000  }
0x174: {  	[spmem:s2] =	stream.indirect.scatter.add.f32 [tilespmem:s30], [sflag:$0x4], $0x80, s23, s28, $0xb8;
	[tilespmem:$0x1CD80] =	vst v63  }
0x175: {  	_ =	swait.ge [sflag:s3], $0x4000  }
0x176: {  	[sflag:s3] =	ssyncset.done $0x0  }
0x177: {  	s8 =	simm.s32 $0x14600;
	[sflag:s3] =	ssyncadd.s32 $0xFFFFC000  }
0x178: {  	[tilespmem:s30], [sflag:$0x2] =	stream.indirect.gather [hbm4b:s6+s28], $0x80, s8, s28, $0xb8;
	[tilespmem:$0x1CD80] =	vst v63  }
0x179: {  	_ =	swait.ge [sflag:s31], $0x4000  }
0x17a: {  	[sflag:s31] =	ssyncset.done $0x0  }
0x17b: {  	[sflag:s31] =	ssyncadd.s32 $0xFFFFC000  }
0x17c: {  	[spmem:s2] =	stream.indirect.scatter.add.f32 [tilespmem:s21], [sflag:$0x3], $0x80, s11, s28, $0xb8;
	[tilespmem:$0x1CD80] =	vst v63  }
0x17d: {  	_ = 	snop  }
0x17e: {  	[spmem:s4] =	stream.indirect.scatter.add.f32 [tilespmem:s1], [sflag:$0x5], $0x1, s11, s28, $0xb8;
	[tilespmem:$0x1CD80] =	vst v63  }
0x17f: {  	_ =	swait.ge [sflag:s9], $0x4000  }
0x180: {  	[sflag:s9] =	ssyncset.done $0x0  }
0x181: {  	[sflag:s9] =	ssyncadd.s32 $0xFFFFC000  }
0x182: {  	[spmem:s2] =	stream.indirect.scatter.add.f32 [tilespmem:s30], [sflag:$0x4], $0x80, s24, s28, $0xb8;
	[tilespmem:$0x1CD80] =	vst v63  }
0x183: {  	_ =	swait.ge [sflag:s5], $0x4000  }
0x184: {  	[sflag:s5] =	ssyncset.done $0x0  }
0x185: {  	[sflag:s5] =	ssyncadd.s32 $0xFFFFC000  }
0x186: {  	_ =	swait.ge [sflag:s3], $0x4000  }
0x187: {  	[sflag:s3] =	ssyncset.done $0x0  }
0x188: {  	[sflag:s3] =	ssyncadd.s32 $0xFFFFC000  }
0x189: {  	_ =	swait.ge [sflag:s25], $0x80  }
0x18a: {  	[sflag:s25] =	ssyncset.done $0x0  }
0x18b: {  	[sflag:s25] =	ssyncadd.s32 $0xFFFFFF80  }
0x18c: {  	_ =	swait.ge [sflag:s25], $0x80  }
0x18d: {  	[sflag:s25] =	ssyncset.done $0x0  }
0x18e: {  	[sflag:s25] =	ssyncadd.s32 $0xFFFFFF80  }
.Ltmp4:
0x18f: {  	_ =	swait.ge [sflag:s25], $0x80;
	(pc) =	sbr.rel @!p1 .LBB2_5-.Ltmp4, $4  }
0x190: {  	[sflag:s25] =	ssyncset.done $0x0  }
0x191: {  	[sflag:s25] =	ssyncadd.s32 $0xFFFFFF80  }
0x192: {  	_ =	swait.ge [sflag:s25], $0x80  }
0x193: {  	s8 =	smov.u32 s12;
	[sflag:s25] =	ssyncset.done $0x0  }
0x194: {  	s8 =	sadd.s32 s29, s20;
	[sflag:s25] =	ssyncadd.s32 $0xFFFFFF80  }
0x195: {  	[tilespmem:s26], [sflag:$0x6] =	stream.strided.gather [hbm4b:s8+s14], $0x800, s17, s14, $0x38;
	[tilespmem:$0x1CD80] =	vst v63  }
0x196: {  	_ =	swait.ge [sflag:s22], $0x800  }
0x197: {  	[sflag:s22] =	ssyncset.done $0x0  }
0x198: {  	[sflag:s22] =	ssyncadd.s32 $0xFFFFF800  }
0x199: {  	[tilespmem:s21], [sflag:$0x1] =	stream.indirect.gather [hbm4b:s6+s28], $0x80, s26, s28, $0xb8;
	[tilespmem:$0x1CD80] =	vst v63  }
0x19a: {  	_ = 	snop  }
0x19b: {  	[tilespmem:s30], [sflag:$0x2] =	stream.indirect.gather [hbm4b:s6+s28], $0x80, s19, s28, $0xb8;
	[tilespmem:$0x1CD80] =	vst v63  }
0x19c: {  	_ =	swait.ge [sflag:s31], $0x4000  }
0x19d: {  	[sflag:s31] =	ssyncset.done $0x0  }
0x19e: {  	[sflag:s31] =	ssyncadd.s32 $0xFFFFC000  }
0x19f: {  	[spmem:s2] =	stream.indirect.scatter.add.f32 [tilespmem:s21], [sflag:$0x3], $0x80, s10, s28, $0xb8;
	[tilespmem:$0x1CD80] =	vst v63  }
0x1a0: {  	_ = 	snop  }
0x1a1: {  	[spmem:s4] =	stream.indirect.scatter.add.f32 [tilespmem:s1], [sflag:$0x5], $0x1, s10, s28, $0xb8;
	[tilespmem:$0x1CD80] =	vst v63  }
0x1a2: {  	_ =	swait.ge [sflag:s5], $0x4000  }
0x1a3: {  	[sflag:s5] =	ssyncset.done $0x0  }
0x1a4: {  	s14 =	simm.s32 $0x14380;
	[sflag:s5] =	ssyncadd.s32 $0xFFFFC000  }
0x1a5: {  	[tilespmem:s21], [sflag:$0x1] =	stream.indirect.gather [hbm4b:s6+s28], $0x80, s14, s28, $0xb8;
	[tilespmem:$0x1CD80] =	vst v63  }
0x1a6: {  	_ =	swait.ge [sflag:s9], $0x4000  }
0x1a7: {  	[sflag:s9] =	ssyncset.done $0x0  }
0x1a8: {  	[sflag:s9] =	ssyncadd.s32 $0xFFFFC000  }
0x1a9: {  	[spmem:s2] =	stream.indirect.scatter.add.f32 [tilespmem:s30], [sflag:$0x4], $0x80, s13, s28, $0xb8;
	[tilespmem:$0x1CD80] =	vst v63  }
0x1aa: {  	_ =	swait.ge [sflag:s3], $0x4000  }
0x1ab: {  	[sflag:s3] =	ssyncset.done $0x0  }
0x1ac: {  	[sflag:s3] =	ssyncadd.s32 $0xFFFFC000  }
0x1ad: {  	[tilespmem:s30], [sflag:$0x2] =	stream.indirect.gather [hbm4b:s6+s28], $0x80, s16, s28, $0xb8;
	[tilespmem:$0x1CD80] =	vst v63  }
0x1ae: {  	_ =	swait.ge [sflag:s31], $0x4000  }
0x1af: {  	[sflag:s31] =	ssyncset.done $0x0  }
0x1b0: {  	[sflag:s31] =	ssyncadd.s32 $0xFFFFC000  }
0x1b1: {  	[spmem:s2] =	stream.indirect.scatter.add.f32 [tilespmem:s21], [sflag:$0x3], $0x80, s15, s28, $0xb8;
	[tilespmem:$0x1CD80] =	vst v63  }
0x1b2: {  	_ = 	snop  }
0x1b3: {  	[spmem:s4] =	stream.indirect.scatter.add.f32 [tilespmem:s1], [sflag:$0x5], $0x1, s15, s28, $0xb8;
	[tilespmem:$0x1CD80] =	vst v63  }
0x1b4: {  	_ =	swait.ge [sflag:s5], $0x4000  }
0x1b5: {  	[sflag:s5] =	ssyncset.done $0x0  }
0x1b6: {  	[sflag:s5] =	ssyncadd.s32 $0xFFFFC000  }
0x1b7: {  	[tilespmem:s21], [sflag:$0x1] =	stream.indirect.gather [hbm4b:s6+s28], $0x80, s18, s28, $0xb8;
	[tilespmem:$0x1CD80] =	vst v63  }
0x1b8: {  	_ =	swait.ge [sflag:s9], $0x4000  }
0x1b9: {  	[sflag:s9] =	ssyncset.done $0x0  }
0x1ba: {  	s15 =	simm.s32 $0x14800;
	[sflag:s9] =	ssyncadd.s32 $0xFFFFC000  }
0x1bb: {  	[spmem:s2] =	stream.indirect.scatter.add.f32 [tilespmem:s30], [sflag:$0x4], $0x80, s15, s28, $0xb8;
	[tilespmem:$0x1CD80] =	vst v63  }
0x1bc: {  	_ =	swait.ge [sflag:s3], $0x4000  }
0x1bd: {  	[sflag:s3] =	ssyncset.done $0x0  }
0x1be: {  	s16 =	simm.s32 $0x14500;
	[sflag:s3] =	ssyncadd.s32 $0xFFFFC000  }
0x1bf: {  	[tilespmem:s30], [sflag:$0x2] =	stream.indirect.gather [hbm4b:s6+s28], $0x80, s16, s28, $0xb8;
	[tilespmem:$0x1CD80] =	vst v63  }
0x1c0: {  	_ =	swait.ge [sflag:s31], $0x4000  }
0x1c1: {  	[sflag:s31] =	ssyncset.done $0x0  }
0x1c2: {  	[sflag:s31] =	ssyncadd.s32 $0xFFFFC000  }
0x1c3: {  	[spmem:s2] =	stream.indirect.scatter.add.f32 [tilespmem:s21], [sflag:$0x3], $0x80, s0, s28, $0xb8;
	[tilespmem:$0x1CD80] =	vst v63  }
0x1c4: {  	_ = 	snop  }
0x1c5: {  	[spmem:s4] =	stream.indirect.scatter.add.f32 [tilespmem:s1], [sflag:$0x5], $0x1, s0, s28, $0xb8;
	[tilespmem:$0x1CD80] =	vst v63  }
0x1c6: {  	_ =	swait.ge [sflag:s5], $0x4000  }
0x1c7: {  	[sflag:s5] =	ssyncset.done $0x0  }
0x1c8: {  	s18 =	simm.s32 $0x14580;
	[sflag:s5] =	ssyncadd.s32 $0xFFFFC000  }
0x1c9: {  	[tilespmem:s21], [sflag:$0x1] =	stream.indirect.gather [hbm4b:s6+s28], $0x80, s18, s28, $0xb8;
	[tilespmem:$0x1CD80] =	vst v63  }
0x1ca: {  	_ =	swait.ge [sflag:s9], $0x4000  }
0x1cb: {  	[sflag:s9] =	ssyncset.done $0x0  }
0x1cc: {  	[sflag:s9] =	ssyncadd.s32 $0xFFFFC000  }
0x1cd: {  	[spmem:s2] =	stream.indirect.scatter.add.f32 [tilespmem:s30], [sflag:$0x4], $0x80, s23, s28, $0xb8;
	[tilespmem:$0x1CD80] =	vst v63  }
0x1ce: {  	_ =	swait.ge [sflag:s3], $0x4000  }
0x1cf: {  	[sflag:s3] =	ssyncset.done $0x0  }
0x1d0: {  	s29 =	simm.s32 $0x14600;
	[sflag:s3] =	ssyncadd.s32 $0xFFFFC000  }
0x1d1: {  	[tilespmem:s30], [sflag:$0x2] =	stream.indirect.gather [hbm4b:s6+s28], $0x80, s29, s28, $0xb8;
	[tilespmem:$0x1CD80] =	vst v63  }
0x1d2: {  	_ =	swait.ge [sflag:s31], $0x4000  }
0x1d3: {  	[sflag:s31] =	ssyncset.done $0x0  }
0x1d4: {  	[sflag:s31] =	ssyncadd.s32 $0xFFFFC000  }
0x1d5: {  	[spmem:s2] =	stream.indirect.scatter.add.f32 [tilespmem:s21], [sflag:$0x3], $0x80, s11, s28, $0xb8;
	[tilespmem:$0x1CD80] =	vst v63  }
0x1d6: {  	_ = 	snop  }
0x1d7: {  	[spmem:s4] =	stream.indirect.scatter.add.f32 [tilespmem:s1], [sflag:$0x5], $0x1, s11, s28, $0xb8;
	[tilespmem:$0x1CD80] =	vst v63  }
0x1d8: {  	_ =	swait.ge [sflag:s9], $0x4000  }
0x1d9: {  	[sflag:s9] =	ssyncset.done $0x0  }
0x1da: {  	[sflag:s9] =	ssyncadd.s32 $0xFFFFC000  }
0x1db: {  	[spmem:s2] =	stream.indirect.scatter.add.f32 [tilespmem:s30], [sflag:$0x4], $0x80, s24, s28, $0xb8;
	[tilespmem:$0x1CD80] =	vst v63  }
0x1dc: {  	_ =	swait.ge [sflag:s5], $0x4000  }
0x1dd: {  	[sflag:s5] =	ssyncset.done $0x0  }
0x1de: {  	[sflag:s5] =	ssyncadd.s32 $0xFFFFC000  }
0x1df: {  	_ =	swait.ge [sflag:s3], $0x4000  }
0x1e0: {  	[sflag:s3] =	ssyncset.done $0x0  }
0x1e1: {  	[sflag:s3] =	ssyncadd.s32 $0xFFFFC000  }
0x1e2: {  	_ =	swait.ge [sflag:s25], $0x80  }
0x1e3: {  	[sflag:s25] =	ssyncset.done $0x0  }
0x1e4: {  	[sflag:s25] =	ssyncadd.s32 $0xFFFFFF80  }
0x1e5: {  	_ =	swait.ge [sflag:s25], $0x80  }
0x1e6: {  	[sflag:s25] =	ssyncset.done $0x0  }
0x1e7: {  	[sflag:s25] =	ssyncadd.s32 $0xFFFFFF80  }
0x1e8: {  	_ =	swait.ge [sflag:s25], $0x80  }
0x1e9: {  	[sflag:s25] =	ssyncset.done $0x0  }
.Ltmp5:
0x1ea: {  	[sflag:s25] =	ssyncadd.s32 $0xFFFFFF80;
	(pc) =	sbr.rel .LBB2_10-.Ltmp5, $4  }
0x1eb: {  	_ =	swait.ge [sflag:s25], $0x80  }
0x1ec: {  	[sflag:s25] =	ssyncset.done $0x0;
	s8 =	rddreg [dreg:$0x6]  }
0x1ed: {  	s13 =	rddreg [dreg:$0x11];
	[sflag:s25] =	ssyncadd.s32 $0xFFFFFF80  }
0x1ee: {  	s10 =	simm.s32 $0x14700;
	s12 =	rddreg [dreg:$0x1]  }
.LBB2_7:
0x1ef: {  	[tilespmem:s26], [sflag:$0x6] =	stream.strided.gather [hbm4b:s8+s12], $0x800, s17, s12, $0x38;
	[tilespmem:$0x1CD80] =	vst v63  }
0x1f0: {  	_ =	swait.ge [sflag:s22], $0x800  }
0x1f1: {  	[sflag:s22] =	ssyncset.done $0x0  }
0x1f2: {  	[sflag:s22] =	ssyncadd.s32 $0xFFFFF800  }
0x1f3: {  	[tilespmem:s21], [sflag:$0x1] =	stream.indirect.gather [hbm4b:s7+s28], $0x80, s26, s28, $0xb8;
	[tilespmem:$0x1CD80] =	vst v63  }
0x1f4: {  	_ = 	snop  }
0x1f5: {  	[tilespmem:s30], [sflag:$0x2] =	stream.indirect.gather [hbm4b:s7+s28], $0x80, s19, s28, $0xb8;
	[tilespmem:$0x1CD80] =	vst v63  }
0x1f6: {  	_ =	swait.ge [sflag:s31], $0x4000  }
0x1f7: {  	[sflag:s31] =	ssyncset.done $0x0  }
0x1f8: {  	[sflag:s31] =	ssyncadd.s32 $0xFFFFC000  }
0x1f9: {  	[spmem:s2] =	stream.indirect.scatter.add.f32 [tilespmem:s21], [sflag:$0x3], $0x80, s0, s28, $0xb8;
	[tilespmem:$0x1CD80] =	vst v63  }
0x1fa: {  	_ =	swait.ge [sflag:s5], $0x4000  }
0x1fb: {  	[sflag:s5] =	ssyncset.done $0x0  }
0x1fc: {  	s16 =	simm.s32 $0x14380;
	[sflag:s5] =	ssyncadd.s32 $0xFFFFC000  }
0x1fd: {  	[tilespmem:s21], [sflag:$0x1] =	stream.indirect.gather [hbm4b:s7+s28], $0x80, s16, s28, $0xb8;
	[tilespmem:$0x1CD80] =	vst v63  }
0x1fe: {  	_ =	swait.ge [sflag:s9], $0x4000  }
0x1ff: {  	[sflag:s9] =	ssyncset.done $0x0  }
0x200: {  	[sflag:s9] =	ssyncadd.s32 $0xFFFFC000  }
0x201: {  	[spmem:s2] =	stream.indirect.scatter.add.f32 [tilespmem:s30], [sflag:$0x4], $0x80, s10, s28, $0xb8;
	[tilespmem:$0x1CD80] =	vst v63  }
0x202: {  	_ = 	snop  }
0x203: {  	[spmem:s4] =	stream.indirect.scatter.add.f32 [tilespmem:s1], [sflag:$0x5], $0x1, s10, s28, $0xb8;
	[tilespmem:$0x1CD80] =	vst v63  }
0x204: {  	_ =	swait.ge [sflag:s3], $0x4000  }
0x205: {  	[sflag:s3] =	ssyncset.done $0x0  }
0x206: {  	s19 =	simm.s32 $0x14400;
	[sflag:s3] =	ssyncadd.s32 $0xFFFFC000  }
0x207: {  	[tilespmem:s30], [sflag:$0x2] =	stream.indirect.gather [hbm4b:s7+s28], $0x80, s19, s28, $0xb8;
	[tilespmem:$0x1CD80] =	vst v63  }
0x208: {  	_ =	swait.ge [sflag:s31], $0x4000  }
0x209: {  	[sflag:s31] =	ssyncset.done $0x0  }
0x20a: {  	s8 =	simm.s32 $0x14780;
	[sflag:s31] =	ssyncadd.s32 $0xFFFFC000  }
0x20b: {  	[spmem:s2] =	stream.indirect.scatter.add.f32 [tilespmem:s21], [sflag:$0x3], $0x80, s8, s28, $0xb8;
	[tilespmem:$0x1CD80] =	vst v63  }
0x20c: {  	_ =	swait.ge [sflag:s5], $0x4000  }
0x20d: {  	[sflag:s5] =	ssyncset.done $0x0  }
0x20e: {  	s18 =	simm.s32 $0x14480;
	[sflag:s5] =	ssyncadd.s32 $0xFFFFC000  }
0x20f: {  	[tilespmem:s21], [sflag:$0x1] =	stream.indirect.gather [hbm4b:s7+s28], $0x80, s18, s28, $0xb8;
	[tilespmem:$0x1CD80] =	vst v63  }
0x210: {  	_ =	swait.ge [sflag:s9], $0x4000  }
0x211: {  	[sflag:s9] =	ssyncset.done $0x0  }
0x212: {  	s0 =	simm.s32 $0x14800;
	[sflag:s9] =	ssyncadd.s32 $0xFFFFC000  }
0x213: {  	[spmem:s2] =	stream.indirect.scatter.add.f32 [tilespmem:s30], [sflag:$0x4], $0x80, s0, s28, $0xb8;
	[tilespmem:$0x1CD80] =	vst v63  }
0x214: {  	_ = 	snop  }
0x215: {  	[spmem:s4] =	stream.indirect.scatter.add.f32 [tilespmem:s1], [sflag:$0x5], $0x1, s0, s28, $0xb8;
	[tilespmem:$0x1CD80] =	vst v63  }
0x216: {  	_ =	swait.ge [sflag:s3], $0x4000  }
0x217: {  	[sflag:s3] =	ssyncset.done $0x0  }
0x218: {  	s12 =	simm.s32 $0x14500;
	[sflag:s3] =	ssyncadd.s32 $0xFFFFC000  }
0x219: {  	[tilespmem:s30], [sflag:$0x2] =	stream.indirect.gather [hbm4b:s7+s28], $0x80, s12, s28, $0xb8;
	[tilespmem:$0x1CD80] =	vst v63  }
0x21a: {  	_ =	swait.ge [sflag:s31], $0x4000  }
0x21b: {  	[sflag:s31] =	ssyncset.done $0x0  }
0x21c: {  	s14 =	simm.s32 $0x14880;
	[sflag:s31] =	ssyncadd.s32 $0xFFFFC000  }
0x21d: {  	[spmem:s2] =	stream.indirect.scatter.add.f32 [tilespmem:s21], [sflag:$0x3], $0x80, s14, s28, $0xb8;
	[tilespmem:$0x1CD80] =	vst v63  }
0x21e: {  	_ =	swait.ge [sflag:s5], $0x4000  }
0x21f: {  	[sflag:s5] =	ssyncset.done $0x0  }
0x220: {  	s17 =	simm.s32 $0x14580;
	[sflag:s5] =	ssyncadd.s32 $0xFFFFC000  }
0x221: {  	[tilespmem:s21], [sflag:$0x1] =	stream.indirect.gather [hbm4b:s7+s28], $0x80, s17, s28, $0xb8;
	[tilespmem:$0x1CD80] =	vst v63  }
0x222: {  	_ =	swait.ge [sflag:s9], $0x4000  }
0x223: {  	[sflag:s9] =	ssyncset.done $0x0  }
0x224: {  	[sflag:s9] =	ssyncadd.s32 $0xFFFFC000  }
0x225: {  	[spmem:s2] =	stream.indirect.scatter.add.f32 [tilespmem:s30], [sflag:$0x4], $0x80, s23, s28, $0xb8;
	[tilespmem:$0x1CD80] =	vst v63  }
0x226: {  	_ = 	snop  }
0x227: {  	[spmem:s4] =	stream.indirect.scatter.add.f32 [tilespmem:s1], [sflag:$0x5], $0x1, s23, s28, $0xb8;
	[tilespmem:$0x1CD80] =	vst v63  }
0x228: {  	_ =	swait.ge [sflag:s3], $0x4000  }
0x229: {  	[sflag:s3] =	ssyncset.done $0x0  }
0x22a: {  	s19 =	simm.s32 $0x14600;
	[sflag:s3] =	ssyncadd.s32 $0xFFFFC000  }
0x22b: {  	[tilespmem:s30], [sflag:$0x2] =	stream.indirect.gather [hbm4b:s7+s28], $0x80, s19, s28, $0xb8;
	[tilespmem:$0x1CD80] =	vst v63  }
0x22c: {  	_ =	swait.ge [sflag:s31], $0x4000  }
0x22d: {  	[sflag:s31] =	ssyncset.done $0x0  }
0x22e: {  	[sflag:s31] =	ssyncadd.s32 $0xFFFFC000  }
0x22f: {  	[spmem:s2] =	stream.indirect.scatter.add.f32 [tilespmem:s21], [sflag:$0x3], $0x80, s11, s28, $0xb8;
	[tilespmem:$0x1CD80] =	vst v63  }
0x230: {  	_ =	swait.ge [sflag:s9], $0x4000  }
0x231: {  	[sflag:s9] =	ssyncset.done $0x0  }
0x232: {  	[sflag:s9] =	ssyncadd.s32 $0xFFFFC000  }
0x233: {  	[spmem:s2] =	stream.indirect.scatter.add.f32 [tilespmem:s30], [sflag:$0x4], $0x80, s24, s28, $0xb8;
	[tilespmem:$0x1CD80] =	vst v63  }
0x234: {  	_ = 	snop  }
0x235: {  	[spmem:s4] =	stream.indirect.scatter.add.f32 [tilespmem:s1], [sflag:$0x5], $0x1, s24, s28, $0xb8;
	[tilespmem:$0x1CD80] =	vst v63  }
0x236: {  	_ =	swait.ge [sflag:s5], $0x4000  }
0x237: {  	[sflag:s5] =	ssyncset.done $0x0  }
0x238: {  	[sflag:s5] =	ssyncadd.s32 $0xFFFFC000  }
0x239: {  	_ =	swait.ge [sflag:s3], $0x4000  }
0x23a: {  	[sflag:s3] =	ssyncset.done $0x0  }
0x23b: {  	[sflag:s3] =	ssyncadd.s32 $0xFFFFC000  }
0x23c: {  	_ =	swait.ge [sflag:s25], $0x80  }
0x23d: {  	[sflag:s25] =	ssyncset.done $0x0  }
0x23e: {  	[sflag:s25] =	ssyncadd.s32 $0xFFFFFF80  }
0x23f: {  	_ =	swait.ge [sflag:s25], $0x80  }
0x240: {  	[sflag:s25] =	ssyncset.done $0x0  }
0x241: {  	[sflag:s25] =	ssyncadd.s32 $0xFFFFFF80  }
0x242: {  	_ =	swait.ge [sflag:s25], $0x80  }
0x243: {  	[sflag:s25] =	ssyncset.done $0x0  }
0x244: {  	s13 =	simm.s32 $0x14700;
	[sflag:s25] =	ssyncadd.s32 $0xFFFFFF80  }
0x245: {  	s15 =	simm.s32 $0x14400;
	s29 =	simm.s32 $0x80;
	_ =	swait.ge [sflag:s25], $0x80  }
0x246: {  	s10 =	simm.s32 $0x14680;
	s12 =	simm.s32 $0x100;
	[sflag:s25] =	ssyncset.done $0x0  }
.LBB2_8:
0x247: {  	s19 =	simm.s32 $0x28000;
	s17 =	simm.s32 $0x400;
	s14 =	sadd.s32 s29, s20  }
0x248: {  	[sflag:s25] =	ssyncadd.s32 $0xFFFFFF80;
	s29 =	smov.u32 s12;
	s8 =	sadd.s32 $0x80, s12  }
0x249: {  	[tilespmem:s26], [sflag:$0x6] =	stream.strided.gather [hbm4b:s14+s17], $0x800, s19, s17, $0x38;
	[tilespmem:$0x1CD80] =	vst v63  }
0x24a: {  	s19 =	simm.s32 $0x14300;
	s17 =	simm.s32 $0x28000;
	s14 =	simm.s32 $0x400  }
0x24b: {  	p1 =	sne.s32 s12, $0x480;
	_ =	swait.ge [sflag:s22], $0x800  }
0x24c: {  	[sflag:s22] =	ssyncset.done $0x0  }
0x24d: {  	[sflag:s22] =	ssyncadd.s32 $0xFFFFF800  }
0x24e: {  	[tilespmem:s21], [sflag:$0x1] =	stream.indirect.gather [hbm4b:s7+s28], $0x80, s26, s28, $0xb8;
	[tilespmem:$0x1CD80] =	vst v63  }
0x24f: {  	_ = 	snop  }
0x250: {  	[tilespmem:s30], [sflag:$0x2] =	stream.indirect.gather [hbm4b:s7+s28], $0x80, s19, s28, $0xb8;
	[tilespmem:$0x1CD80] =	vst v63  }
0x251: {  	_ =	swait.ge [sflag:s31], $0x4000  }
0x252: {  	[sflag:s31] =	ssyncset.done $0x0  }
0x253: {  	[sflag:s31] =	ssyncadd.s32 $0xFFFFC000  }
0x254: {  	[spmem:s2] =	stream.indirect.scatter.add.f32 [tilespmem:s21], [sflag:$0x3], $0x80, s10, s28, $0xb8;
	[tilespmem:$0x1CD80] =	vst v63  }
0x255: {  	_ =	swait.ge [sflag:s5], $0x4000  }
0x256: {  	[sflag:s5] =	ssyncset.done $0x0  }
0x257: {  	[sflag:s5] =	ssyncadd.s32 $0xFFFFC000  }
0x258: {  	[tilespmem:s21], [sflag:$0x1] =	stream.indirect.gather [hbm4b:s7+s28], $0x80, s16, s28, $0xb8;
	[tilespmem:$0x1CD80] =	vst v63  }
0x259: {  	_ =	swait.ge [sflag:s9], $0x4000  }
0x25a: {  	[sflag:s9] =	ssyncset.done $0x0  }
0x25b: {  	[sflag:s9] =	ssyncadd.s32 $0xFFFFC000  }
0x25c: {  	[spmem:s2] =	stream.indirect.scatter.add.f32 [tilespmem:s30], [sflag:$0x4], $0x80, s13, s28, $0xb8;
	[tilespmem:$0x1CD80] =	vst v63  }
0x25d: {  	_ = 	snop  }
0x25e: {  	[spmem:s4] =	stream.indirect.scatter.add.f32 [tilespmem:s1], [sflag:$0x5], $0x1, s13, s28, $0xb8;
	[tilespmem:$0x1CD80] =	vst v63  }
0x25f: {  	_ =	swait.ge [sflag:s3], $0x4000  }
0x260: {  	[sflag:s3] =	ssyncset.done $0x0  }
0x261: {  	[sflag:s3] =	ssyncadd.s32 $0xFFFFC000  }
0x262: {  	[tilespmem:s30], [sflag:$0x2] =	stream.indirect.gather [hbm4b:s7+s28], $0x80, s15, s28, $0xb8;
	[tilespmem:$0x1CD80] =	vst v63  }
0x263: {  	_ =	swait.ge [sflag:s31], $0x4000  }
0x264: {  	[sflag:s31] =	ssyncset.done $0x0  }
0x265: {  	s12 =	simm.s32 $0x14780;
	[sflag:s31] =	ssyncadd.s32 $0xFFFFC000  }
0x266: {  	[spmem:s2] =	stream.indirect.scatter.add.f32 [tilespmem:s21], [sflag:$0x3], $0x80, s12, s28, $0xb8;
	[tilespmem:$0x1CD80] =	vst v63  }
0x267: {  	_ =	swait.ge [sflag:s5], $0x4000  }
0x268: {  	[sflag:s5] =	ssyncset.done $0x0  }
0x269: {  	[sflag:s5] =	ssyncadd.s32 $0xFFFFC000  }
0x26a: {  	[tilespmem:s21], [sflag:$0x1] =	stream.indirect.gather [hbm4b:s7+s28], $0x80, s18, s28, $0xb8;
	[tilespmem:$0x1CD80] =	vst v63  }
0x26b: {  	_ =	swait.ge [sflag:s9], $0x4000  }
0x26c: {  	[sflag:s9] =	ssyncset.done $0x0  }
0x26d: {  	[sflag:s9] =	ssyncadd.s32 $0xFFFFC000  }
0x26e: {  	[spmem:s2] =	stream.indirect.scatter.add.f32 [tilespmem:s30], [sflag:$0x4], $0x80, s0, s28, $0xb8;
	[tilespmem:$0x1CD80] =	vst v63  }
0x26f: {  	_ = 	snop  }
0x270: {  	[spmem:s4] =	stream.indirect.scatter.add.f32 [tilespmem:s1], [sflag:$0x5], $0x1, s0, s28, $0xb8;
	[tilespmem:$0x1CD80] =	vst v63  }
0x271: {  	_ =	swait.ge [sflag:s3], $0x4000  }
0x272: {  	[sflag:s3] =	ssyncset.done $0x0  }
0x273: {  	s12 =	simm.s32 $0x14500;
	[sflag:s3] =	ssyncadd.s32 $0xFFFFC000  }
0x274: {  	[tilespmem:s30], [sflag:$0x2] =	stream.indirect.gather [hbm4b:s7+s28], $0x80, s12, s28, $0xb8;
	[tilespmem:$0x1CD80] =	vst v63  }
0x275: {  	_ =	swait.ge [sflag:s31], $0x4000  }
0x276: {  	[sflag:s31] =	ssyncset.done $0x0  }
0x277: {  	s12 =	simm.s32 $0x14880;
	[sflag:s31] =	ssyncadd.s32 $0xFFFFC000  }
0x278: {  	[spmem:s2] =	stream.indirect.scatter.add.f32 [tilespmem:s21], [sflag:$0x3], $0x80, s12, s28, $0xb8;
	[tilespmem:$0x1CD80] =	vst v63  }
0x279: {  	_ =	swait.ge [sflag:s5], $0x4000  }
0x27a: {  	[sflag:s5] =	ssyncset.done $0x0  }
0x27b: {  	s12 =	simm.s32 $0x14580;
	[sflag:s5] =	ssyncadd.s32 $0xFFFFC000  }
0x27c: {  	[tilespmem:s21], [sflag:$0x1] =	stream.indirect.gather [hbm4b:s7+s28], $0x80, s12, s28, $0xb8;
	[tilespmem:$0x1CD80] =	vst v63  }
0x27d: {  	_ =	swait.ge [sflag:s9], $0x4000  }
0x27e: {  	[sflag:s9] =	ssyncset.done $0x0  }
0x27f: {  	[sflag:s9] =	ssyncadd.s32 $0xFFFFC000  }
0x280: {  	[spmem:s2] =	stream.indirect.scatter.add.f32 [tilespmem:s30], [sflag:$0x4], $0x80, s23, s28, $0xb8;
	[tilespmem:$0x1CD80] =	vst v63  }
0x281: {  	_ = 	snop  }
0x282: {  	[spmem:s4] =	stream.indirect.scatter.add.f32 [tilespmem:s1], [sflag:$0x5], $0x1, s23, s28, $0xb8;
	[tilespmem:$0x1CD80] =	vst v63  }
0x283: {  	_ =	swait.ge [sflag:s3], $0x4000  }
0x284: {  	[sflag:s3] =	ssyncset.done $0x0  }
0x285: {  	s12 =	simm.s32 $0x14600;
	[sflag:s3] =	ssyncadd.s32 $0xFFFFC000  }
0x286: {  	[tilespmem:s30], [sflag:$0x2] =	stream.indirect.gather [hbm4b:s7+s28], $0x80, s12, s28, $0xb8;
	[tilespmem:$0x1CD80] =	vst v63  }
0x287: {  	_ =	swait.ge [sflag:s31], $0x4000  }
0x288: {  	[sflag:s31] =	ssyncset.done $0x0  }
0x289: {  	[sflag:s31] =	ssyncadd.s32 $0xFFFFC000  }
0x28a: {  	[spmem:s2] =	stream.indirect.scatter.add.f32 [tilespmem:s21], [sflag:$0x3], $0x80, s11, s28, $0xb8;
	[tilespmem:$0x1CD80] =	vst v63  }
0x28b: {  	_ =	swait.ge [sflag:s9], $0x4000  }
0x28c: {  	[sflag:s9] =	ssyncset.done $0x0  }
0x28d: {  	[sflag:s9] =	ssyncadd.s32 $0xFFFFC000  }
0x28e: {  	[spmem:s2] =	stream.indirect.scatter.add.f32 [tilespmem:s30], [sflag:$0x4], $0x80, s24, s28, $0xb8;
	[tilespmem:$0x1CD80] =	vst v63  }
0x28f: {  	_ = 	snop  }
0x290: {  	[spmem:s4] =	stream.indirect.scatter.add.f32 [tilespmem:s1], [sflag:$0x5], $0x1, s24, s28, $0xb8;
	[tilespmem:$0x1CD80] =	vst v63  }
0x291: {  	_ =	swait.ge [sflag:s5], $0x4000  }
0x292: {  	[sflag:s5] =	ssyncset.done $0x0  }
0x293: {  	[sflag:s5] =	ssyncadd.s32 $0xFFFFC000  }
0x294: {  	_ =	swait.ge [sflag:s3], $0x4000  }
0x295: {  	[sflag:s3] =	ssyncset.done $0x0  }
0x296: {  	[sflag:s3] =	ssyncadd.s32 $0xFFFFC000  }
0x297: {  	_ =	swait.ge [sflag:s25], $0x80  }
0x298: {  	[sflag:s25] =	ssyncset.done $0x0  }
0x299: {  	[sflag:s25] =	ssyncadd.s32 $0xFFFFFF80  }
0x29a: {  	_ =	swait.ge [sflag:s25], $0x80  }
0x29b: {  	[sflag:s25] =	ssyncset.done $0x0  }
0x29c: {  	[sflag:s25] =	ssyncadd.s32 $0xFFFFFF80  }
.Ltmp6:
0x29d: {  	_ =	swait.ge [sflag:s25], $0x80;
	(pc) =	sbr.rel @p1 .LBB2_8-.Ltmp6, $4  }
0x29e: {  	[sflag:s25] =	ssyncset.done $0x0  }
0x29f: {  	[sflag:s25] =	ssyncadd.s32 $0xFFFFFF80  }
0x2a0: {  	_ =	swait.ge [sflag:s25], $0x80  }
0x2a1: {  	s12 =	smov.u32 s8;
	[sflag:s25] =	ssyncset.done $0x0  }
.Ltmp7:
0x2a2: {  	_ = 	snop;
	(pc) =	sbr.rel .LBB2_9-.Ltmp7, $1  }
0x2a3: {  	_ =	sdelay $0x3  }
.LBB2_11:
0x2a4: {  	_ =	sfence.sel $0x180000  }
0x2a5: {  	[bflag:$0x0] =	sbarrier.arrive $0xFFFF  }
0x2a6: {  	_ =	strace $0x90000047  }
0x2a7: {  	s0 =	stileid.u32;
	[bflag:$0x2] =	sbarrier.arrive $0xFFFF  }
0x2a8: {  	p0 =	sne.s32 s0, $0x0;
	s0 =	rddreg [dreg:$0x4]  }
0x2a9: {  	s0 =	sadd.s32 @!p0 $0x100000, s0  }
0x2aa: {  	[sflag:s0] =	ssyncadd.tile.s32 @!p0 $0x1;
	_ =	shalt  }
.Lfunc_end2:
_tile_overlayer_lowered:
.L_overlay_start_2:
0x2ab: {  	(tag) =	ssettag $0x2  }
0x2ac: {  	s0 =	rddreg [dreg:$0x0];
	s2 =	stileid.u32  }
0x2ad: {  	s1 =	rddreg [dreg:$0x1];
	p0 =	sne.s32 s2, $0x0  }
0x2ae: {  	s3 =	rddreg [dreg:$0x2];
	[bflag:$0x3] =	sbarrier.arrive $0xFFFF;
	s2 =	simm.s32 @!p0 $0x1C06  }
0x2af: {  	[timem:s3], [sflag:s2] =	dma.local @!p0 [hbm:s0], s1  }
0x2b0: {  	s0 =	simm.s32 @!p0 $0x6  }
0x2b1: {  	_ =	swait.ge @!p0 [sflag:s0], s1  }
0x2b2: {  	s1 =	ssub.s32 @!p0 $0x0, s1;
	[sflag:s0] =	ssyncset.done @!p0 $0x0  }
0x2b3: {  	[sflag:s0] =	ssyncadd.s32 @!p0 s1  }
0x2b4: {  	[bflag:$0x3] =	sbarrier.arrive $0xFFFF  }
0x2b5: {  	_ =	shalt  }

</sc_bundles>
